<compile_context>
chip_gen: v7x
topology: tpu7x:2x2x1
jax: 0.10.2.dev20260603
libtpu: 0.0.44.dev20260713+nightly
codegen_flags: <defaults>
</compile_context>

<pallas_src>
import functools

import jax
import jax.numpy as jnp
from jax import lax
from jax.experimental import pallas as pl
from jax.experimental.pallas import tpu as pltpu
from jax.experimental.pallas import tpu_sc as plsc

NUM_VOCAB = 1000
EMBED = 128
RESOLUTION = 32
B = 1024
L = 200
N = B * L

ND = RESOLUTION + 1
NP = 2 * RESOLUTION

LANES = 16
NC = 2
NS = 16
NW = NC * NS

ROWS_PER_W = N // NW
CHUNK = 128
NCHUNK = ROWS_PER_W // CHUNK

_mesh = plsc.VectorSubcoreMesh(core_axis_name="c", subcore_axis_name="s")


def _build_tables_body(dt_ref, p0_ref, p1_ref, p2_ref, dp2_ref, p01_ref):
    dp2 = dt_ref[...][:, None, :] + p2_ref[...][None, :, :]
    dp2_ref[...] = dp2.reshape(ND * NP, EMBED)
    p01 = p0_ref[...][:, None, :] + p1_ref[...][None, :, :]
    p01_ref[...] = p01.reshape(NP * NP, EMBED)


def _build_tables(dt, p0, p1, p2):
    return pl.pallas_call(
        _build_tables_body,
        out_shape=(
            jax.ShapeDtypeStruct((ND * NP, EMBED), jnp.float32),
            jax.ShapeDtypeStruct((NP * NP, EMBED), jnp.float32),
        ),
    )(dt, p0, p1, p2)


@functools.partial(
    pl.kernel,
    out_type=jax.ShapeDtypeStruct((N, EMBED), jnp.float32),
    mesh=_mesh,
    scratch_types=[
        pltpu.VMEM((2, 4, CHUNK), jnp.int32),
        pltpu.VMEM((2, CHUNK), jnp.int32),
        pltpu.VMEM((2, CHUNK), jnp.int32),
        pltpu.VMEM((2, CHUNK), jnp.int32),
        pltpu.VMEM((2, CHUNK, EMBED), jnp.float32),
        pltpu.VMEM((2, CHUNK, EMBED), jnp.float32),
        pltpu.VMEM((2, CHUNK, EMBED), jnp.float32),
        pltpu.SemaphoreType.DMA((2,)),
        pltpu.SemaphoreType.DMA((2,)),
        pltpu.SemaphoreType.DMA((2,)),
    ],
)
def _embed_sum_kernel(vidx_hbm, sidx_hbm, vtab_hbm, dp2_hbm, p01_hbm, out_hbm,
                      sidx_v, vidx_v, idp2_v, ip01_v, bufa, bufb, bufc,
                      semi, semg, semo):
    wid = lax.axis_index("s") * NC + lax.axis_index("c")

    def start_idx_dma(k, slot):
        gk = wid * NCHUNK + k
        pltpu.async_copy(vidx_hbm.at[pl.ds(gk * CHUNK, CHUNK)],
                         vidx_v.at[slot], semi.at[slot])
        pltpu.async_copy(sidx_hbm.at[gk], sidx_v.at[slot], semi.at[slot])

    def wait_idx_dma(slot):
        pltpu.make_async_copy(vidx_hbm.at[pl.ds(0, CHUNK)],
                              vidx_v.at[slot], semi.at[slot]).wait()
        pltpu.make_async_copy(sidx_hbm.at[0], sidx_v.at[slot],
                              semi.at[slot]).wait()

    def compute_idx(slot):
        for j in range(CHUNK // LANES):
            sl = pl.ds(j * LANES, LANES)
            idp2_v[slot, sl] = sidx_v[slot, 0, sl] * NP + sidx_v[slot, 3, sl]
            ip01_v[slot, sl] = sidx_v[slot, 1, sl] * NP + sidx_v[slot, 2, sl]

    def start_gathers(slot):
        pltpu.async_copy(vtab_hbm.at[vidx_v.at[slot]], bufa.at[slot],
                         semg.at[slot])
        pltpu.async_copy(dp2_hbm.at[idp2_v.at[slot]], bufb.at[slot],
                         semg.at[slot])
        pltpu.async_copy(p01_hbm.at[ip01_v.at[slot]], bufc.at[slot],
                         semg.at[slot])

    def wait_gathers(slot):
        pltpu.make_async_copy(vtab_hbm.at[vidx_v.at[slot]], bufa.at[slot],
                              semg.at[slot]).wait()
        pltpu.make_async_copy(dp2_hbm.at[idp2_v.at[slot]], bufb.at[slot],
                              semg.at[slot]).wait()
        pltpu.make_async_copy(p01_hbm.at[ip01_v.at[slot]], bufc.at[slot],
                              semg.at[slot]).wait()

    def wait_writeback(slot):
        pltpu.make_async_copy(bufa.at[slot], out_hbm.at[pl.ds(0, CHUNK)],
                              semo.at[slot]).wait()

    def sum_chunk(slot):
        @plsc.parallel_loop(0, CHUNK, unroll=2)
        def _row_body(r):
            xs = [bufb[slot, r, pl.ds(j * LANES, LANES)]
                  for j in range(EMBED // LANES)]
            ys = [bufc[slot, r, pl.ds(j * LANES, LANES)]
                  for j in range(EMBED // LANES)]
            for j in range(EMBED // LANES):
                plsc.addupdate(bufa.at[slot, r, pl.ds(j * LANES, LANES)],
                               xs[j] + ys[j])

    def half_step(k, slot):
        nxt = 1 - slot

        @pl.when(k + 1 < NCHUNK)
        def _prep_next():
            wait_idx_dma(nxt)
            compute_idx(nxt)

            @pl.when(k >= 1)
            def _drain_prev_writeback():
                wait_writeback(nxt)

            start_gathers(nxt)

        wait_gathers(slot)

        @pl.when(k + 2 < NCHUNK)
        def _prefetch_idx():
            start_idx_dma(k + 2, slot)

        sum_chunk(slot)

        gk = wid * NCHUNK + k
        pltpu.async_copy(bufa.at[slot], out_hbm.at[pl.ds(gk * CHUNK, CHUNK)],
                         semo.at[slot])

    start_idx_dma(0, 0)
    wait_idx_dma(0)
    compute_idx(0)
    start_gathers(0)
    start_idx_dma(1, 1)

    def pair_body(kk, carry):
        k = kk * 2
        half_step(k, 0)
        half_step(k + 1, 1)
        return carry

    lax.fori_loop(0, NCHUNK // 2, pair_body, 0)
    wait_writeback(0)
    wait_writeback(1)


def kernel(value, depth, position, value_table, depth_table, pos_table):
    vt = value_table.at[0].set(0.0)
    dp2, p01 = _build_tables(
        depth_table, pos_table[0], pos_table[1], pos_table[2]
    )

    vidx = value.reshape(N)
    sidx = jnp.stack(
        [
            depth.reshape(N),
            position[..., 0].reshape(N),
            position[..., 1].reshape(N),
            position[..., 2].reshape(N),
        ],
        axis=0,
    )
    sidx = sidx.reshape(4, N // CHUNK, CHUNK).transpose(1, 0, 2)

    out = _embed_sum_kernel(vidx, sidx, vt, dp2, p01)
    return out.reshape(B, L, EMBED)

# --- scband reference (transcript-rebuilt; emitter-appended) ---
"""Pipeline reference for scband-basic-embedding-a-40570261078412 (READ-ONLY COPY).

The authoritative reference and input builder live on the scoring server;
editing this copy changes nothing except your own understanding.
"""

import jax, jax.numpy as jnp
import numpy as np

NUM_VOCAB = 1000
EMBED_DIM = 128
RESOLUTION = 32
SPATIAL_DIM = 3
B = 1024
L = 200


def setup_inputs(seed: int = 0) -> dict:
    key = jax.random.key(seed)
    ks = jax.random.split(key, 6)
    value = jax.random.randint(ks[0], (B, L), 0, NUM_VOCAB + 1, dtype=jnp.int32)
    depth = jax.random.randint(ks[1], (B, L), 0, RESOLUTION + 1, dtype=jnp.int32)
    position = jax.random.randint(ks[2], (B, L, SPATIAL_DIM), 0, 2 * RESOLUTION, dtype=jnp.int32)
    value_table = jax.random.normal(ks[3], (NUM_VOCAB + 1, EMBED_DIM), dtype=jnp.float32) * 0.02
    # padding_idx=0: row 0 is zero and receives no gradient (torch nn.Embedding semantics)
    value_table = value_table.at[0].set(0.0)
    depth_table = jax.random.normal(ks[4], (RESOLUTION + 1, EMBED_DIM), dtype=jnp.float32) * 0.02
    pos_table = jax.random.normal(ks[5], (SPATIAL_DIM, 2 * RESOLUTION, EMBED_DIM), dtype=jnp.float32) * 0.02
    return {
        "value": value,
        "depth": depth,
        "position": position,
        "value_table": value_table,
        "depth_table": depth_table,
        "pos_table": pos_table,
    }


def reference(value, depth, position, value_table, depth_table, pos_table):
    # BasicEmbeddingA.forward == reduce(encoding(value, depth, position), ...) == encoding(value, depth, position)
    # encoding = summed embeddings of value tokens (padding_idx=0), depth tokens,
    # and per-axis spatial position tokens, as in the basic octree-transformer encoding.
    vt = value_table.at[0].set(0.0)  # enforce zero padding row / no grad through it
    x = jnp.take(vt, value, axis=0)                 # [B, L, E] gather
    x = x + jnp.take(depth_table, depth, axis=0)    # [B, L, E] gather
    for a in range(SPATIAL_DIM):
        x = x + jnp.take(pos_table[a], position[..., a], axis=0)
    return x

if __name__ == "__main__":
    import jax
    _d = setup_inputs()
    print(jax.jit(kernel)(*tuple(_d.values())))

</pallas_src>

<mosaic_0001>
#map = affine_map<(d0, d1) -> (0)>
#map1 = affine_map<(d0, d1) -> (0, 0, 0)>
#map2 = affine_map<(d0, d1) -> (0, 0)>
module attributes {stable_mosaic.version = 14 : i64} {
  func.func @_embed_sum_kernel(%arg0: i32, %arg1: i32, %arg2: memref<204800xi32, #tpu.memory_space<hbm>>, %arg3: memref<1600x4x128xi32, #tpu.memory_space<hbm>>, %arg4: memref<1001x128xf32, #tpu.memory_space<hbm>>, %arg5: memref<2112x128xf32, #tpu.memory_space<hbm>>, %arg6: memref<4096x128xf32, #tpu.memory_space<hbm>>, %arg7: memref<204800x128xf32, #tpu.memory_space<hbm>>, %arg8: memref<2x4x128xi32, #tpu.memory_space<vmem>>, %arg9: memref<2x128xi32, #tpu.memory_space<vmem>>, %arg10: memref<2x128xi32, #tpu.memory_space<vmem>>, %arg11: memref<2x128xi32, #tpu.memory_space<vmem>>, %arg12: memref<2x128x128xf32, #tpu.memory_space<vmem>>, %arg13: memref<2x128x128xf32, #tpu.memory_space<vmem>>, %arg14: memref<2x128x128xf32, #tpu.memory_space<vmem>>, %arg15: memref<2x!tpu.dma_semaphore, #tpu.memory_space<semaphore_mem>>, %arg16: memref<2x!tpu.dma_semaphore, #tpu.memory_space<semaphore_mem>>, %arg17: memref<2x!tpu.dma_semaphore, #tpu.memory_space<semaphore_mem>>) attributes {dimension_semantics = [#tpu.dimension_semantics<core_parallel>, #tpu.dimension_semantics<subcore_parallel>], iteration_bounds = array<i64: 2, 16>, scalar_prefetch = 0 : i64, scratch_operands = 10 : i64, tpu.core_type = #tpu.core_type<sc_vector_subcore>, window_params = [{transform_indices = #map}, {transform_indices = #map1}, {transform_indices = #map2}, {transform_indices = #map2}, {transform_indices = #map2}, {transform_indices = #map2}]} {
    %mul3A = arith.constant 2 : i32
    %mul3A_0 = arith.muli %arg1, %mul3A : i32
    %add3A = arith.addi %mul3A_0, %arg0 : i32
    %mul3A_1 = arith.constant 50 : i32
    %mul3A_2 = arith.muli %add3A, %mul3A_1 : i32
    %add3A_3 = arith.constant 0 : i32
    %add3A_4 = arith.addi %mul3A_2, %add3A_3 : i32
    %mul3A_5 = arith.constant 128 : i32
    %mul3A_6 = arith.muli %add3A_4, %mul3A_5 : i32
    %dma_start3A = arith.constant 0 : i32
    %dma_start3A_7 = arith.constant 0 : i32
    %dma_start3A_8 = arith.constant 0 : i32
    %dma_start3A_9 = tpu.memref_slice %arg9[%dma_start3A, %dma_start3A_8] : memref<2x128xi32, #tpu.memory_space<vmem>> -> memref<1x128xi32, #tpu.memory_space<vmem>>
    %dma_start3A_10 = tpu.memref_squeeze %dma_start3A_9 : memref<1x128xi32, #tpu.memory_space<vmem>> -> memref<128xi32, #tpu.memory_space<vmem>>
    %dma_start3A_11 = tpu.memref_slice %arg2[%mul3A_6] : memref<204800xi32, #tpu.memory_space<hbm>> -> memref<128xi32, #tpu.memory_space<hbm>>
    %dma_start3A_12 = tpu.memref_slice %arg15[%dma_start3A_7] : memref<2x!tpu.dma_semaphore, #tpu.memory_space<semaphore_mem>> -> memref<1x!tpu.dma_semaphore, #tpu.memory_space<semaphore_mem>>
    %dma_start3A_13 = tpu.memref_squeeze %dma_start3A_12 : memref<1x!tpu.dma_semaphore, #tpu.memory_space<semaphore_mem>> -> memref<!tpu.dma_semaphore, #tpu.memory_space<semaphore_mem>>
    %dma_start3A_14 = arith.constant 0 : i32
    %dma_start3A_15 = tpu.memref_slice %arg9[%dma_start3A, %dma_start3A_14] : memref<2x128xi32, #tpu.memory_space<vmem>> -> memref<1x128xi32, #tpu.memory_space<vmem>>
    %dma_start3A_16 = tpu.memref_squeeze %dma_start3A_15 : memref<1x128xi32, #tpu.memory_space<vmem>> -> memref<128xi32, #tpu.memory_space<vmem>>
    %dma_start3A_17 = tpu.memref_slice %arg2[%mul3A_6] : memref<204800xi32, #tpu.memory_space<hbm>> -> memref<128xi32, #tpu.memory_space<hbm>>
    tpu.enqueue_dma source(%dma_start3A_17 : memref<128xi32, #tpu.memory_space<hbm>>) target(%dma_start3A_16 : memref<128xi32, #tpu.memory_space<vmem>>) target_semaphore(%dma_start3A_13 : memref<!tpu.dma_semaphore, #tpu.memory_space<semaphore_mem>>)
    %dma_start3A_18 = arith.constant 0 : i32
    %dma_start3A_19 = arith.constant 0 : i32
    %dma_start3A_20 = arith.constant 0 : i32
    %dma_start3A_21 = arith.constant 0 : i32
    %dma_start3A_22 = tpu.memref_slice %arg8[%dma_start3A_18, %dma_start3A_20, %dma_start3A_21] : memref<2x4x128xi32, #tpu.memory_space<vmem>> -> memref<1x4x128xi32, #tpu.memory_space<vmem>>
    %dma_start3A_23 = tpu.memref_squeeze %dma_start3A_22 : memref<1x4x128xi32, #tpu.memory_space<vmem>> -> memref<4x128xi32, #tpu.memory_space<vmem>>
    %dma_start3A_24 = arith.constant 0 : i32
    %dma_start3A_25 = arith.constant 0 : i32
    %dma_start3A_26 = tpu.memref_slice %arg3[%add3A_4, %dma_start3A_24, %dma_start3A_25] : memref<1600x4x128xi32, #tpu.memory_space<hbm>> -> memref<1x4x128xi32, #tpu.memory_space<hbm>>
    %dma_start3A_27 = tpu.memref_squeeze %dma_start3A_26 : memref<1x4x128xi32, #tpu.memory_space<hbm>> -> memref<4x128xi32, #tpu.memory_space<hbm>>
    %dma_start3A_28 = tpu.memref_slice %arg15[%dma_start3A_19] : memref<2x!tpu.dma_semaphore, #tpu.memory_space<semaphore_mem>> -> memref<1x!tpu.dma_semaphore, #tpu.memory_space<semaphore_mem>>
    %dma_start3A_29 = tpu.memref_squeeze %dma_start3A_28 : memref<1x!tpu.dma_semaphore, #tpu.memory_space<semaphore_mem>> -> memref<!tpu.dma_semaphore, #tpu.memory_space<semaphore_mem>>
    %dma_start3A_30 = arith.constant 0 : i32
    %dma_start3A_31 = arith.constant 0 : i32
    %dma_start3A_32 = tpu.memref_slice %arg8[%dma_start3A_18, %dma_start3A_30, %dma_start3A_31] : memref<2x4x128xi32, #tpu.memory_space<vmem>> -> memref<1x4x128xi32, #tpu.memory_space<vmem>>
    %dma_start3A_33 = tpu.memref_squeeze %dma_start3A_32 : memref<1x4x128xi32, #tpu.memory_space<vmem>> -> memref<4x128xi32, #tpu.memory_space<vmem>>
    %dma_start3A_34 = arith.constant 0 : i32
    %dma_start3A_35 = arith.constant 0 : i32
    %dma_start3A_36 = tpu.memref_slice %arg3[%add3A_4, %dma_start3A_34, %dma_start3A_35] : memref<1600x4x128xi32, #tpu.memory_space<hbm>> -> memref<1x4x128xi32, #tpu.memory_space<hbm>>
    %dma_start3A_37 = tpu.memref_squeeze %dma_start3A_36 : memref<1x4x128xi32, #tpu.memory_space<hbm>> -> memref<4x128xi32, #tpu.memory_space<hbm>>
    tpu.enqueue_dma source(%dma_start3A_37 : memref<4x128xi32, #tpu.memory_space<hbm>>) target(%dma_start3A_33 : memref<4x128xi32, #tpu.memory_space<vmem>>) target_semaphore(%dma_start3A_29 : memref<!tpu.dma_semaphore, #tpu.memory_space<semaphore_mem>>)
    %dma_wait3A = arith.constant 0 : i32
    %dma_wait3A_38 = arith.constant 0 : i32
    %dma_wait3A_39 = arith.constant 0 : i32
    %dma_wait3A_40 = tpu.memref_slice %arg9[%dma_wait3A, %dma_wait3A_39] : memref<2x128xi32, #tpu.memory_space<vmem>> -> memref<1x128xi32, #tpu.memory_space<vmem>>
    %dma_wait3A_41 = tpu.memref_squeeze %dma_wait3A_40 : memref<1x128xi32, #tpu.memory_space<vmem>> -> memref<128xi32, #tpu.memory_space<vmem>>
    %dma_wait3A_42 = arith.constant 0 : i32
    %dma_wait3A_43 = tpu.memref_slice %arg2[%dma_wait3A_42] : memref<204800xi32, #tpu.memory_space<hbm>> -> memref<128xi32, #tpu.memory_space<hbm>>
    %dma_wait3A_44 = tpu.memref_slice %arg15[%dma_wait3A_38] : memref<2x!tpu.dma_semaphore, #tpu.memory_space<semaphore_mem>> -> memref<1x!tpu.dma_semaphore, #tpu.memory_space<semaphore_mem>>
    %dma_wait3A_45 = tpu.memref_squeeze %dma_wait3A_44 : memref<1x!tpu.dma_semaphore, #tpu.memory_space<semaphore_mem>> -> memref<!tpu.dma_semaphore, #tpu.memory_space<semaphore_mem>>
    %dma_wait3A_46 = arith.constant 0 : i32
    %dma_wait3A_47 = tpu.memref_slice %arg9[%dma_wait3A, %dma_wait3A_46] : memref<2x128xi32, #tpu.memory_space<vmem>> -> memref<1x128xi32, #tpu.memory_space<vmem>>
    %dma_wait3A_48 = tpu.memref_squeeze %dma_wait3A_47 : memref<1x128xi32, #tpu.memory_space<vmem>> -> memref<128xi32, #tpu.memory_space<vmem>>
    %dma_wait3A_49 = arith.constant 0 : i32
    %dma_wait3A_50 = tpu.memref_slice %arg2[%dma_wait3A_49] : memref<204800xi32, #tpu.memory_space<hbm>> -> memref<128xi32, #tpu.memory_space<hbm>>
    tpu.wait_dma2 semaphore(%dma_wait3A_45 : memref<!tpu.dma_semaphore, #tpu.memory_space<semaphore_mem>>) src(%dma_wait3A_50 : memref<128xi32, #tpu.memory_space<hbm>>) dst(%dma_wait3A_48 : memref<128xi32, #tpu.memory_space<vmem>>)
    %dma_wait3A_51 = arith.constant 0 : i32
    %dma_wait3A_52 = arith.constant 0 : i32
    %dma_wait3A_53 = arith.constant 0 : i32
    %dma_wait3A_54 = arith.constant 0 : i32
    %dma_wait3A_55 = arith.constant 0 : i32
    %dma_wait3A_56 = tpu.memref_slice %arg8[%dma_wait3A_52, %dma_wait3A_54, %dma_wait3A_55] : memref<2x4x128xi32, #tpu.memory_space<vmem>> -> memref<1x4x128xi32, #tpu.memory_space<vmem>>
    %dma_wait3A_57 = tpu.memref_squeeze %dma_wait3A_56 : memref<1x4x128xi32, #tpu.memory_space<vmem>> -> memref<4x128xi32, #tpu.memory_space<vmem>>
    %dma_wait3A_58 = arith.constant 0 : i32
    %dma_wait3A_59 = arith.constant 0 : i32
    %dma_wait3A_60 = tpu.memref_slice %arg3[%dma_wait3A_51, %dma_wait3A_58, %dma_wait3A_59] : memref<1600x4x128xi32, #tpu.memory_space<hbm>> -> memref<1x4x128xi32, #tpu.memory_space<hbm>>
    %dma_wait3A_61 = tpu.memref_squeeze %dma_wait3A_60 : memref<1x4x128xi32, #tpu.memory_space<hbm>> -> memref<4x128xi32, #tpu.memory_space<hbm>>
    %dma_wait3A_62 = tpu.memref_slice %arg15[%dma_wait3A_53] : memref<2x!tpu.dma_semaphore, #tpu.memory_space<semaphore_mem>> -> memref<1x!tpu.dma_semaphore, #tpu.memory_space<semaphore_mem>>
    %dma_wait3A_63 = tpu.memref_squeeze %dma_wait3A_62 : memref<1x!tpu.dma_semaphore, #tpu.memory_space<semaphore_mem>> -> memref<!tpu.dma_semaphore, #tpu.memory_space<semaphore_mem>>
    %dma_wait3A_64 = arith.constant 0 : i32
    %dma_wait3A_65 = arith.constant 0 : i32
    %dma_wait3A_66 = tpu.memref_slice %arg8[%dma_wait3A_52, %dma_wait3A_64, %dma_wait3A_65] : memref<2x4x128xi32, #tpu.memory_space<vmem>> -> memref<1x4x128xi32, #tpu.memory_space<vmem>>
    %dma_wait3A_67 = tpu.memref_squeeze %dma_wait3A_66 : memref<1x4x128xi32, #tpu.memory_space<vmem>> -> memref<4x128xi32, #tpu.memory_space<vmem>>
    %dma_wait3A_68 = arith.constant 0 : i32
    %dma_wait3A_69 = arith.constant 0 : i32
    %dma_wait3A_70 = tpu.memref_slice %arg3[%dma_wait3A_51, %dma_wait3A_68, %dma_wait3A_69] : memref<1600x4x128xi32, #tpu.memory_space<hbm>> -> memref<1x4x128xi32, #tpu.memory_space<hbm>>
    %dma_wait3A_71 = tpu.memref_squeeze %dma_wait3A_70 : memref<1x4x128xi32, #tpu.memory_space<hbm>> -> memref<4x128xi32, #tpu.memory_space<hbm>>
    tpu.wait_dma2 semaphore(%dma_wait3A_63 : memref<!tpu.dma_semaphore, #tpu.memory_space<semaphore_mem>>) src(%dma_wait3A_71 : memref<4x128xi32, #tpu.memory_space<hbm>>) dst(%dma_wait3A_67 : memref<4x128xi32, #tpu.memory_space<vmem>>)
    %get3A = arith.constant 0 : i32
    %get3A_72 = arith.constant 0 : i32
    %get3A_73 = arith.index_cast %get3A : i32 to index
    %get3A_74 = arith.index_cast %get3A_72 : i32 to index
    %get3A_75 = arith.constant 0 : index
    %get3A_76 = tpu.vector_load %arg8[%get3A_73, %get3A_74, %get3A_75] {strides = array<i32>} : memref<2x4x128xi32, #tpu.memory_space<vmem>>, vector<1x1x16xi32>,
    %get3A_77 = vector.shape_cast %get3A_76 : vector<1x1x16xi32> to vector<16xi32>
    %mul3A_78 = arith.constant 64 : i32
    %mul3A_79 = vector.broadcast %mul3A_78 : i32 to vector<16xi32>
    %mul3A_80 = arith.muli %get3A_77, %mul3A_79 : vector<16xi32>
    %get3A_81 = arith.constant 0 : i32
    %get3A_82 = arith.constant 3 : i32
    %get3A_83 = arith.index_cast %get3A_81 : i32 to index
    %get3A_84 = arith.index_cast %get3A_82 : i32 to index
    %get3A_85 = arith.constant 0 : index
    %get3A_86 = tpu.vector_load %arg8[%get3A_83, %get3A_84, %get3A_85] {strides = array<i32>} : memref<2x4x128xi32, #tpu.memory_space<vmem>>, vector<1x1x16xi32>,
    %get3A_87 = vector.shape_cast %get3A_86 : vector<1x1x16xi32> to vector<16xi32>
    %add3A_88 = arith.addi %mul3A_80, %get3A_87 : vector<16xi32>
    %swap3A = arith.constant 0 : i32
    %swap3A_89 = arith.index_cast %swap3A : i32 to index
    %swap3A_90 = arith.constant 0 : index
    %swap3A_91 = tpu.vector_load %arg10[%swap3A_89, %swap3A_90] {strides = array<i32>} : memref<2x128xi32, #tpu.memory_space<vmem>>, vector<1x16xi32>,
    %swap3A_92 = vector.shape_cast %swap3A_91 : vector<1x16xi32> to vector<16xi32>
    %swap3A_93 = vector.shape_cast %add3A_88 : vector<16xi32> to vector<1x16xi32>
    tpu.vector_store %arg10[%swap3A_89, %swap3A_90], %swap3A_93 {strides = array<i32>} : memref<2x128xi32, #tpu.memory_space<vmem>>, vector<1x16xi32>,
    %get3A_94 = arith.constant 0 : i32
    %get3A_95 = arith.constant 1 : i32
    %get3A_96 = arith.index_cast %get3A_94 : i32 to index
    %get3A_97 = arith.index_cast %get3A_95 : i32 to index
    %get3A_98 = arith.constant 0 : index
    %get3A_99 = tpu.vector_load %arg8[%get3A_96, %get3A_97, %get3A_98] {strides = array<i32>} : memref<2x4x128xi32, #tpu.memory_space<vmem>>, vector<1x1x16xi32>,
    %get3A_100 = vector.shape_cast %get3A_99 : vector<1x1x16xi32> to vector<16xi32>
    %mul3A_101 = arith.constant 64 : i32
    %mul3A_102 = vector.broadcast %mul3A_101 : i32 to vector<16xi32>
    %mul3A_103 = arith.muli %get3A_100, %mul3A_102 : vector<16xi32>
    %get3A_104 = arith.constant 0 : i32
    %get3A_105 = arith.constant 2 : i32
    %get3A_106 = arith.index_cast %get3A_104 : i32 to index
    %get3A_107 = arith.index_cast %get3A_105 : i32 to index
    %get3A_108 = arith.constant 0 : index
    %get3A_109 = tpu.vector_load %arg8[%get3A_106, %get3A_107, %get3A_108] {strides = array<i32>} : memref<2x4x128xi32, #tpu.memory_space<vmem>>, vector<1x1x16xi32>,
    %get3A_110 = vector.shape_cast %get3A_109 : vector<1x1x16xi32> to vector<16xi32>
    %add3A_111 = arith.addi %mul3A_103, %get3A_110 : vector<16xi32>
    %swap3A_112 = arith.constant 0 : i32
    %swap3A_113 = arith.index_cast %swap3A_112 : i32 to index
    %swap3A_114 = arith.constant 0 : index
    %swap3A_115 = tpu.vector_load %arg11[%swap3A_113, %swap3A_114] {strides = array<i32>} : memref<2x128xi32, #tpu.memory_space<vmem>>, vector<1x16xi32>,
    %swap3A_116 = vector.shape_cast %swap3A_115 : vector<1x16xi32> to vector<16xi32>
    %swap3A_117 = vector.shape_cast %add3A_111 : vector<16xi32> to vector<1x16xi32>
    tpu.vector_store %arg11[%swap3A_113, %swap3A_114], %swap3A_117 {strides = array<i32>} : memref<2x128xi32, #tpu.memory_space<vmem>>, vector<1x16xi32>,
    %get3A_118 = arith.constant 0 : i32
    %get3A_119 = arith.constant 0 : i32
    %get3A_120 = arith.index_cast %get3A_118 : i32 to index
    %get3A_121 = arith.index_cast %get3A_119 : i32 to index
    %get3A_122 = arith.constant 16 : index
    %get3A_123 = tpu.vector_load %arg8[%get3A_120, %get3A_121, %get3A_122] {strides = array<i32>} : memref<2x4x128xi32, #tpu.memory_space<vmem>>, vector<1x1x16xi32>,
    %get3A_124 = vector.shape_cast %get3A_123 : vector<1x1x16xi32> to vector<16xi32>
    %mul3A_125 = arith.constant 64 : i32
    %mul3A_126 = vector.broadcast %mul3A_125 : i32 to vector<16xi32>
    %mul3A_127 = arith.muli %get3A_124, %mul3A_126 : vector<16xi32>
    %get3A_128 = arith.constant 0 : i32
    %get3A_129 = arith.constant 3 : i32
    %get3A_130 = arith.index_cast %get3A_128 : i32 to index
    %get3A_131 = arith.index_cast %get3A_129 : i32 to index
    %get3A_132 = arith.constant 16 : index
    %get3A_133 = tpu.vector_load %arg8[%get3A_130, %get3A_131, %get3A_132] {strides = array<i32>} : memref<2x4x128xi32, #tpu.memory_space<vmem>>, vector<1x1x16xi32>,
    %get3A_134 = vector.shape_cast %get3A_133 : vector<1x1x16xi32> to vector<16xi32>
    %add3A_135 = arith.addi %mul3A_127, %get3A_134 : vector<16xi32>
    %swap3A_136 = arith.constant 0 : i32
    %swap3A_137 = arith.index_cast %swap3A_136 : i32 to index
    %swap3A_138 = arith.constant 16 : index
    %swap3A_139 = tpu.vector_load %arg10[%swap3A_137, %swap3A_138] {strides = array<i32>} : memref<2x128xi32, #tpu.memory_space<vmem>>, vector<1x16xi32>,
    %swap3A_140 = vector.shape_cast %swap3A_139 : vector<1x16xi32> to vector<16xi32>
    %swap3A_141 = vector.shape_cast %add3A_135 : vector<16xi32> to vector<1x16xi32>
    tpu.vector_store %arg10[%swap3A_137, %swap3A_138], %swap3A_141 {strides = array<i32>} : memref<2x128xi32, #tpu.memory_space<vmem>>, vector<1x16xi32>,
    %get3A_142 = arith.constant 0 : i32
    %get3A_143 = arith.constant 1 : i32
    %get3A_144 = arith.index_cast %get3A_142 : i32 to index
    %get3A_145 = arith.index_cast %get3A_143 : i32 to index
    %get3A_146 = arith.constant 16 : index
    %get3A_147 = tpu.vector_load %arg8[%get3A_144, %get3A_145, %get3A_146] {strides = array<i32>} : memref<2x4x128xi32, #tpu.memory_space<vmem>>, vector<1x1x16xi32>,
    %get3A_148 = vector.shape_cast %get3A_147 : vector<1x1x16xi32> to vector<16xi32>
    %mul3A_149 = arith.constant 64 : i32
    %mul3A_150 = vector.broadcast %mul3A_149 : i32 to vector<16xi32>
    %mul3A_151 = arith.muli %get3A_148, %mul3A_150 : vector<16xi32>
    %get3A_152 = arith.constant 0 : i32
    %get3A_153 = arith.constant 2 : i32
    %get3A_154 = arith.index_cast %get3A_152 : i32 to index
    %get3A_155 = arith.index_cast %get3A_153 : i32 to index
    %get3A_156 = arith.constant 16 : index
    %get3A_157 = tpu.vector_load %arg8[%get3A_154, %get3A_155, %get3A_156] {strides = array<i32>} : memref<2x4x128xi32, #tpu.memory_space<vmem>>, vector<1x1x16xi32>,
    %get3A_158 = vector.shape_cast %get3A_157 : vector<1x1x16xi32> to vector<16xi32>
    %add3A_159 = arith.addi %mul3A_151, %get3A_158 : vector<16xi32>
    %swap3A_160 = arith.constant 0 : i32
    %swap3A_161 = arith.index_cast %swap3A_160 : i32 to index
    %swap3A_162 = arith.constant 16 : index
    %swap3A_163 = tpu.vector_load %arg11[%swap3A_161, %swap3A_162] {strides = array<i32>} : memref<2x128xi32, #tpu.memory_space<vmem>>, vector<1x16xi32>,
    %swap3A_164 = vector.shape_cast %swap3A_163 : vector<1x16xi32> to vector<16xi32>
    %swap3A_165 = vector.shape_cast %add3A_159 : vector<16xi32> to vector<1x16xi32>
    tpu.vector_store %arg11[%swap3A_161, %swap3A_162], %swap3A_165 {strides = array<i32>} : memref<2x128xi32, #tpu.memory_space<vmem>>, vector<1x16xi32>,
    %get3A_166 = arith.constant 0 : i32
    %get3A_167 = arith.constant 0 : i32
    %get3A_168 = arith.index_cast %get3A_166 : i32 to index
    %get3A_169 = arith.index_cast %get3A_167 : i32 to index
    %get3A_170 = arith.constant 32 : index
    %get3A_171 = tpu.vector_load %arg8[%get3A_168, %get3A_169, %get3A_170] {strides = array<i32>} : memref<2x4x128xi32, #tpu.memory_space<vmem>>, vector<1x1x16xi32>,
    %get3A_172 = vector.shape_cast %get3A_171 : vector<1x1x16xi32> to vector<16xi32>
    %mul3A_173 = arith.constant 64 : i32
    %mul3A_174 = vector.broadcast %mul3A_173 : i32 to vector<16xi32>
    %mul3A_175 = arith.muli %get3A_172, %mul3A_174 : vector<16xi32>
    %get3A_176 = arith.constant 0 : i32
    %get3A_177 = arith.constant 3 : i32
    %get3A_178 = arith.index_cast %get3A_176 : i32 to index
    %get3A_179 = arith.index_cast %get3A_177 : i32 to index
    %get3A_180 = arith.constant 32 : index
    %get3A_181 = tpu.vector_load %arg8[%get3A_178, %get3A_179, %get3A_180] {strides = array<i32>} : memref<2x4x128xi32, #tpu.memory_space<vmem>>, vector<1x1x16xi32>,
    %get3A_182 = vector.shape_cast %get3A_181 : vector<1x1x16xi32> to vector<16xi32>
    %add3A_183 = arith.addi %mul3A_175, %get3A_182 : vector<16xi32>
    %swap3A_184 = arith.constant 0 : i32
    %swap3A_185 = arith.index_cast %swap3A_184 : i32 to index
    %swap3A_186 = arith.constant 32 : index
    %swap3A_187 = tpu.vector_load %arg10[%swap3A_185, %swap3A_186] {strides = array<i32>} : memref<2x128xi32, #tpu.memory_space<vmem>>, vector<1x16xi32>,
    %swap3A_188 = vector.shape_cast %swap3A_187 : vector<1x16xi32> to vector<16xi32>
    %swap3A_189 = vector.shape_cast %add3A_183 : vector<16xi32> to vector<1x16xi32>
    tpu.vector_store %arg10[%swap3A_185, %swap3A_186], %swap3A_189 {strides = array<i32>} : memref<2x128xi32, #tpu.memory_space<vmem>>, vector<1x16xi32>,
    %get3A_190 = arith.constant 0 : i32
    %get3A_191 = arith.constant 1 : i32
    %get3A_192 = arith.index_cast %get3A_190 : i32 to index
    %get3A_193 = arith.index_cast %get3A_191 : i32 to index
    %get3A_194 = arith.constant 32 : index
    %get3A_195 = tpu.vector_load %arg8[%get3A_192, %get3A_193, %get3A_194] {strides = array<i32>} : memref<2x4x128xi32, #tpu.memory_space<vmem>>, vector<1x1x16xi32>,
    %get3A_196 = vector.shape_cast %get3A_195 : vector<1x1x16xi32> to vector<16xi32>
    %mul3A_197 = arith.constant 64 : i32
    %mul3A_198 = vector.broadcast %mul3A_197 : i32 to vector<16xi32>
    %mul3A_199 = arith.muli %get3A_196, %mul3A_198 : vector<16xi32>
    %get3A_200 = arith.constant 0 : i32
    %get3A_201 = arith.constant 2 : i32
    %get3A_202 = arith.index_cast %get3A_200 : i32 to index
    %get3A_203 = arith.index_cast %get3A_201 : i32 to index
    %get3A_204 = arith.constant 32 : index
    %get3A_205 = tpu.vector_load %arg8[%get3A_202, %get3A_203, %get3A_204] {strides = array<i32>} : memref<2x4x128xi32, #tpu.memory_space<vmem>>, vector<1x1x16xi32>,
    %get3A_206 = vector.shape_cast %get3A_205 : vector<1x1x16xi32> to vector<16xi32>
    %add3A_207 = arith.addi %mul3A_199, %get3A_206 : vector<16xi32>
    %swap3A_208 = arith.constant 0 : i32
    %swap3A_209 = arith.index_cast %swap3A_208 : i32 to index
    %swap3A_210 = arith.constant 32 : index
    %swap3A_211 = tpu.vector_load %arg11[%swap3A_209, %swap3A_210] {strides = array<i32>} : memref<2x128xi32, #tpu.memory_space<vmem>>, vector<1x16xi32>,
    %swap3A_212 = vector.shape_cast %swap3A_211 : vector<1x16xi32> to vector<16xi32>
    %swap3A_213 = vector.shape_cast %add3A_207 : vector<16xi32> to vector<1x16xi32>
    tpu.vector_store %arg11[%swap3A_209, %swap3A_210], %swap3A_213 {strides = array<i32>} : memref<2x128xi32, #tpu.memory_space<vmem>>, vector<1x16xi32>,
    %get3A_214 = arith.constant 0 : i32
    %get3A_215 = arith.constant 0 : i32
    %get3A_216 = arith.index_cast %get3A_214 : i32 to index
    %get3A_217 = arith.index_cast %get3A_215 : i32 to index
    %get3A_218 = arith.constant 48 : index
    %get3A_219 = tpu.vector_load %arg8[%get3A_216, %get3A_217, %get3A_218] {strides = array<i32>} : memref<2x4x128xi32, #tpu.memory_space<vmem>>, vector<1x1x16xi32>,
    %get3A_220 = vector.shape_cast %get3A_219 : vector<1x1x16xi32> to vector<16xi32>
    %mul3A_221 = arith.constant 64 : i32
    %mul3A_222 = vector.broadcast %mul3A_221 : i32 to vector<16xi32>
    %mul3A_223 = arith.muli %get3A_220, %mul3A_222 : vector<16xi32>
    %get3A_224 = arith.constant 0 : i32
    %get3A_225 = arith.constant 3 : i32
    %get3A_226 = arith.index_cast %get3A_224 : i32 to index
    %get3A_227 = arith.index_cast %get3A_225 : i32 to index
    %get3A_228 = arith.constant 48 : index
    %get3A_229 = tpu.vector_load %arg8[%get3A_226, %get3A_227, %get3A_228] {strides = array<i32>} : memref<2x4x128xi32, #tpu.memory_space<vmem>>, vector<1x1x16xi32>,
    %get3A_230 = vector.shape_cast %get3A_229 : vector<1x1x16xi32> to vector<16xi32>
    %add3A_231 = arith.addi %mul3A_223, %get3A_230 : vector<16xi32>
    %swap3A_232 = arith.constant 0 : i32
    %swap3A_233 = arith.index_cast %swap3A_232 : i32 to index
    %swap3A_234 = arith.constant 48 : index
    %swap3A_235 = tpu.vector_load %arg10[%swap3A_233, %swap3A_234] {strides = array<i32>} : memref<2x128xi32, #tpu.memory_space<vmem>>, vector<1x16xi32>,
    %swap3A_236 = vector.shape_cast %swap3A_235 : vector<1x16xi32> to vector<16xi32>
    %swap3A_237 = vector.shape_cast %add3A_231 : vector<16xi32> to vector<1x16xi32>
    tpu.vector_store %arg10[%swap3A_233, %swap3A_234], %swap3A_237 {strides = array<i32>} : memref<2x128xi32, #tpu.memory_space<vmem>>, vector<1x16xi32>,
    %get3A_238 = arith.constant 0 : i32
    %get3A_239 = arith.constant 1 : i32
    %get3A_240 = arith.index_cast %get3A_238 : i32 to index
    %get3A_241 = arith.index_cast %get3A_239 : i32 to index
    %get3A_242 = arith.constant 48 : index
    %get3A_243 = tpu.vector_load %arg8[%get3A_240, %get3A_241, %get3A_242] {strides = array<i32>} : memref<2x4x128xi32, #tpu.memory_space<vmem>>, vector<1x1x16xi32>,
    %get3A_244 = vector.shape_cast %get3A_243 : vector<1x1x16xi32> to vector<16xi32>
    %mul3A_245 = arith.constant 64 : i32
    %mul3A_246 = vector.broadcast %mul3A_245 : i32 to vector<16xi32>
    %mul3A_247 = arith.muli %get3A_244, %mul3A_246 : vector<16xi32>
    %get3A_248 = arith.constant 0 : i32
    %get3A_249 = arith.constant 2 : i32
    %get3A_250 = arith.index_cast %get3A_248 : i32 to index
    %get3A_251 = arith.index_cast %get3A_249 : i32 to index
    %get3A_252 = arith.constant 48 : index
    %get3A_253 = tpu.vector_load %arg8[%get3A_250, %get3A_251, %get3A_252] {strides = array<i32>} : memref<2x4x128xi32, #tpu.memory_space<vmem>>, vector<1x1x16xi32>,
    %get3A_254 = vector.shape_cast %get3A_253 : vector<1x1x16xi32> to vector<16xi32>
    %add3A_255 = arith.addi %mul3A_247, %get3A_254 : vector<16xi32>
    %swap3A_256 = arith.constant 0 : i32
    %swap3A_257 = arith.index_cast %swap3A_256 : i32 to index
    %swap3A_258 = arith.constant 48 : index
    %swap3A_259 = tpu.vector_load %arg11[%swap3A_257, %swap3A_258] {strides = array<i32>} : memref<2x128xi32, #tpu.memory_space<vmem>>, vector<1x16xi32>,
    %swap3A_260 = vector.shape_cast %swap3A_259 : vector<1x16xi32> to vector<16xi32>
    %swap3A_261 = vector.shape_cast %add3A_255 : vector<16xi32> to vector<1x16xi32>
    tpu.vector_store %arg11[%swap3A_257, %swap3A_258], %swap3A_261 {strides = array<i32>} : memref<2x128xi32, #tpu.memory_space<vmem>>, vector<1x16xi32>,
    %get3A_262 = arith.constant 0 : i32
    %get3A_263 = arith.constant 0 : i32
    %get3A_264 = arith.index_cast %get3A_262 : i32 to index
    %get3A_265 = arith.index_cast %get3A_263 : i32 to index
    %get3A_266 = arith.constant 64 : index
    %get3A_267 = tpu.vector_load %arg8[%get3A_264, %get3A_265, %get3A_266] {strides = array<i32>} : memref<2x4x128xi32, #tpu.memory_space<vmem>>, vector<1x1x16xi32>,
    %get3A_268 = vector.shape_cast %get3A_267 : vector<1x1x16xi32> to vector<16xi32>
    %mul3A_269 = arith.constant 64 : i32
    %mul3A_270 = vector.broadcast %mul3A_269 : i32 to vector<16xi32>
    %mul3A_271 = arith.muli %get3A_268, %mul3A_270 : vector<16xi32>
    %get3A_272 = arith.constant 0 : i32
    %get3A_273 = arith.constant 3 : i32
    %get3A_274 = arith.index_cast %get3A_272 : i32 to index
    %get3A_275 = arith.index_cast %get3A_273 : i32 to index
    %get3A_276 = arith.constant 64 : index
    %get3A_277 = tpu.vector_load %arg8[%get3A_274, %get3A_275, %get3A_276] {strides = array<i32>} : memref<2x4x128xi32, #tpu.memory_space<vmem>>, vector<1x1x16xi32>,
    %get3A_278 = vector.shape_cast %get3A_277 : vector<1x1x16xi32> to vector<16xi32>
    %add3A_279 = arith.addi %mul3A_271, %get3A_278 : vector<16xi32>
    %swap3A_280 = arith.constant 0 : i32
    %swap3A_281 = arith.index_cast %swap3A_280 : i32 to index
    %swap3A_282 = arith.constant 64 : index
    %swap3A_283 = tpu.vector_load %arg10[%swap3A_281, %swap3A_282] {strides = array<i32>} : memref<2x128xi32, #tpu.memory_space<vmem>>, vector<1x16xi32>,
    %swap3A_284 = vector.shape_cast %swap3A_283 : vector<1x16xi32> to vector<16xi32>
    %swap3A_285 = vector.shape_cast %add3A_279 : vector<16xi32> to vector<1x16xi32>
    tpu.vector_store %arg10[%swap3A_281, %swap3A_282], %swap3A_285 {strides = array<i32>} : memref<2x128xi32, #tpu.memory_space<vmem>>, vector<1x16xi32>,
    %get3A_286 = arith.constant 0 : i32
    %get3A_287 = arith.constant 1 : i32
    %get3A_288 = arith.index_cast %get3A_286 : i32 to index
    %get3A_289 = arith.index_cast %get3A_287 : i32 to index
    %get3A_290 = arith.constant 64 : index
    %get3A_291 = tpu.vector_load %arg8[%get3A_288, %get3A_289, %get3A_290] {strides = array<i32>} : memref<2x4x128xi32, #tpu.memory_space<vmem>>, vector<1x1x16xi32>,
    %get3A_292 = vector.shape_cast %get3A_291 : vector<1x1x16xi32> to vector<16xi32>
    %mul3A_293 = arith.constant 64 : i32
    %mul3A_294 = vector.broadcast %mul3A_293 : i32 to vector<16xi32>
    %mul3A_295 = arith.muli %get3A_292, %mul3A_294 : vector<16xi32>
    %get3A_296 = arith.constant 0 : i32
    %get3A_297 = arith.constant 2 : i32
    %get3A_298 = arith.index_cast %get3A_296 : i32 to index
    %get3A_299 = arith.index_cast %get3A_297 : i32 to index
    %get3A_300 = arith.constant 64 : index
    %get3A_301 = tpu.vector_load %arg8[%get3A_298, %get3A_299, %get3A_300] {strides = array<i32>} : memref<2x4x128xi32, #tpu.memory_space<vmem>>, vector<1x1x16xi32>,
    %get3A_302 = vector.shape_cast %get3A_301 : vector<1x1x16xi32> to vector<16xi32>
    %add3A_303 = arith.addi %mul3A_295, %get3A_302 : vector<16xi32>
    %swap3A_304 = arith.constant 0 : i32
    %swap3A_305 = arith.index_cast %swap3A_304 : i32 to index
    %swap3A_306 = arith.constant 64 : index
    %swap3A_307 = tpu.vector_load %arg11[%swap3A_305, %swap3A_306] {strides = array<i32>} : memref<2x128xi32, #tpu.memory_space<vmem>>, vector<1x16xi32>,
    %swap3A_308 = vector.shape_cast %swap3A_307 : vector<1x16xi32> to vector<16xi32>
    %swap3A_309 = vector.shape_cast %add3A_303 : vector<16xi32> to vector<1x16xi32>
    tpu.vector_store %arg11[%swap3A_305, %swap3A_306], %swap3A_309 {strides = array<i32>} : memref<2x128xi32, #tpu.memory_space<vmem>>, vector<1x16xi32>,
    %get3A_310 = arith.constant 0 : i32
    %get3A_311 = arith.constant 0 : i32
    %get3A_312 = arith.index_cast %get3A_310 : i32 to index
    %get3A_313 = arith.index_cast %get3A_311 : i32 to index
    %get3A_314 = arith.constant 80 : index
    %get3A_315 = tpu.vector_load %arg8[%get3A_312, %get3A_313, %get3A_314] {strides = array<i32>} : memref<2x4x128xi32, #tpu.memory_space<vmem>>, vector<1x1x16xi32>,
    %get3A_316 = vector.shape_cast %get3A_315 : vector<1x1x16xi32> to vector<16xi32>
    %mul3A_317 = arith.constant 64 : i32
    %mul3A_318 = vector.broadcast %mul3A_317 : i32 to vector<16xi32>
    %mul3A_319 = arith.muli %get3A_316, %mul3A_318 : vector<16xi32>
    %get3A_320 = arith.constant 0 : i32
    %get3A_321 = arith.constant 3 : i32
    %get3A_322 = arith.index_cast %get3A_320 : i32 to index
    %get3A_323 = arith.index_cast %get3A_321 : i32 to index
    %get3A_324 = arith.constant 80 : index
    %get3A_325 = tpu.vector_load %arg8[%get3A_322, %get3A_323, %get3A_324] {strides = array<i32>} : memref<2x4x128xi32, #tpu.memory_space<vmem>>, vector<1x1x16xi32>,
    %get3A_326 = vector.shape_cast %get3A_325 : vector<1x1x16xi32> to vector<16xi32>
    %add3A_327 = arith.addi %mul3A_319, %get3A_326 : vector<16xi32>
    %swap3A_328 = arith.constant 0 : i32
    %swap3A_329 = arith.index_cast %swap3A_328 : i32 to index
    %swap3A_330 = arith.constant 80 : index
    %swap3A_331 = tpu.vector_load %arg10[%swap3A_329, %swap3A_330] {strides = array<i32>} : memref<2x128xi32, #tpu.memory_space<vmem>>, vector<1x16xi32>,
    %swap3A_332 = vector.shape_cast %swap3A_331 : vector<1x16xi32> to vector<16xi32>
    %swap3A_333 = vector.shape_cast %add3A_327 : vector<16xi32> to vector<1x16xi32>
    tpu.vector_store %arg10[%swap3A_329, %swap3A_330], %swap3A_333 {strides = array<i32>} : memref<2x128xi32, #tpu.memory_space<vmem>>, vector<1x16xi32>,
    %get3A_334 = arith.constant 0 : i32
    %get3A_335 = arith.constant 1 : i32
    %get3A_336 = arith.index_cast %get3A_334 : i32 to index
    %get3A_337 = arith.index_cast %get3A_335 : i32 to index
    %get3A_338 = arith.constant 80 : index
    %get3A_339 = tpu.vector_load %arg8[%get3A_336, %get3A_337, %get3A_338] {strides = array<i32>} : memref<2x4x128xi32, #tpu.memory_space<vmem>>, vector<1x1x16xi32>,
    %get3A_340 = vector.shape_cast %get3A_339 : vector<1x1x16xi32> to vector<16xi32>
    %mul3A_341 = arith.constant 64 : i32
    %mul3A_342 = vector.broadcast %mul3A_341 : i32 to vector<16xi32>
    %mul3A_343 = arith.muli %get3A_340, %mul3A_342 : vector<16xi32>
    %get3A_344 = arith.constant 0 : i32
    %get3A_345 = arith.constant 2 : i32
    %get3A_346 = arith.index_cast %get3A_344 : i32 to index
    %get3A_347 = arith.index_cast %get3A_345 : i32 to index
    %get3A_348 = arith.constant 80 : index
    %get3A_349 = tpu.vector_load %arg8[%get3A_346, %get3A_347, %get3A_348] {strides = array<i32>} : memref<2x4x128xi32, #tpu.memory_space<vmem>>, vector<1x1x16xi32>,
    %get3A_350 = vector.shape_cast %get3A_349 : vector<1x1x16xi32> to vector<16xi32>
    %add3A_351 = arith.addi %mul3A_343, %get3A_350 : vector<16xi32>
    %swap3A_352 = arith.constant 0 : i32
    %swap3A_353 = arith.index_cast %swap3A_352 : i32 to index
    %swap3A_354 = arith.constant 80 : index
    %swap3A_355 = tpu.vector_load %arg11[%swap3A_353, %swap3A_354] {strides = array<i32>} : memref<2x128xi32, #tpu.memory_space<vmem>>, vector<1x16xi32>,
    %swap3A_356 = vector.shape_cast %swap3A_355 : vector<1x16xi32> to vector<16xi32>
    %swap3A_357 = vector.shape_cast %add3A_351 : vector<16xi32> to vector<1x16xi32>
    tpu.vector_store %arg11[%swap3A_353, %swap3A_354], %swap3A_357 {strides = array<i32>} : memref<2x128xi32, #tpu.memory_space<vmem>>, vector<1x16xi32>,
    %get3A_358 = arith.constant 0 : i32
    %get3A_359 = arith.constant 0 : i32
    %get3A_360 = arith.index_cast %get3A_358 : i32 to index
    %get3A_361 = arith.index_cast %get3A_359 : i32 to index
    %get3A_362 = arith.constant 96 : index
    %get3A_363 = tpu.vector_load %arg8[%get3A_360, %get3A_361, %get3A_362] {strides = array<i32>} : memref<2x4x128xi32, #tpu.memory_space<vmem>>, vector<1x1x16xi32>,
    %get3A_364 = vector.shape_cast %get3A_363 : vector<1x1x16xi32> to vector<16xi32>
    %mul3A_365 = arith.constant 64 : i32
    %mul3A_366 = vector.broadcast %mul3A_365 : i32 to vector<16xi32>
    %mul3A_367 = arith.muli %get3A_364, %mul3A_366 : vector<16xi32>
    %get3A_368 = arith.constant 0 : i32
    %get3A_369 = arith.constant 3 : i32
    %get3A_370 = arith.index_cast %get3A_368 : i32 to index
    %get3A_371 = arith.index_cast %get3A_369 : i32 to index
    %get3A_372 = arith.constant 96 : index
    %get3A_373 = tpu.vector_load %arg8[%get3A_370, %get3A_371, %get3A_372] {strides = array<i32>} : memref<2x4x128xi32, #tpu.memory_space<vmem>>, vector<1x1x16xi32>,
    %get3A_374 = vector.shape_cast %get3A_373 : vector<1x1x16xi32> to vector<16xi32>
    %add3A_375 = arith.addi %mul3A_367, %get3A_374 : vector<16xi32>
    %swap3A_376 = arith.constant 0 : i32
    %swap3A_377 = arith.index_cast %swap3A_376 : i32 to index
    %swap3A_378 = arith.constant 96 : index
    %swap3A_379 = tpu.vector_load %arg10[%swap3A_377, %swap3A_378] {strides = array<i32>} : memref<2x128xi32, #tpu.memory_space<vmem>>, vector<1x16xi32>,
    %swap3A_380 = vector.shape_cast %swap3A_379 : vector<1x16xi32> to vector<16xi32>
    %swap3A_381 = vector.shape_cast %add3A_375 : vector<16xi32> to vector<1x16xi32>
    tpu.vector_store %arg10[%swap3A_377, %swap3A_378], %swap3A_381 {strides = array<i32>} : memref<2x128xi32, #tpu.memory_space<vmem>>, vector<1x16xi32>,
    %get3A_382 = arith.constant 0 : i32
    %get3A_383 = arith.constant 1 : i32
    %get3A_384 = arith.index_cast %get3A_382 : i32 to index
    %get3A_385 = arith.index_cast %get3A_383 : i32 to index
    %get3A_386 = arith.constant 96 : index
    %get3A_387 = tpu.vector_load %arg8[%get3A_384, %get3A_385, %get3A_386] {strides = array<i32>} : memref<2x4x128xi32, #tpu.memory_space<vmem>>, vector<1x1x16xi32>,
    %get3A_388 = vector.shape_cast %get3A_387 : vector<1x1x16xi32> to vector<16xi32>
    %mul3A_389 = arith.constant 64 : i32
    %mul3A_390 = vector.broadcast %mul3A_389 : i32 to vector<16xi32>
    %mul3A_391 = arith.muli %get3A_388, %mul3A_390 : vector<16xi32>
    %get3A_392 = arith.constant 0 : i32
    %get3A_393 = arith.constant 2 : i32
    %get3A_394 = arith.index_cast %get3A_392 : i32 to index
    %get3A_395 = arith.index_cast %get3A_393 : i32 to index
    %get3A_396 = arith.constant 96 : index
    %get3A_397 = tpu.vector_load %arg8[%get3A_394, %get3A_395, %get3A_396] {strides = array<i32>} : memref<2x4x128xi32, #tpu.memory_space<vmem>>, vector<1x1x16xi32>,
    %get3A_398 = vector.shape_cast %get3A_397 : vector<1x1x16xi32> to vector<16xi32>
    %add3A_399 = arith.addi %mul3A_391, %get3A_398 : vector<16xi32>
    %swap3A_400 = arith.constant 0 : i32
    %swap3A_401 = arith.index_cast %swap3A_400 : i32 to index
    %swap3A_402 = arith.constant 96 : index
    %swap3A_403 = tpu.vector_load %arg11[%swap3A_401, %swap3A_402] {strides = array<i32>} : memref<2x128xi32, #tpu.memory_space<vmem>>, vector<1x16xi32>,
    %swap3A_404 = vector.shape_cast %swap3A_403 : vector<1x16xi32> to vector<16xi32>
    %swap3A_405 = vector.shape_cast %add3A_399 : vector<16xi32> to vector<1x16xi32>
    tpu.vector_store %arg11[%swap3A_401, %swap3A_402], %swap3A_405 {strides = array<i32>} : memref<2x128xi32, #tpu.memory_space<vmem>>, vector<1x16xi32>,
    %get3A_406 = arith.constant 0 : i32
    %get3A_407 = arith.constant 0 : i32
    %get3A_408 = arith.index_cast %get3A_406 : i32 to index
    %get3A_409 = arith.index_cast %get3A_407 : i32 to index
    %get3A_410 = arith.constant 112 : index
    %get3A_411 = tpu.vector_load %arg8[%get3A_408, %get3A_409, %get3A_410] {strides = array<i32>} : memref<2x4x128xi32, #tpu.memory_space<vmem>>, vector<1x1x16xi32>,
    %get3A_412 = vector.shape_cast %get3A_411 : vector<1x1x16xi32> to vector<16xi32>
    %mul3A_413 = arith.constant 64 : i32
    %mul3A_414 = vector.broadcast %mul3A_413 : i32 to vector<16xi32>
    %mul3A_415 = arith.muli %get3A_412, %mul3A_414 : vector<16xi32>
    %get3A_416 = arith.constant 0 : i32
    %get3A_417 = arith.constant 3 : i32
    %get3A_418 = arith.index_cast %get3A_416 : i32 to index
    %get3A_419 = arith.index_cast %get3A_417 : i32 to index
    %get3A_420 = arith.constant 112 : index
    %get3A_421 = tpu.vector_load %arg8[%get3A_418, %get3A_419, %get3A_420] {strides = array<i32>} : memref<2x4x128xi32, #tpu.memory_space<vmem>>, vector<1x1x16xi32>,
    %get3A_422 = vector.shape_cast %get3A_421 : vector<1x1x16xi32> to vector<16xi32>
    %add3A_423 = arith.addi %mul3A_415, %get3A_422 : vector<16xi32>
    %swap3A_424 = arith.constant 0 : i32
    %swap3A_425 = arith.index_cast %swap3A_424 : i32 to index
    %swap3A_426 = arith.constant 112 : index
    %swap3A_427 = tpu.vector_load %arg10[%swap3A_425, %swap3A_426] {strides = array<i32>} : memref<2x128xi32, #tpu.memory_space<vmem>>, vector<1x16xi32>,
    %swap3A_428 = vector.shape_cast %swap3A_427 : vector<1x16xi32> to vector<16xi32>
    %swap3A_429 = vector.shape_cast %add3A_423 : vector<16xi32> to vector<1x16xi32>
    tpu.vector_store %arg10[%swap3A_425, %swap3A_426], %swap3A_429 {strides = array<i32>} : memref<2x128xi32, #tpu.memory_space<vmem>>, vector<1x16xi32>,
    %get3A_430 = arith.constant 0 : i32
    %get3A_431 = arith.constant 1 : i32
    %get3A_432 = arith.index_cast %get3A_430 : i32 to index
    %get3A_433 = arith.index_cast %get3A_431 : i32 to index
    %get3A_434 = arith.constant 112 : index
    %get3A_435 = tpu.vector_load %arg8[%get3A_432, %get3A_433, %get3A_434] {strides = array<i32>} : memref<2x4x128xi32, #tpu.memory_space<vmem>>, vector<1x1x16xi32>,
    %get3A_436 = vector.shape_cast %get3A_435 : vector<1x1x16xi32> to vector<16xi32>
    %mul3A_437 = arith.constant 64 : i32
    %mul3A_438 = vector.broadcast %mul3A_437 : i32 to vector<16xi32>
    %mul3A_439 = arith.muli %get3A_436, %mul3A_438 : vector<16xi32>
    %get3A_440 = arith.constant 0 : i32
    %get3A_441 = arith.constant 2 : i32
    %get3A_442 = arith.index_cast %get3A_440 : i32 to index
    %get3A_443 = arith.index_cast %get3A_441 : i32 to index
    %get3A_444 = arith.constant 112 : index
    %get3A_445 = tpu.vector_load %arg8[%get3A_442, %get3A_443, %get3A_444] {strides = array<i32>} : memref<2x4x128xi32, #tpu.memory_space<vmem>>, vector<1x1x16xi32>,
    %get3A_446 = vector.shape_cast %get3A_445 : vector<1x1x16xi32> to vector<16xi32>
    %add3A_447 = arith.addi %mul3A_439, %get3A_446 : vector<16xi32>
    %swap3A_448 = arith.constant 0 : i32
    %swap3A_449 = arith.index_cast %swap3A_448 : i32 to index
    %swap3A_450 = arith.constant 112 : index
    %swap3A_451 = tpu.vector_load %arg11[%swap3A_449, %swap3A_450] {strides = array<i32>} : memref<2x128xi32, #tpu.memory_space<vmem>>, vector<1x16xi32>,
    %swap3A_452 = vector.shape_cast %swap3A_451 : vector<1x16xi32> to vector<16xi32>
    %swap3A_453 = vector.shape_cast %add3A_447 : vector<16xi32> to vector<1x16xi32>
    tpu.vector_store %arg11[%swap3A_449, %swap3A_450], %swap3A_453 {strides = array<i32>} : memref<2x128xi32, #tpu.memory_space<vmem>>, vector<1x16xi32>,
    %dma_start3A_454 = arith.constant 0 : i32
    %dma_start3A_455 = arith.constant 0 : i32
    %dma_start3A_456 = arith.constant 0 : i32
    %dma_start3A_457 = arith.constant 0 : i32
    %dma_start3A_458 = arith.constant 0 : i32
    %dma_start3A_459 = tpu.memref_slice %arg12[%dma_start3A_455, %dma_start3A_457, %dma_start3A_458] : memref<2x128x128xf32, #tpu.memory_space<vmem>> -> memref<1x128x128xf32, #tpu.memory_space<vmem>>
    %dma_start3A_460 = tpu.memref_squeeze %dma_start3A_459 : memref<1x128x128xf32, #tpu.memory_space<vmem>> -> memref<128x128xf32, #tpu.memory_space<vmem>>
    %dma_start3A_461 = arith.constant 0 : i32
    %dma_start3A_462 = tpu.memref_slice %arg9[%dma_start3A_454, %dma_start3A_461] : memref<2x128xi32, #tpu.memory_space<vmem>> -> memref<1x128xi32, #tpu.memory_space<vmem>>
    %dma_start3A_463 = tpu.memref_squeeze %dma_start3A_462 : memref<1x128xi32, #tpu.memory_space<vmem>> -> memref<128xi32, #tpu.memory_space<vmem>>
    %dma_start3A_464 = arith.constant 0 : i32
    %dma_start3A_465 = arith.constant 0 : i32
    %dma_start3A_466 = tpu.memref_slice %arg4[%dma_start3A_464, %dma_start3A_465] : memref<1001x128xf32, #tpu.memory_space<hbm>> -> memref<1001x128xf32, #tpu.memory_space<hbm>>
    %dma_start3A_467 = tpu.memref_slice %arg16[%dma_start3A_456] : memref<2x!tpu.dma_semaphore, #tpu.memory_space<semaphore_mem>> -> memref<1x!tpu.dma_semaphore, #tpu.memory_space<semaphore_mem>>
    %dma_start3A_468 = tpu.memref_squeeze %dma_start3A_467 : memref<1x!tpu.dma_semaphore, #tpu.memory_space<semaphore_mem>> -> memref<!tpu.dma_semaphore, #tpu.memory_space<semaphore_mem>>
    tpu.enqueue_indirect_dma source(%dma_start3A_466 : memref<1001x128xf32, #tpu.memory_space<hbm>>) target(%dma_start3A_460 : memref<128x128xf32, #tpu.memory_space<vmem>>) offsets(%dma_start3A_463 : memref<128xi32, #tpu.memory_space<vmem>>) semaphore(%dma_start3A_468 : memref<!tpu.dma_semaphore, #tpu.memory_space<semaphore_mem>>)
    %dma_start3A_469 = arith.constant 0 : i32
    %dma_start3A_470 = arith.constant 0 : i32
    %dma_start3A_471 = arith.constant 0 : i32
    %dma_start3A_472 = arith.constant 0 : i32
    %dma_start3A_473 = arith.constant 0 : i32
    %dma_start3A_474 = tpu.memref_slice %arg13[%dma_start3A_470, %dma_start3A_472, %dma_start3A_473] : memref<2x128x128xf32, #tpu.memory_space<vmem>> -> memref<1x128x128xf32, #tpu.memory_space<vmem>>
    %dma_start3A_475 = tpu.memref_squeeze %dma_start3A_474 : memref<1x128x128xf32, #tpu.memory_space<vmem>> -> memref<128x128xf32, #tpu.memory_space<vmem>>
    %dma_start3A_476 = arith.constant 0 : i32
    %dma_start3A_477 = tpu.memref_slice %arg10[%dma_start3A_469, %dma_start3A_476] : memref<2x128xi32, #tpu.memory_space<vmem>> -> memref<1x128xi32, #tpu.memory_space<vmem>>
    %dma_start3A_478 = tpu.memref_squeeze %dma_start3A_477 : memref<1x128xi32, #tpu.memory_space<vmem>> -> memref<128xi32, #tpu.memory_space<vmem>>
    %dma_start3A_479 = arith.constant 0 : i32
    %dma_start3A_480 = arith.constant 0 : i32
    %dma_start3A_481 = tpu.memref_slice %arg5[%dma_start3A_479, %dma_start3A_480] : memref<2112x128xf32, #tpu.memory_space<hbm>> -> memref<2112x128xf32, #tpu.memory_space<hbm>>
    %dma_start3A_482 = tpu.memref_slice %arg16[%dma_start3A_471] : memref<2x!tpu.dma_semaphore, #tpu.memory_space<semaphore_mem>> -> memref<1x!tpu.dma_semaphore, #tpu.memory_space<semaphore_mem>>
    %dma_start3A_483 = tpu.memref_squeeze %dma_start3A_482 : memref<1x!tpu.dma_semaphore, #tpu.memory_space<semaphore_mem>> -> memref<!tpu.dma_semaphore, #tpu.memory_space<semaphore_mem>>
    tpu.enqueue_indirect_dma source(%dma_start3A_481 : memref<2112x128xf32, #tpu.memory_space<hbm>>) target(%dma_start3A_475 : memref<128x128xf32, #tpu.memory_space<vmem>>) offsets(%dma_start3A_478 : memref<128xi32, #tpu.memory_space<vmem>>) semaphore(%dma_start3A_483 : memref<!tpu.dma_semaphore, #tpu.memory_space<semaphore_mem>>)
    %dma_start3A_484 = arith.constant 0 : i32
    %dma_start3A_485 = arith.constant 0 : i32
    %dma_start3A_486 = arith.constant 0 : i32
    %dma_start3A_487 = arith.constant 0 : i32
    %dma_start3A_488 = arith.constant 0 : i32
    %dma_start3A_489 = tpu.memref_slice %arg14[%dma_start3A_485, %dma_start3A_487, %dma_start3A_488] : memref<2x128x128xf32, #tpu.memory_space<vmem>> -> memref<1x128x128xf32, #tpu.memory_space<vmem>>
    %dma_start3A_490 = tpu.memref_squeeze %dma_start3A_489 : memref<1x128x128xf32, #tpu.memory_space<vmem>> -> memref<128x128xf32, #tpu.memory_space<vmem>>
    %dma_start3A_491 = arith.constant 0 : i32
    %dma_start3A_492 = tpu.memref_slice %arg11[%dma_start3A_484, %dma_start3A_491] : memref<2x128xi32, #tpu.memory_space<vmem>> -> memref<1x128xi32, #tpu.memory_space<vmem>>
    %dma_start3A_493 = tpu.memref_squeeze %dma_start3A_492 : memref<1x128xi32, #tpu.memory_space<vmem>> -> memref<128xi32, #tpu.memory_space<vmem>>
    %dma_start3A_494 = arith.constant 0 : i32
    %dma_start3A_495 = arith.constant 0 : i32
    %dma_start3A_496 = tpu.memref_slice %arg6[%dma_start3A_494, %dma_start3A_495] : memref<4096x128xf32, #tpu.memory_space<hbm>> -> memref<4096x128xf32, #tpu.memory_space<hbm>>
    %dma_start3A_497 = tpu.memref_slice %arg16[%dma_start3A_486] : memref<2x!tpu.dma_semaphore, #tpu.memory_space<semaphore_mem>> -> memref<1x!tpu.dma_semaphore, #tpu.memory_space<semaphore_mem>>
    %dma_start3A_498 = tpu.memref_squeeze %dma_start3A_497 : memref<1x!tpu.dma_semaphore, #tpu.memory_space<semaphore_mem>> -> memref<!tpu.dma_semaphore, #tpu.memory_space<semaphore_mem>>
    tpu.enqueue_indirect_dma source(%dma_start3A_496 : memref<4096x128xf32, #tpu.memory_space<hbm>>) target(%dma_start3A_490 : memref<128x128xf32, #tpu.memory_space<vmem>>) offsets(%dma_start3A_493 : memref<128xi32, #tpu.memory_space<vmem>>) semaphore(%dma_start3A_498 : memref<!tpu.dma_semaphore, #tpu.memory_space<semaphore_mem>>)
    %mul3A_499 = arith.constant 50 : i32
    %mul3A_500 = arith.muli %add3A, %mul3A_499 : i32
    %add3A_501 = arith.constant 1 : i32
    %add3A_502 = arith.addi %mul3A_500, %add3A_501 : i32
    %mul3A_503 = arith.constant 128 : i32
    %mul3A_504 = arith.muli %add3A_502, %mul3A_503 : i32
    %dma_start3A_505 = arith.constant 1 : i32
    %dma_start3A_506 = arith.constant 1 : i32
    %dma_start3A_507 = arith.constant 0 : i32
    %dma_start3A_508 = tpu.memref_slice %arg9[%dma_start3A_505, %dma_start3A_507] : memref<2x128xi32, #tpu.memory_space<vmem>> -> memref<1x128xi32, #tpu.memory_space<vmem>>
    %dma_start3A_509 = tpu.memref_squeeze %dma_start3A_508 : memref<1x128xi32, #tpu.memory_space<vmem>> -> memref<128xi32, #tpu.memory_space<vmem>>
    %dma_start3A_510 = tpu.memref_slice %arg2[%mul3A_504] : memref<204800xi32, #tpu.memory_space<hbm>> -> memref<128xi32, #tpu.memory_space<hbm>>
    %dma_start3A_511 = tpu.memref_slice %arg15[%dma_start3A_506] : memref<2x!tpu.dma_semaphore, #tpu.memory_space<semaphore_mem>> -> memref<1x!tpu.dma_semaphore, #tpu.memory_space<semaphore_mem>>
    %dma_start3A_512 = tpu.memref_squeeze %dma_start3A_511 : memref<1x!tpu.dma_semaphore, #tpu.memory_space<semaphore_mem>> -> memref<!tpu.dma_semaphore, #tpu.memory_space<semaphore_mem>>
    %dma_start3A_513 = arith.constant 0 : i32
    %dma_start3A_514 = tpu.memref_slice %arg9[%dma_start3A_505, %dma_start3A_513] : memref<2x128xi32, #tpu.memory_space<vmem>> -> memref<1x128xi32, #tpu.memory_space<vmem>>
    %dma_start3A_515 = tpu.memref_squeeze %dma_start3A_514 : memref<1x128xi32, #tpu.memory_space<vmem>> -> memref<128xi32, #tpu.memory_space<vmem>>
    %dma_start3A_516 = tpu.memref_slice %arg2[%mul3A_504] : memref<204800xi32, #tpu.memory_space<hbm>> -> memref<128xi32, #tpu.memory_space<hbm>>
    tpu.enqueue_dma source(%dma_start3A_516 : memref<128xi32, #tpu.memory_space<hbm>>) target(%dma_start3A_515 : memref<128xi32, #tpu.memory_space<vmem>>) target_semaphore(%dma_start3A_512 : memref<!tpu.dma_semaphore, #tpu.memory_space<semaphore_mem>>)
    %dma_start3A_517 = arith.constant 1 : i32
    %dma_start3A_518 = arith.constant 1 : i32
    %dma_start3A_519 = arith.constant 0 : i32
    %dma_start3A_520 = arith.constant 0 : i32
    %dma_start3A_521 = tpu.memref_slice %arg8[%dma_start3A_517, %dma_start3A_519, %dma_start3A_520] : memref<2x4x128xi32, #tpu.memory_space<vmem>> -> memref<1x4x128xi32, #tpu.memory_space<vmem>>
    %dma_start3A_522 = tpu.memref_squeeze %dma_start3A_521 : memref<1x4x128xi32, #tpu.memory_space<vmem>> -> memref<4x128xi32, #tpu.memory_space<vmem>>
    %dma_start3A_523 = arith.constant 0 : i32
    %dma_start3A_524 = arith.constant 0 : i32
    %dma_start3A_525 = tpu.memref_slice %arg3[%add3A_502, %dma_start3A_523, %dma_start3A_524] : memref<1600x4x128xi32, #tpu.memory_space<hbm>> -> memref<1x4x128xi32, #tpu.memory_space<hbm>>
    %dma_start3A_526 = tpu.memref_squeeze %dma_start3A_525 : memref<1x4x128xi32, #tpu.memory_space<hbm>> -> memref<4x128xi32, #tpu.memory_space<hbm>>
    %dma_start3A_527 = tpu.memref_slice %arg15[%dma_start3A_518] : memref<2x!tpu.dma_semaphore, #tpu.memory_space<semaphore_mem>> -> memref<1x!tpu.dma_semaphore, #tpu.memory_space<semaphore_mem>>
    %dma_start3A_528 = tpu.memref_squeeze %dma_start3A_527 : memref<1x!tpu.dma_semaphore, #tpu.memory_space<semaphore_mem>> -> memref<!tpu.dma_semaphore, #tpu.memory_space<semaphore_mem>>
    %dma_start3A_529 = arith.constant 0 : i32
    %dma_start3A_530 = arith.constant 0 : i32
    %dma_start3A_531 = tpu.memref_slice %arg8[%dma_start3A_517, %dma_start3A_529, %dma_start3A_530] : memref<2x4x128xi32, #tpu.memory_space<vmem>> -> memref<1x4x128xi32, #tpu.memory_space<vmem>>
    %dma_start3A_532 = tpu.memref_squeeze %dma_start3A_531 : memref<1x4x128xi32, #tpu.memory_space<vmem>> -> memref<4x128xi32, #tpu.memory_space<vmem>>
    %dma_start3A_533 = arith.constant 0 : i32
    %dma_start3A_534 = arith.constant 0 : i32
    %dma_start3A_535 = tpu.memref_slice %arg3[%add3A_502, %dma_start3A_533, %dma_start3A_534] : memref<1600x4x128xi32, #tpu.memory_space<hbm>> -> memref<1x4x128xi32, #tpu.memory_space<hbm>>
    %dma_start3A_536 = tpu.memref_squeeze %dma_start3A_535 : memref<1x4x128xi32, #tpu.memory_space<hbm>> -> memref<4x128xi32, #tpu.memory_space<hbm>>
    tpu.enqueue_dma source(%dma_start3A_536 : memref<4x128xi32, #tpu.memory_space<hbm>>) target(%dma_start3A_532 : memref<4x128xi32, #tpu.memory_space<vmem>>) target_semaphore(%dma_start3A_528 : memref<!tpu.dma_semaphore, #tpu.memory_space<semaphore_mem>>)
    %scan3A = arith.constant 0 : i32
    %scan3A_537 = arith.constant 0 : i32
    %scan3A_538 = arith.constant 25 : i32
    %scan3A_539 = arith.addi %scan3A_537, %scan3A_538 : i32
    %scan3A_540 = arith.constant 1 : i32
    scf.for %scan3A_578 = %scan3A_537 to %scan3A_539 step %scan3A_540  : i32 {
      %mul3A_579 = arith.constant 2 : i32
      %mul3A_580 = arith.muli %scan3A_578, %mul3A_579 : i32
      %add3A_581 = arith.constant 1 : i32
      %add3A_582 = arith.addi %mul3A_580, %add3A_581 : i32
      %lt3A = arith.constant 50 : i32
      %lt3A_583 = arith.cmpi slt, %add3A_582, %lt3A : i32
      %convert_element_type3A = arith.extui %lt3A_583 : i1 to i32
      %cond3A = arith.constant 0 : i32
      %cond3A_584 = arith.cmpi ne, %convert_element_type3A, %cond3A : i32
      scf.if %cond3A_584 {
        %dma_wait3A_745 = arith.constant 1 : i32
        %dma_wait3A_746 = arith.constant 1 : i32
        %dma_wait3A_747 = arith.constant 0 : i32
        %dma_wait3A_748 = tpu.memref_slice %arg9[%dma_wait3A_745, %dma_wait3A_747] : memref<2x128xi32, #tpu.memory_space<vmem>> -> memref<1x128xi32, #tpu.memory_space<vmem>>
        %dma_wait3A_749 = tpu.memref_squeeze %dma_wait3A_748 : memref<1x128xi32, #tpu.memory_space<vmem>> -> memref<128xi32, #tpu.memory_space<vmem>>
        %dma_wait3A_750 = arith.constant 0 : i32
        %dma_wait3A_751 = tpu.memref_slice %arg2[%dma_wait3A_750] : memref<204800xi32, #tpu.memory_space<hbm>> -> memref<128xi32, #tpu.memory_space<hbm>>
        %dma_wait3A_752 = tpu.memref_slice %arg15[%dma_wait3A_746] : memref<2x!tpu.dma_semaphore, #tpu.memory_space<semaphore_mem>> -> memref<1x!tpu.dma_semaphore, #tpu.memory_space<semaphore_mem>>
        %dma_wait3A_753 = tpu.memref_squeeze %dma_wait3A_752 : memref<1x!tpu.dma_semaphore, #tpu.memory_space<semaphore_mem>> -> memref<!tpu.dma_semaphore, #tpu.memory_space<semaphore_mem>>
        %dma_wait3A_754 = arith.constant 0 : i32
        %dma_wait3A_755 = tpu.memref_slice %arg9[%dma_wait3A_745, %dma_wait3A_754] : memref<2x128xi32, #tpu.memory_space<vmem>> -> memref<1x128xi32, #tpu.memory_space<vmem>>
        %dma_wait3A_756 = tpu.memref_squeeze %dma_wait3A_755 : memref<1x128xi32, #tpu.memory_space<vmem>> -> memref<128xi32, #tpu.memory_space<vmem>>
        %dma_wait3A_757 = arith.constant 0 : i32
        %dma_wait3A_758 = tpu.memref_slice %arg2[%dma_wait3A_757] : memref<204800xi32, #tpu.memory_space<hbm>> -> memref<128xi32, #tpu.memory_space<hbm>>
        tpu.wait_dma2 semaphore(%dma_wait3A_753 : memref<!tpu.dma_semaphore, #tpu.memory_space<semaphore_mem>>) src(%dma_wait3A_758 : memref<128xi32, #tpu.memory_space<hbm>>) dst(%dma_wait3A_756 : memref<128xi32, #tpu.memory_space<vmem>>)
        %dma_wait3A_759 = arith.constant 0 : i32
        %dma_wait3A_760 = arith.constant 1 : i32
        %dma_wait3A_761 = arith.constant 1 : i32
        %dma_wait3A_762 = arith.constant 0 : i32
        %dma_wait3A_763 = arith.constant 0 : i32
        %dma_wait3A_764 = tpu.memref_slice %arg8[%dma_wait3A_760, %dma_wait3A_762, %dma_wait3A_763] : memref<2x4x128xi32, #tpu.memory_space<vmem>> -> memref<1x4x128xi32, #tpu.memory_space<vmem>>
        %dma_wait3A_765 = tpu.memref_squeeze %dma_wait3A_764 : memref<1x4x128xi32, #tpu.memory_space<vmem>> -> memref<4x128xi32, #tpu.memory_space<vmem>>
        %dma_wait3A_766 = arith.constant 0 : i32
        %dma_wait3A_767 = arith.constant 0 : i32
        %dma_wait3A_768 = tpu.memref_slice %arg3[%dma_wait3A_759, %dma_wait3A_766, %dma_wait3A_767] : memref<1600x4x128xi32, #tpu.memory_space<hbm>> -> memref<1x4x128xi32, #tpu.memory_space<hbm>>
        %dma_wait3A_769 = tpu.memref_squeeze %dma_wait3A_768 : memref<1x4x128xi32, #tpu.memory_space<hbm>> -> memref<4x128xi32, #tpu.memory_space<hbm>>
        %dma_wait3A_770 = tpu.memref_slice %arg15[%dma_wait3A_761] : memref<2x!tpu.dma_semaphore, #tpu.memory_space<semaphore_mem>> -> memref<1x!tpu.dma_semaphore, #tpu.memory_space<semaphore_mem>>
        %dma_wait3A_771 = tpu.memref_squeeze %dma_wait3A_770 : memref<1x!tpu.dma_semaphore, #tpu.memory_space<semaphore_mem>> -> memref<!tpu.dma_semaphore, #tpu.memory_space<semaphore_mem>>
        %dma_wait3A_772 = arith.constant 0 : i32
        %dma_wait3A_773 = arith.constant 0 : i32
        %dma_wait3A_774 = tpu.memref_slice %arg8[%dma_wait3A_760, %dma_wait3A_772, %dma_wait3A_773] : memref<2x4x128xi32, #tpu.memory_space<vmem>> -> memref<1x4x128xi32, #tpu.memory_space<vmem>>
        %dma_wait3A_775 = tpu.memref_squeeze %dma_wait3A_774 : memref<1x4x128xi32, #tpu.memory_space<vmem>> -> memref<4x128xi32, #tpu.memory_space<vmem>>
        %dma_wait3A_776 = arith.constant 0 : i32
        %dma_wait3A_777 = arith.constant 0 : i32
        %dma_wait3A_778 = tpu.memref_slice %arg3[%dma_wait3A_759, %dma_wait3A_776, %dma_wait3A_777] : memref<1600x4x128xi32, #tpu.memory_space<hbm>> -> memref<1x4x128xi32, #tpu.memory_space<hbm>>
        %dma_wait3A_779 = tpu.memref_squeeze %dma_wait3A_778 : memref<1x4x128xi32, #tpu.memory_space<hbm>> -> memref<4x128xi32, #tpu.memory_space<hbm>>
        tpu.wait_dma2 semaphore(%dma_wait3A_771 : memref<!tpu.dma_semaphore, #tpu.memory_space<semaphore_mem>>) src(%dma_wait3A_779 : memref<4x128xi32, #tpu.memory_space<hbm>>) dst(%dma_wait3A_775 : memref<4x128xi32, #tpu.memory_space<vmem>>)
        %get3A_780 = arith.constant 1 : i32
        %get3A_781 = arith.constant 0 : i32
        %get3A_782 = arith.index_cast %get3A_780 : i32 to index
        %get3A_783 = arith.index_cast %get3A_781 : i32 to index
        %get3A_784 = arith.constant 0 : index
        %get3A_785 = tpu.vector_load %arg8[%get3A_782, %get3A_783, %get3A_784] {strides = array<i32>} : memref<2x4x128xi32, #tpu.memory_space<vmem>>, vector<1x1x16xi32>,
        %get3A_786 = vector.shape_cast %get3A_785 : vector<1x1x16xi32> to vector<16xi32>
        %mul3A_787 = arith.constant 64 : i32
        %mul3A_788 = vector.broadcast %mul3A_787 : i32 to vector<16xi32>
        %mul3A_789 = arith.muli %get3A_786, %mul3A_788 : vector<16xi32>
        %get3A_790 = arith.constant 1 : i32
        %get3A_791 = arith.constant 3 : i32
        %get3A_792 = arith.index_cast %get3A_790 : i32 to index
        %get3A_793 = arith.index_cast %get3A_791 : i32 to index
        %get3A_794 = arith.constant 0 : index
        %get3A_795 = tpu.vector_load %arg8[%get3A_792, %get3A_793, %get3A_794] {strides = array<i32>} : memref<2x4x128xi32, #tpu.memory_space<vmem>>, vector<1x1x16xi32>,
        %get3A_796 = vector.shape_cast %get3A_795 : vector<1x1x16xi32> to vector<16xi32>
        %add3A_797 = arith.addi %mul3A_789, %get3A_796 : vector<16xi32>
        %swap3A_798 = arith.constant 1 : i32
        %swap3A_799 = arith.index_cast %swap3A_798 : i32 to index
        %swap3A_800 = arith.constant 0 : index
        %swap3A_801 = tpu.vector_load %arg10[%swap3A_799, %swap3A_800] {strides = array<i32>} : memref<2x128xi32, #tpu.memory_space<vmem>>, vector<1x16xi32>,
        %swap3A_802 = vector.shape_cast %swap3A_801 : vector<1x16xi32> to vector<16xi32>
        %swap3A_803 = vector.shape_cast %add3A_797 : vector<16xi32> to vector<1x16xi32>
        tpu.vector_store %arg10[%swap3A_799, %swap3A_800], %swap3A_803 {strides = array<i32>} : memref<2x128xi32, #tpu.memory_space<vmem>>, vector<1x16xi32>,
        %get3A_804 = arith.constant 1 : i32
        %get3A_805 = arith.constant 1 : i32
        %get3A_806 = arith.index_cast %get3A_804 : i32 to index
        %get3A_807 = arith.index_cast %get3A_805 : i32 to index
        %get3A_808 = arith.constant 0 : index
        %get3A_809 = tpu.vector_load %arg8[%get3A_806, %get3A_807, %get3A_808] {strides = array<i32>} : memref<2x4x128xi32, #tpu.memory_space<vmem>>, vector<1x1x16xi32>,
        %get3A_810 = vector.shape_cast %get3A_809 : vector<1x1x16xi32> to vector<16xi32>
        %mul3A_811 = arith.constant 64 : i32
        %mul3A_812 = vector.broadcast %mul3A_811 : i32 to vector<16xi32>
        %mul3A_813 = arith.muli %get3A_810, %mul3A_812 : vector<16xi32>
        %get3A_814 = arith.constant 1 : i32
        %get3A_815 = arith.constant 2 : i32
        %get3A_816 = arith.index_cast %get3A_814 : i32 to index
        %get3A_817 = arith.index_cast %get3A_815 : i32 to index
        %get3A_818 = arith.constant 0 : index
        %get3A_819 = tpu.vector_load %arg8[%get3A_816, %get3A_817, %get3A_818] {strides = array<i32>} : memref<2x4x128xi32, #tpu.memory_space<vmem>>, vector<1x1x16xi32>,
        %get3A_820 = vector.shape_cast %get3A_819 : vector<1x1x16xi32> to vector<16xi32>
        %add3A_821 = arith.addi %mul3A_813, %get3A_820 : vector<16xi32>
        %swap3A_822 = arith.constant 1 : i32
        %swap3A_823 = arith.index_cast %swap3A_822 : i32 to index
        %swap3A_824 = arith.constant 0 : index
        %swap3A_825 = tpu.vector_load %arg11[%swap3A_823, %swap3A_824] {strides = array<i32>} : memref<2x128xi32, #tpu.memory_space<vmem>>, vector<1x16xi32>,
        %swap3A_826 = vector.shape_cast %swap3A_825 : vector<1x16xi32> to vector<16xi32>
        %swap3A_827 = vector.shape_cast %add3A_821 : vector<16xi32> to vector<1x16xi32>
        tpu.vector_store %arg11[%swap3A_823, %swap3A_824], %swap3A_827 {strides = array<i32>} : memref<2x128xi32, #tpu.memory_space<vmem>>, vector<1x16xi32>,
        %get3A_828 = arith.constant 1 : i32
        %get3A_829 = arith.constant 0 : i32
        %get3A_830 = arith.index_cast %get3A_828 : i32 to index
        %get3A_831 = arith.index_cast %get3A_829 : i32 to index
        %get3A_832 = arith.constant 16 : index
        %get3A_833 = tpu.vector_load %arg8[%get3A_830, %get3A_831, %get3A_832] {strides = array<i32>} : memref<2x4x128xi32, #tpu.memory_space<vmem>>, vector<1x1x16xi32>,
        %get3A_834 = vector.shape_cast %get3A_833 : vector<1x1x16xi32> to vector<16xi32>
        %mul3A_835 = arith.constant 64 : i32
        %mul3A_836 = vector.broadcast %mul3A_835 : i32 to vector<16xi32>
        %mul3A_837 = arith.muli %get3A_834, %mul3A_836 : vector<16xi32>
        %get3A_838 = arith.constant 1 : i32
        %get3A_839 = arith.constant 3 : i32
        %get3A_840 = arith.index_cast %get3A_838 : i32 to index
        %get3A_841 = arith.index_cast %get3A_839 : i32 to index
        %get3A_842 = arith.constant 16 : index
        %get3A_843 = tpu.vector_load %arg8[%get3A_840, %get3A_841, %get3A_842] {strides = array<i32>} : memref<2x4x128xi32, #tpu.memory_space<vmem>>, vector<1x1x16xi32>,
        %get3A_844 = vector.shape_cast %get3A_843 : vector<1x1x16xi32> to vector<16xi32>
        %add3A_845 = arith.addi %mul3A_837, %get3A_844 : vector<16xi32>
        %swap3A_846 = arith.constant 1 : i32
        %swap3A_847 = arith.index_cast %swap3A_846 : i32 to index
        %swap3A_848 = arith.constant 16 : index
        %swap3A_849 = tpu.vector_load %arg10[%swap3A_847, %swap3A_848] {strides = array<i32>} : memref<2x128xi32, #tpu.memory_space<vmem>>, vector<1x16xi32>,
        %swap3A_850 = vector.shape_cast %swap3A_849 : vector<1x16xi32> to vector<16xi32>
        %swap3A_851 = vector.shape_cast %add3A_845 : vector<16xi32> to vector<1x16xi32>
        tpu.vector_store %arg10[%swap3A_847, %swap3A_848], %swap3A_851 {strides = array<i32>} : memref<2x128xi32, #tpu.memory_space<vmem>>, vector<1x16xi32>,
        %get3A_852 = arith.constant 1 : i32
        %get3A_853 = arith.constant 1 : i32
        %get3A_854 = arith.index_cast %get3A_852 : i32 to index
        %get3A_855 = arith.index_cast %get3A_853 : i32 to index
        %get3A_856 = arith.constant 16 : index
        %get3A_857 = tpu.vector_load %arg8[%get3A_854, %get3A_855, %get3A_856] {strides = array<i32>} : memref<2x4x128xi32, #tpu.memory_space<vmem>>, vector<1x1x16xi32>,
        %get3A_858 = vector.shape_cast %get3A_857 : vector<1x1x16xi32> to vector<16xi32>
        %mul3A_859 = arith.constant 64 : i32
        %mul3A_860 = vector.broadcast %mul3A_859 : i32 to vector<16xi32>
        %mul3A_861 = arith.muli %get3A_858, %mul3A_860 : vector<16xi32>
        %get3A_862 = arith.constant 1 : i32
        %get3A_863 = arith.constant 2 : i32
        %get3A_864 = arith.index_cast %get3A_862 : i32 to index
        %get3A_865 = arith.index_cast %get3A_863 : i32 to index
        %get3A_866 = arith.constant 16 : index
        %get3A_867 = tpu.vector_load %arg8[%get3A_864, %get3A_865, %get3A_866] {strides = array<i32>} : memref<2x4x128xi32, #tpu.memory_space<vmem>>, vector<1x1x16xi32>,
        %get3A_868 = vector.shape_cast %get3A_867 : vector<1x1x16xi32> to vector<16xi32>
        %add3A_869 = arith.addi %mul3A_861, %get3A_868 : vector<16xi32>
        %swap3A_870 = arith.constant 1 : i32
        %swap3A_871 = arith.index_cast %swap3A_870 : i32 to index
        %swap3A_872 = arith.constant 16 : index
        %swap3A_873 = tpu.vector_load %arg11[%swap3A_871, %swap3A_872] {strides = array<i32>} : memref<2x128xi32, #tpu.memory_space<vmem>>, vector<1x16xi32>,
        %swap3A_874 = vector.shape_cast %swap3A_873 : vector<1x16xi32> to vector<16xi32>
        %swap3A_875 = vector.shape_cast %add3A_869 : vector<16xi32> to vector<1x16xi32>
        tpu.vector_store %arg11[%swap3A_871, %swap3A_872], %swap3A_875 {strides = array<i32>} : memref<2x128xi32, #tpu.memory_space<vmem>>, vector<1x16xi32>,
        %get3A_876 = arith.constant 1 : i32
        %get3A_877 = arith.constant 0 : i32
        %get3A_878 = arith.index_cast %get3A_876 : i32 to index
        %get3A_879 = arith.index_cast %get3A_877 : i32 to index
        %get3A_880 = arith.constant 32 : index
        %get3A_881 = tpu.vector_load %arg8[%get3A_878, %get3A_879, %get3A_880] {strides = array<i32>} : memref<2x4x128xi32, #tpu.memory_space<vmem>>, vector<1x1x16xi32>,
        %get3A_882 = vector.shape_cast %get3A_881 : vector<1x1x16xi32> to vector<16xi32>
        %mul3A_883 = arith.constant 64 : i32
        %mul3A_884 = vector.broadcast %mul3A_883 : i32 to vector<16xi32>
        %mul3A_885 = arith.muli %get3A_882, %mul3A_884 : vector<16xi32>
        %get3A_886 = arith.constant 1 : i32
        %get3A_887 = arith.constant 3 : i32
        %get3A_888 = arith.index_cast %get3A_886 : i32 to index
        %get3A_889 = arith.index_cast %get3A_887 : i32 to index
        %get3A_890 = arith.constant 32 : index
        %get3A_891 = tpu.vector_load %arg8[%get3A_888, %get3A_889, %get3A_890] {strides = array<i32>} : memref<2x4x128xi32, #tpu.memory_space<vmem>>, vector<1x1x16xi32>,
        %get3A_892 = vector.shape_cast %get3A_891 : vector<1x1x16xi32> to vector<16xi32>
        %add3A_893 = arith.addi %mul3A_885, %get3A_892 : vector<16xi32>
        %swap3A_894 = arith.constant 1 : i32
        %swap3A_895 = arith.index_cast %swap3A_894 : i32 to index
        %swap3A_896 = arith.constant 32 : index
        %swap3A_897 = tpu.vector_load %arg10[%swap3A_895, %swap3A_896] {strides = array<i32>} : memref<2x128xi32, #tpu.memory_space<vmem>>, vector<1x16xi32>,
        %swap3A_898 = vector.shape_cast %swap3A_897 : vector<1x16xi32> to vector<16xi32>
        %swap3A_899 = vector.shape_cast %add3A_893 : vector<16xi32> to vector<1x16xi32>
        tpu.vector_store %arg10[%swap3A_895, %swap3A_896], %swap3A_899 {strides = array<i32>} : memref<2x128xi32, #tpu.memory_space<vmem>>, vector<1x16xi32>,
        %get3A_900 = arith.constant 1 : i32
        %get3A_901 = arith.constant 1 : i32
        %get3A_902 = arith.index_cast %get3A_900 : i32 to index
        %get3A_903 = arith.index_cast %get3A_901 : i32 to index
        %get3A_904 = arith.constant 32 : index
        %get3A_905 = tpu.vector_load %arg8[%get3A_902, %get3A_903, %get3A_904] {strides = array<i32>} : memref<2x4x128xi32, #tpu.memory_space<vmem>>, vector<1x1x16xi32>,
        %get3A_906 = vector.shape_cast %get3A_905 : vector<1x1x16xi32> to vector<16xi32>
        %mul3A_907 = arith.constant 64 : i32
        %mul3A_908 = vector.broadcast %mul3A_907 : i32 to vector<16xi32>
        %mul3A_909 = arith.muli %get3A_906, %mul3A_908 : vector<16xi32>
        %get3A_910 = arith.constant 1 : i32
        %get3A_911 = arith.constant 2 : i32
        %get3A_912 = arith.index_cast %get3A_910 : i32 to index
        %get3A_913 = arith.index_cast %get3A_911 : i32 to index
        %get3A_914 = arith.constant 32 : index
        %get3A_915 = tpu.vector_load %arg8[%get3A_912, %get3A_913, %get3A_914] {strides = array<i32>} : memref<2x4x128xi32, #tpu.memory_space<vmem>>, vector<1x1x16xi32>,
        %get3A_916 = vector.shape_cast %get3A_915 : vector<1x1x16xi32> to vector<16xi32>
        %add3A_917 = arith.addi %mul3A_909, %get3A_916 : vector<16xi32>
        %swap3A_918 = arith.constant 1 : i32
        %swap3A_919 = arith.index_cast %swap3A_918 : i32 to index
        %swap3A_920 = arith.constant 32 : index
        %swap3A_921 = tpu.vector_load %arg11[%swap3A_919, %swap3A_920] {strides = array<i32>} : memref<2x128xi32, #tpu.memory_space<vmem>>, vector<1x16xi32>,
        %swap3A_922 = vector.shape_cast %swap3A_921 : vector<1x16xi32> to vector<16xi32>
        %swap3A_923 = vector.shape_cast %add3A_917 : vector<16xi32> to vector<1x16xi32>
        tpu.vector_store %arg11[%swap3A_919, %swap3A_920], %swap3A_923 {strides = array<i32>} : memref<2x128xi32, #tpu.memory_space<vmem>>, vector<1x16xi32>,
        %get3A_924 = arith.constant 1 : i32
        %get3A_925 = arith.constant 0 : i32
        %get3A_926 = arith.index_cast %get3A_924 : i32 to index
        %get3A_927 = arith.index_cast %get3A_925 : i32 to index
        %get3A_928 = arith.constant 48 : index
        %get3A_929 = tpu.vector_load %arg8[%get3A_926, %get3A_927, %get3A_928] {strides = array<i32>} : memref<2x4x128xi32, #tpu.memory_space<vmem>>, vector<1x1x16xi32>,
        %get3A_930 = vector.shape_cast %get3A_929 : vector<1x1x16xi32> to vector<16xi32>
        %mul3A_931 = arith.constant 64 : i32
        %mul3A_932 = vector.broadcast %mul3A_931 : i32 to vector<16xi32>
        %mul3A_933 = arith.muli %get3A_930, %mul3A_932 : vector<16xi32>
        %get3A_934 = arith.constant 1 : i32
        %get3A_935 = arith.constant 3 : i32
        %get3A_936 = arith.index_cast %get3A_934 : i32 to index
        %get3A_937 = arith.index_cast %get3A_935 : i32 to index
        %get3A_938 = arith.constant 48 : index
        %get3A_939 = tpu.vector_load %arg8[%get3A_936, %get3A_937, %get3A_938] {strides = array<i32>} : memref<2x4x128xi32, #tpu.memory_space<vmem>>, vector<1x1x16xi32>,
        %get3A_940 = vector.shape_cast %get3A_939 : vector<1x1x16xi32> to vector<16xi32>
        %add3A_941 = arith.addi %mul3A_933, %get3A_940 : vector<16xi32>
        %swap3A_942 = arith.constant 1 : i32
        %swap3A_943 = arith.index_cast %swap3A_942 : i32 to index
        %swap3A_944 = arith.constant 48 : index
        %swap3A_945 = tpu.vector_load %arg10[%swap3A_943, %swap3A_944] {strides = array<i32>} : memref<2x128xi32, #tpu.memory_space<vmem>>, vector<1x16xi32>,
        %swap3A_946 = vector.shape_cast %swap3A_945 : vector<1x16xi32> to vector<16xi32>
        %swap3A_947 = vector.shape_cast %add3A_941 : vector<16xi32> to vector<1x16xi32>
        tpu.vector_store %arg10[%swap3A_943, %swap3A_944], %swap3A_947 {strides = array<i32>} : memref<2x128xi32, #tpu.memory_space<vmem>>, vector<1x16xi32>,
        %get3A_948 = arith.constant 1 : i32
        %get3A_949 = arith.constant 1 : i32
        %get3A_950 = arith.index_cast %get3A_948 : i32 to index
        %get3A_951 = arith.index_cast %get3A_949 : i32 to index
        %get3A_952 = arith.constant 48 : index
        %get3A_953 = tpu.vector_load %arg8[%get3A_950, %get3A_951, %get3A_952] {strides = array<i32>} : memref<2x4x128xi32, #tpu.memory_space<vmem>>, vector<1x1x16xi32>,
        %get3A_954 = vector.shape_cast %get3A_953 : vector<1x1x16xi32> to vector<16xi32>
        %mul3A_955 = arith.constant 64 : i32
        %mul3A_956 = vector.broadcast %mul3A_955 : i32 to vector<16xi32>
        %mul3A_957 = arith.muli %get3A_954, %mul3A_956 : vector<16xi32>
        %get3A_958 = arith.constant 1 : i32
        %get3A_959 = arith.constant 2 : i32
        %get3A_960 = arith.index_cast %get3A_958 : i32 to index
        %get3A_961 = arith.index_cast %get3A_959 : i32 to index
        %get3A_962 = arith.constant 48 : index
        %get3A_963 = tpu.vector_load %arg8[%get3A_960, %get3A_961, %get3A_962] {strides = array<i32>} : memref<2x4x128xi32, #tpu.memory_space<vmem>>, vector<1x1x16xi32>,
        %get3A_964 = vector.shape_cast %get3A_963 : vector<1x1x16xi32> to vector<16xi32>
        %add3A_965 = arith.addi %mul3A_957, %get3A_964 : vector<16xi32>
        %swap3A_966 = arith.constant 1 : i32
        %swap3A_967 = arith.index_cast %swap3A_966 : i32 to index
        %swap3A_968 = arith.constant 48 : index
        %swap3A_969 = tpu.vector_load %arg11[%swap3A_967, %swap3A_968] {strides = array<i32>} : memref<2x128xi32, #tpu.memory_space<vmem>>, vector<1x16xi32>,
        %swap3A_970 = vector.shape_cast %swap3A_969 : vector<1x16xi32> to vector<16xi32>
        %swap3A_971 = vector.shape_cast %add3A_965 : vector<16xi32> to vector<1x16xi32>
        tpu.vector_store %arg11[%swap3A_967, %swap3A_968], %swap3A_971 {strides = array<i32>} : memref<2x128xi32, #tpu.memory_space<vmem>>, vector<1x16xi32>,
        %get3A_972 = arith.constant 1 : i32
        %get3A_973 = arith.constant 0 : i32
        %get3A_974 = arith.index_cast %get3A_972 : i32 to index
        %get3A_975 = arith.index_cast %get3A_973 : i32 to index
        %get3A_976 = arith.constant 64 : index
        %get3A_977 = tpu.vector_load %arg8[%get3A_974, %get3A_975, %get3A_976] {strides = array<i32>} : memref<2x4x128xi32, #tpu.memory_space<vmem>>, vector<1x1x16xi32>,
        %get3A_978 = vector.shape_cast %get3A_977 : vector<1x1x16xi32> to vector<16xi32>
        %mul3A_979 = arith.constant 64 : i32
        %mul3A_980 = vector.broadcast %mul3A_979 : i32 to vector<16xi32>
        %mul3A_981 = arith.muli %get3A_978, %mul3A_980 : vector<16xi32>
        %get3A_982 = arith.constant 1 : i32
        %get3A_983 = arith.constant 3 : i32
        %get3A_984 = arith.index_cast %get3A_982 : i32 to index
        %get3A_985 = arith.index_cast %get3A_983 : i32 to index
        %get3A_986 = arith.constant 64 : index
        %get3A_987 = tpu.vector_load %arg8[%get3A_984, %get3A_985, %get3A_986] {strides = array<i32>} : memref<2x4x128xi32, #tpu.memory_space<vmem>>, vector<1x1x16xi32>,
        %get3A_988 = vector.shape_cast %get3A_987 : vector<1x1x16xi32> to vector<16xi32>
        %add3A_989 = arith.addi %mul3A_981, %get3A_988 : vector<16xi32>
        %swap3A_990 = arith.constant 1 : i32
        %swap3A_991 = arith.index_cast %swap3A_990 : i32 to index
        %swap3A_992 = arith.constant 64 : index
        %swap3A_993 = tpu.vector_load %arg10[%swap3A_991, %swap3A_992] {strides = array<i32>} : memref<2x128xi32, #tpu.memory_space<vmem>>, vector<1x16xi32>,
        %swap3A_994 = vector.shape_cast %swap3A_993 : vector<1x16xi32> to vector<16xi32>
        %swap3A_995 = vector.shape_cast %add3A_989 : vector<16xi32> to vector<1x16xi32>
        tpu.vector_store %arg10[%swap3A_991, %swap3A_992], %swap3A_995 {strides = array<i32>} : memref<2x128xi32, #tpu.memory_space<vmem>>, vector<1x16xi32>,
        %get3A_996 = arith.constant 1 : i32
        %get3A_997 = arith.constant 1 : i32
        %get3A_998 = arith.index_cast %get3A_996 : i32 to index
        %get3A_999 = arith.index_cast %get3A_997 : i32 to index
        %get3A_1000 = arith.constant 64 : index
        %get3A_1001 = tpu.vector_load %arg8[%get3A_998, %get3A_999, %get3A_1000] {strides = array<i32>} : memref<2x4x128xi32, #tpu.memory_space<vmem>>, vector<1x1x16xi32>,
        %get3A_1002 = vector.shape_cast %get3A_1001 : vector<1x1x16xi32> to vector<16xi32>
        %mul3A_1003 = arith.constant 64 : i32
        %mul3A_1004 = vector.broadcast %mul3A_1003 : i32 to vector<16xi32>
        %mul3A_1005 = arith.muli %get3A_1002, %mul3A_1004 : vector<16xi32>
        %get3A_1006 = arith.constant 1 : i32
        %get3A_1007 = arith.constant 2 : i32
        %get3A_1008 = arith.index_cast %get3A_1006 : i32 to index
        %get3A_1009 = arith.index_cast %get3A_1007 : i32 to index
        %get3A_1010 = arith.constant 64 : index
        %get3A_1011 = tpu.vector_load %arg8[%get3A_1008, %get3A_1009, %get3A_1010] {strides = array<i32>} : memref<2x4x128xi32, #tpu.memory_space<vmem>>, vector<1x1x16xi32>,
        %get3A_1012 = vector.shape_cast %get3A_1011 : vector<1x1x16xi32> to vector<16xi32>
        %add3A_1013 = arith.addi %mul3A_1005, %get3A_1012 : vector<16xi32>
        %swap3A_1014 = arith.constant 1 : i32
        %swap3A_1015 = arith.index_cast %swap3A_1014 : i32 to index
        %swap3A_1016 = arith.constant 64 : index
        %swap3A_1017 = tpu.vector_load %arg11[%swap3A_1015, %swap3A_1016] {strides = array<i32>} : memref<2x128xi32, #tpu.memory_space<vmem>>, vector<1x16xi32>,
        %swap3A_1018 = vector.shape_cast %swap3A_1017 : vector<1x16xi32> to vector<16xi32>
        %swap3A_1019 = vector.shape_cast %add3A_1013 : vector<16xi32> to vector<1x16xi32>
        tpu.vector_store %arg11[%swap3A_1015, %swap3A_1016], %swap3A_1019 {strides = array<i32>} : memref<2x128xi32, #tpu.memory_space<vmem>>, vector<1x16xi32>,
        %get3A_1020 = arith.constant 1 : i32
        %get3A_1021 = arith.constant 0 : i32
        %get3A_1022 = arith.index_cast %get3A_1020 : i32 to index
        %get3A_1023 = arith.index_cast %get3A_1021 : i32 to index
        %get3A_1024 = arith.constant 80 : index
        %get3A_1025 = tpu.vector_load %arg8[%get3A_1022, %get3A_1023, %get3A_1024] {strides = array<i32>} : memref<2x4x128xi32, #tpu.memory_space<vmem>>, vector<1x1x16xi32>,
        %get3A_1026 = vector.shape_cast %get3A_1025 : vector<1x1x16xi32> to vector<16xi32>
        %mul3A_1027 = arith.constant 64 : i32
        %mul3A_1028 = vector.broadcast %mul3A_1027 : i32 to vector<16xi32>
        %mul3A_1029 = arith.muli %get3A_1026, %mul3A_1028 : vector<16xi32>
        %get3A_1030 = arith.constant 1 : i32
        %get3A_1031 = arith.constant 3 : i32
        %get3A_1032 = arith.index_cast %get3A_1030 : i32 to index
        %get3A_1033 = arith.index_cast %get3A_1031 : i32 to index
        %get3A_1034 = arith.constant 80 : index
        %get3A_1035 = tpu.vector_load %arg8[%get3A_1032, %get3A_1033, %get3A_1034] {strides = array<i32>} : memref<2x4x128xi32, #tpu.memory_space<vmem>>, vector<1x1x16xi32>,
        %get3A_1036 = vector.shape_cast %get3A_1035 : vector<1x1x16xi32> to vector<16xi32>
        %add3A_1037 = arith.addi %mul3A_1029, %get3A_1036 : vector<16xi32>
        %swap3A_1038 = arith.constant 1 : i32
        %swap3A_1039 = arith.index_cast %swap3A_1038 : i32 to index
        %swap3A_1040 = arith.constant 80 : index
        %swap3A_1041 = tpu.vector_load %arg10[%swap3A_1039, %swap3A_1040] {strides = array<i32>} : memref<2x128xi32, #tpu.memory_space<vmem>>, vector<1x16xi32>,
        %swap3A_1042 = vector.shape_cast %swap3A_1041 : vector<1x16xi32> to vector<16xi32>
        %swap3A_1043 = vector.shape_cast %add3A_1037 : vector<16xi32> to vector<1x16xi32>
        tpu.vector_store %arg10[%swap3A_1039, %swap3A_1040], %swap3A_1043 {strides = array<i32>} : memref<2x128xi32, #tpu.memory_space<vmem>>, vector<1x16xi32>,
        %get3A_1044 = arith.constant 1 : i32
        %get3A_1045 = arith.constant 1 : i32
        %get3A_1046 = arith.index_cast %get3A_1044 : i32 to index
        %get3A_1047 = arith.index_cast %get3A_1045 : i32 to index
        %get3A_1048 = arith.constant 80 : index
        %get3A_1049 = tpu.vector_load %arg8[%get3A_1046, %get3A_1047, %get3A_1048] {strides = array<i32>} : memref<2x4x128xi32, #tpu.memory_space<vmem>>, vector<1x1x16xi32>,
        %get3A_1050 = vector.shape_cast %get3A_1049 : vector<1x1x16xi32> to vector<16xi32>
        %mul3A_1051 = arith.constant 64 : i32
        %mul3A_1052 = vector.broadcast %mul3A_1051 : i32 to vector<16xi32>
        %mul3A_1053 = arith.muli %get3A_1050, %mul3A_1052 : vector<16xi32>
        %get3A_1054 = arith.constant 1 : i32
        %get3A_1055 = arith.constant 2 : i32
        %get3A_1056 = arith.index_cast %get3A_1054 : i32 to index
        %get3A_1057 = arith.index_cast %get3A_1055 : i32 to index
        %get3A_1058 = arith.constant 80 : index
        %get3A_1059 = tpu.vector_load %arg8[%get3A_1056, %get3A_1057, %get3A_1058] {strides = array<i32>} : memref<2x4x128xi32, #tpu.memory_space<vmem>>, vector<1x1x16xi32>,
        %get3A_1060 = vector.shape_cast %get3A_1059 : vector<1x1x16xi32> to vector<16xi32>
        %add3A_1061 = arith.addi %mul3A_1053, %get3A_1060 : vector<16xi32>
        %swap3A_1062 = arith.constant 1 : i32
        %swap3A_1063 = arith.index_cast %swap3A_1062 : i32 to index
        %swap3A_1064 = arith.constant 80 : index
        %swap3A_1065 = tpu.vector_load %arg11[%swap3A_1063, %swap3A_1064] {strides = array<i32>} : memref<2x128xi32, #tpu.memory_space<vmem>>, vector<1x16xi32>,
        %swap3A_1066 = vector.shape_cast %swap3A_1065 : vector<1x16xi32> to vector<16xi32>
        %swap3A_1067 = vector.shape_cast %add3A_1061 : vector<16xi32> to vector<1x16xi32>
        tpu.vector_store %arg11[%swap3A_1063, %swap3A_1064], %swap3A_1067 {strides = array<i32>} : memref<2x128xi32, #tpu.memory_space<vmem>>, vector<1x16xi32>,
        %get3A_1068 = arith.constant 1 : i32
        %get3A_1069 = arith.constant 0 : i32
        %get3A_1070 = arith.index_cast %get3A_1068 : i32 to index
        %get3A_1071 = arith.index_cast %get3A_1069 : i32 to index
        %get3A_1072 = arith.constant 96 : index
        %get3A_1073 = tpu.vector_load %arg8[%get3A_1070, %get3A_1071, %get3A_1072] {strides = array<i32>} : memref<2x4x128xi32, #tpu.memory_space<vmem>>, vector<1x1x16xi32>,
        %get3A_1074 = vector.shape_cast %get3A_1073 : vector<1x1x16xi32> to vector<16xi32>
        %mul3A_1075 = arith.constant 64 : i32
        %mul3A_1076 = vector.broadcast %mul3A_1075 : i32 to vector<16xi32>
        %mul3A_1077 = arith.muli %get3A_1074, %mul3A_1076 : vector<16xi32>
        %get3A_1078 = arith.constant 1 : i32
        %get3A_1079 = arith.constant 3 : i32
        %get3A_1080 = arith.index_cast %get3A_1078 : i32 to index
        %get3A_1081 = arith.index_cast %get3A_1079 : i32 to index
        %get3A_1082 = arith.constant 96 : index
        %get3A_1083 = tpu.vector_load %arg8[%get3A_1080, %get3A_1081, %get3A_1082] {strides = array<i32>} : memref<2x4x128xi32, #tpu.memory_space<vmem>>, vector<1x1x16xi32>,
        %get3A_1084 = vector.shape_cast %get3A_1083 : vector<1x1x16xi32> to vector<16xi32>
        %add3A_1085 = arith.addi %mul3A_1077, %get3A_1084 : vector<16xi32>
        %swap3A_1086 = arith.constant 1 : i32
        %swap3A_1087 = arith.index_cast %swap3A_1086 : i32 to index
        %swap3A_1088 = arith.constant 96 : index
        %swap3A_1089 = tpu.vector_load %arg10[%swap3A_1087, %swap3A_1088] {strides = array<i32>} : memref<2x128xi32, #tpu.memory_space<vmem>>, vector<1x16xi32>,
        %swap3A_1090 = vector.shape_cast %swap3A_1089 : vector<1x16xi32> to vector<16xi32>
        %swap3A_1091 = vector.shape_cast %add3A_1085 : vector<16xi32> to vector<1x16xi32>
        tpu.vector_store %arg10[%swap3A_1087, %swap3A_1088], %swap3A_1091 {strides = array<i32>} : memref<2x128xi32, #tpu.memory_space<vmem>>, vector<1x16xi32>,
        %get3A_1092 = arith.constant 1 : i32
        %get3A_1093 = arith.constant 1 : i32
        %get3A_1094 = arith.index_cast %get3A_1092 : i32 to index
        %get3A_1095 = arith.index_cast %get3A_1093 : i32 to index
        %get3A_1096 = arith.constant 96 : index
        %get3A_1097 = tpu.vector_load %arg8[%get3A_1094, %get3A_1095, %get3A_1096] {strides = array<i32>} : memref<2x4x128xi32, #tpu.memory_space<vmem>>, vector<1x1x16xi32>,
        %get3A_1098 = vector.shape_cast %get3A_1097 : vector<1x1x16xi32> to vector<16xi32>
        %mul3A_1099 = arith.constant 64 : i32
        %mul3A_1100 = vector.broadcast %mul3A_1099 : i32 to vector<16xi32>
        %mul3A_1101 = arith.muli %get3A_1098, %mul3A_1100 : vector<16xi32>
        %get3A_1102 = arith.constant 1 : i32
        %get3A_1103 = arith.constant 2 : i32
        %get3A_1104 = arith.index_cast %get3A_1102 : i32 to index
        %get3A_1105 = arith.index_cast %get3A_1103 : i32 to index
        %get3A_1106 = arith.constant 96 : index
        %get3A_1107 = tpu.vector_load %arg8[%get3A_1104, %get3A_1105, %get3A_1106] {strides = array<i32>} : memref<2x4x128xi32, #tpu.memory_space<vmem>>, vector<1x1x16xi32>,
        %get3A_1108 = vector.shape_cast %get3A_1107 : vector<1x1x16xi32> to vector<16xi32>
        %add3A_1109 = arith.addi %mul3A_1101, %get3A_1108 : vector<16xi32>
        %swap3A_1110 = arith.constant 1 : i32
        %swap3A_1111 = arith.index_cast %swap3A_1110 : i32 to index
        %swap3A_1112 = arith.constant 96 : index
        %swap3A_1113 = tpu.vector_load %arg11[%swap3A_1111, %swap3A_1112] {strides = array<i32>} : memref<2x128xi32, #tpu.memory_space<vmem>>, vector<1x16xi32>,
        %swap3A_1114 = vector.shape_cast %swap3A_1113 : vector<1x16xi32> to vector<16xi32>
        %swap3A_1115 = vector.shape_cast %add3A_1109 : vector<16xi32> to vector<1x16xi32>
        tpu.vector_store %arg11[%swap3A_1111, %swap3A_1112], %swap3A_1115 {strides = array<i32>} : memref<2x128xi32, #tpu.memory_space<vmem>>, vector<1x16xi32>,
        %get3A_1116 = arith.constant 1 : i32
        %get3A_1117 = arith.constant 0 : i32
        %get3A_1118 = arith.index_cast %get3A_1116 : i32 to index
        %get3A_1119 = arith.index_cast %get3A_1117 : i32 to index
        %get3A_1120 = arith.constant 112 : index
        %get3A_1121 = tpu.vector_load %arg8[%get3A_1118, %get3A_1119, %get3A_1120] {strides = array<i32>} : memref<2x4x128xi32, #tpu.memory_space<vmem>>, vector<1x1x16xi32>,
        %get3A_1122 = vector.shape_cast %get3A_1121 : vector<1x1x16xi32> to vector<16xi32>
        %mul3A_1123 = arith.constant 64 : i32
        %mul3A_1124 = vector.broadcast %mul3A_1123 : i32 to vector<16xi32>
        %mul3A_1125 = arith.muli %get3A_1122, %mul3A_1124 : vector<16xi32>
        %get3A_1126 = arith.constant 1 : i32
        %get3A_1127 = arith.constant 3 : i32
        %get3A_1128 = arith.index_cast %get3A_1126 : i32 to index
        %get3A_1129 = arith.index_cast %get3A_1127 : i32 to index
        %get3A_1130 = arith.constant 112 : index
        %get3A_1131 = tpu.vector_load %arg8[%get3A_1128, %get3A_1129, %get3A_1130] {strides = array<i32>} : memref<2x4x128xi32, #tpu.memory_space<vmem>>, vector<1x1x16xi32>,
        %get3A_1132 = vector.shape_cast %get3A_1131 : vector<1x1x16xi32> to vector<16xi32>
        %add3A_1133 = arith.addi %mul3A_1125, %get3A_1132 : vector<16xi32>
        %swap3A_1134 = arith.constant 1 : i32
        %swap3A_1135 = arith.index_cast %swap3A_1134 : i32 to index
        %swap3A_1136 = arith.constant 112 : index
        %swap3A_1137 = tpu.vector_load %arg10[%swap3A_1135, %swap3A_1136] {strides = array<i32>} : memref<2x128xi32, #tpu.memory_space<vmem>>, vector<1x16xi32>,
        %swap3A_1138 = vector.shape_cast %swap3A_1137 : vector<1x16xi32> to vector<16xi32>
        %swap3A_1139 = vector.shape_cast %add3A_1133 : vector<16xi32> to vector<1x16xi32>
        tpu.vector_store %arg10[%swap3A_1135, %swap3A_1136], %swap3A_1139 {strides = array<i32>} : memref<2x128xi32, #tpu.memory_space<vmem>>, vector<1x16xi32>,
        %get3A_1140 = arith.constant 1 : i32
        %get3A_1141 = arith.constant 1 : i32
        %get3A_1142 = arith.index_cast %get3A_1140 : i32 to index
        %get3A_1143 = arith.index_cast %get3A_1141 : i32 to index
        %get3A_1144 = arith.constant 112 : index
        %get3A_1145 = tpu.vector_load %arg8[%get3A_1142, %get3A_1143, %get3A_1144] {strides = array<i32>} : memref<2x4x128xi32, #tpu.memory_space<vmem>>, vector<1x1x16xi32>,
        %get3A_1146 = vector.shape_cast %get3A_1145 : vector<1x1x16xi32> to vector<16xi32>
        %mul3A_1147 = arith.constant 64 : i32
        %mul3A_1148 = vector.broadcast %mul3A_1147 : i32 to vector<16xi32>
        %mul3A_1149 = arith.muli %get3A_1146, %mul3A_1148 : vector<16xi32>
        %get3A_1150 = arith.constant 1 : i32
        %get3A_1151 = arith.constant 2 : i32
        %get3A_1152 = arith.index_cast %get3A_1150 : i32 to index
        %get3A_1153 = arith.index_cast %get3A_1151 : i32 to index
        %get3A_1154 = arith.constant 112 : index
        %get3A_1155 = tpu.vector_load %arg8[%get3A_1152, %get3A_1153, %get3A_1154] {strides = array<i32>} : memref<2x4x128xi32, #tpu.memory_space<vmem>>, vector<1x1x16xi32>,
        %get3A_1156 = vector.shape_cast %get3A_1155 : vector<1x1x16xi32> to vector<16xi32>
        %add3A_1157 = arith.addi %mul3A_1149, %get3A_1156 : vector<16xi32>
        %swap3A_1158 = arith.constant 1 : i32
        %swap3A_1159 = arith.index_cast %swap3A_1158 : i32 to index
        %swap3A_1160 = arith.constant 112 : index
        %swap3A_1161 = tpu.vector_load %arg11[%swap3A_1159, %swap3A_1160] {strides = array<i32>} : memref<2x128xi32, #tpu.memory_space<vmem>>, vector<1x16xi32>,
        %swap3A_1162 = vector.shape_cast %swap3A_1161 : vector<1x16xi32> to vector<16xi32>
        %swap3A_1163 = vector.shape_cast %add3A_1157 : vector<16xi32> to vector<1x16xi32>
        tpu.vector_store %arg11[%swap3A_1159, %swap3A_1160], %swap3A_1163 {strides = array<i32>} : memref<2x128xi32, #tpu.memory_space<vmem>>, vector<1x16xi32>,
        %ge3A = arith.constant 1 : i32
        %ge3A_1164 = arith.cmpi sge, %mul3A_580, %ge3A : i32
        %convert_element_type3A_1165 = arith.extui %ge3A_1164 : i1 to i32
        %cond3A_1166 = arith.constant 0 : i32
        %cond3A_1167 = arith.cmpi ne, %convert_element_type3A_1165, %cond3A_1166 : i32
        scf.if %cond3A_1167 {
          %dma_wait3A_1213 = arith.constant 1 : i32
          %dma_wait3A_1214 = arith.constant 1 : i32
          %dma_wait3A_1215 = arith.constant 0 : i32
          %dma_wait3A_1216 = arith.constant 0 : i32
          %dma_wait3A_1217 = tpu.memref_slice %arg12[%dma_wait3A_1213, %dma_wait3A_1215, %dma_wait3A_1216] : memref<2x128x128xf32, #tpu.memory_space<vmem>> -> memref<1x128x128xf32, #tpu.memory_space<vmem>>
          %dma_wait3A_1218 = tpu.memref_squeeze %dma_wait3A_1217 : memref<1x128x128xf32, #tpu.memory_space<vmem>> -> memref<128x128xf32, #tpu.memory_space<vmem>>
          %dma_wait3A_1219 = arith.constant 0 : i32
          %dma_wait3A_1220 = arith.constant 0 : i32
          %dma_wait3A_1221 = tpu.memref_slice %arg7[%dma_wait3A_1219, %dma_wait3A_1220] : memref<204800x128xf32, #tpu.memory_space<hbm>> -> memref<128x128xf32, #tpu.memory_space<hbm>>
          %dma_wait3A_1222 = tpu.memref_slice %arg17[%dma_wait3A_1214] : memref<2x!tpu.dma_semaphore, #tpu.memory_space<semaphore_mem>> -> memref<1x!tpu.dma_semaphore, #tpu.memory_space<semaphore_mem>>
          %dma_wait3A_1223 = tpu.memref_squeeze %dma_wait3A_1222 : memref<1x!tpu.dma_semaphore, #tpu.memory_space<semaphore_mem>> -> memref<!tpu.dma_semaphore, #tpu.memory_space<semaphore_mem>>
          %dma_wait3A_1224 = arith.constant 0 : i32
          %dma_wait3A_1225 = arith.constant 0 : i32
          %dma_wait3A_1226 = tpu.memref_slice %arg7[%dma_wait3A_1224, %dma_wait3A_1225] : memref<204800x128xf32, #tpu.memory_space<hbm>> -> memref<128x128xf32, #tpu.memory_space<hbm>>
          %dma_wait3A_1227 = arith.constant 0 : i32
          %dma_wait3A_1228 = arith.constant 0 : i32
          %dma_wait3A_1229 = tpu.memref_slice %arg12[%dma_wait3A_1213, %dma_wait3A_1227, %dma_wait3A_1228] : memref<2x128x128xf32, #tpu.memory_space<vmem>> -> memref<1x128x128xf32, #tpu.memory_space<vmem>>
          %dma_wait3A_1230 = tpu.memref_squeeze %dma_wait3A_1229 : memref<1x128x128xf32, #tpu.memory_space<vmem>> -> memref<128x128xf32, #tpu.memory_space<vmem>>
          tpu.wait_dma2 semaphore(%dma_wait3A_1223 : memref<!tpu.dma_semaphore, #tpu.memory_space<semaphore_mem>>) src(%dma_wait3A_1230 : memref<128x128xf32, #tpu.memory_space<vmem>>) dst(%dma_wait3A_1226 : memref<128x128xf32, #tpu.memory_space<hbm>>)
        } else {
        }
        %dma_start3A_1168 = arith.constant 1 : i32
        %dma_start3A_1169 = arith.constant 1 : i32
        %dma_start3A_1170 = arith.constant 1 : i32
        %dma_start3A_1171 = arith.constant 0 : i32
        %dma_start3A_1172 = arith.constant 0 : i32
        %dma_start3A_1173 = tpu.memref_slice %arg12[%dma_start3A_1169, %dma_start3A_1171, %dma_start3A_1172] : memref<2x128x128xf32, #tpu.memory_space<vmem>> -> memref<1x128x128xf32, #tpu.memory_space<vmem>>
        %dma_start3A_1174 = tpu.memref_squeeze %dma_start3A_1173 : memref<1x128x128xf32, #tpu.memory_space<vmem>> -> memref<128x128xf32, #tpu.memory_space<vmem>>
        %dma_start3A_1175 = arith.constant 0 : i32
        %dma_start3A_1176 = tpu.memref_slice %arg9[%dma_start3A_1168, %dma_start3A_1175] : memref<2x128xi32, #tpu.memory_space<vmem>> -> memref<1x128xi32, #tpu.memory_space<vmem>>
        %dma_start3A_1177 = tpu.memref_squeeze %dma_start3A_1176 : memref<1x128xi32, #tpu.memory_space<vmem>> -> memref<128xi32, #tpu.memory_space<vmem>>
        %dma_start3A_1178 = arith.constant 0 : i32
        %dma_start3A_1179 = arith.constant 0 : i32
        %dma_start3A_1180 = tpu.memref_slice %arg4[%dma_start3A_1178, %dma_start3A_1179] : memref<1001x128xf32, #tpu.memory_space<hbm>> -> memref<1001x128xf32, #tpu.memory_space<hbm>>
        %dma_start3A_1181 = tpu.memref_slice %arg16[%dma_start3A_1170] : memref<2x!tpu.dma_semaphore, #tpu.memory_space<semaphore_mem>> -> memref<1x!tpu.dma_semaphore, #tpu.memory_space<semaphore_mem>>
        %dma_start3A_1182 = tpu.memref_squeeze %dma_start3A_1181 : memref<1x!tpu.dma_semaphore, #tpu.memory_space<semaphore_mem>> -> memref<!tpu.dma_semaphore, #tpu.memory_space<semaphore_mem>>
        tpu.enqueue_indirect_dma source(%dma_start3A_1180 : memref<1001x128xf32, #tpu.memory_space<hbm>>) target(%dma_start3A_1174 : memref<128x128xf32, #tpu.memory_space<vmem>>) offsets(%dma_start3A_1177 : memref<128xi32, #tpu.memory_space<vmem>>) semaphore(%dma_start3A_1182 : memref<!tpu.dma_semaphore, #tpu.memory_space<semaphore_mem>>)
        %dma_start3A_1183 = arith.constant 1 : i32
        %dma_start3A_1184 = arith.constant 1 : i32
        %dma_start3A_1185 = arith.constant 1 : i32
        %dma_start3A_1186 = arith.constant 0 : i32
        %dma_start3A_1187 = arith.constant 0 : i32
        %dma_start3A_1188 = tpu.memref_slice %arg13[%dma_start3A_1184, %dma_start3A_1186, %dma_start3A_1187] : memref<2x128x128xf32, #tpu.memory_space<vmem>> -> memref<1x128x128xf32, #tpu.memory_space<vmem>>
        %dma_start3A_1189 = tpu.memref_squeeze %dma_start3A_1188 : memref<1x128x128xf32, #tpu.memory_space<vmem>> -> memref<128x128xf32, #tpu.memory_space<vmem>>
        %dma_start3A_1190 = arith.constant 0 : i32
        %dma_start3A_1191 = tpu.memref_slice %arg10[%dma_start3A_1183, %dma_start3A_1190] : memref<2x128xi32, #tpu.memory_space<vmem>> -> memref<1x128xi32, #tpu.memory_space<vmem>>
        %dma_start3A_1192 = tpu.memref_squeeze %dma_start3A_1191 : memref<1x128xi32, #tpu.memory_space<vmem>> -> memref<128xi32, #tpu.memory_space<vmem>>
        %dma_start3A_1193 = arith.constant 0 : i32
        %dma_start3A_1194 = arith.constant 0 : i32
        %dma_start3A_1195 = tpu.memref_slice %arg5[%dma_start3A_1193, %dma_start3A_1194] : memref<2112x128xf32, #tpu.memory_space<hbm>> -> memref<2112x128xf32, #tpu.memory_space<hbm>>
        %dma_start3A_1196 = tpu.memref_slice %arg16[%dma_start3A_1185] : memref<2x!tpu.dma_semaphore, #tpu.memory_space<semaphore_mem>> -> memref<1x!tpu.dma_semaphore, #tpu.memory_space<semaphore_mem>>
        %dma_start3A_1197 = tpu.memref_squeeze %dma_start3A_1196 : memref<1x!tpu.dma_semaphore, #tpu.memory_space<semaphore_mem>> -> memref<!tpu.dma_semaphore, #tpu.memory_space<semaphore_mem>>
        tpu.enqueue_indirect_dma source(%dma_start3A_1195 : memref<2112x128xf32, #tpu.memory_space<hbm>>) target(%dma_start3A_1189 : memref<128x128xf32, #tpu.memory_space<vmem>>) offsets(%dma_start3A_1192 : memref<128xi32, #tpu.memory_space<vmem>>) semaphore(%dma_start3A_1197 : memref<!tpu.dma_semaphore, #tpu.memory_space<semaphore_mem>>)
        %dma_start3A_1198 = arith.constant 1 : i32
        %dma_start3A_1199 = arith.constant 1 : i32
        %dma_start3A_1200 = arith.constant 1 : i32
        %dma_start3A_1201 = arith.constant 0 : i32
        %dma_start3A_1202 = arith.constant 0 : i32
        %dma_start3A_1203 = tpu.memref_slice %arg14[%dma_start3A_1199, %dma_start3A_1201, %dma_start3A_1202] : memref<2x128x128xf32, #tpu.memory_space<vmem>> -> memref<1x128x128xf32, #tpu.memory_space<vmem>>
        %dma_start3A_1204 = tpu.memref_squeeze %dma_start3A_1203 : memref<1x128x128xf32, #tpu.memory_space<vmem>> -> memref<128x128xf32, #tpu.memory_space<vmem>>
        %dma_start3A_1205 = arith.constant 0 : i32
        %dma_start3A_1206 = tpu.memref_slice %arg11[%dma_start3A_1198, %dma_start3A_1205] : memref<2x128xi32, #tpu.memory_space<vmem>> -> memref<1x128xi32, #tpu.memory_space<vmem>>
        %dma_start3A_1207 = tpu.memref_squeeze %dma_start3A_1206 : memref<1x128xi32, #tpu.memory_space<vmem>> -> memref<128xi32, #tpu.memory_space<vmem>>
        %dma_start3A_1208 = arith.constant 0 : i32
        %dma_start3A_1209 = arith.constant 0 : i32
        %dma_start3A_1210 = tpu.memref_slice %arg6[%dma_start3A_1208, %dma_start3A_1209] : memref<4096x128xf32, #tpu.memory_space<hbm>> -> memref<4096x128xf32, #tpu.memory_space<hbm>>
        %dma_start3A_1211 = tpu.memref_slice %arg16[%dma_start3A_1200] : memref<2x!tpu.dma_semaphore, #tpu.memory_space<semaphore_mem>> -> memref<1x!tpu.dma_semaphore, #tpu.memory_space<semaphore_mem>>
        %dma_start3A_1212 = tpu.memref_squeeze %dma_start3A_1211 : memref<1x!tpu.dma_semaphore, #tpu.memory_space<semaphore_mem>> -> memref<!tpu.dma_semaphore, #tpu.memory_space<semaphore_mem>>
        tpu.enqueue_indirect_dma source(%dma_start3A_1210 : memref<4096x128xf32, #tpu.memory_space<hbm>>) target(%dma_start3A_1204 : memref<128x128xf32, #tpu.memory_space<vmem>>) offsets(%dma_start3A_1207 : memref<128xi32, #tpu.memory_space<vmem>>) semaphore(%dma_start3A_1212 : memref<!tpu.dma_semaphore, #tpu.memory_space<semaphore_mem>>)
      } else {
      }
      %dma_wait3A_585 = arith.constant 0 : i32
      %dma_wait3A_586 = arith.constant 0 : i32
      %dma_wait3A_587 = arith.constant 0 : i32
      %dma_wait3A_588 = arith.constant 0 : i32
      %dma_wait3A_589 = arith.constant 0 : i32
      %dma_wait3A_590 = tpu.memref_slice %arg12[%dma_wait3A_586, %dma_wait3A_588, %dma_wait3A_589] : memref<2x128x128xf32, #tpu.memory_space<vmem>> -> memref<1x128x128xf32, #tpu.memory_space<vmem>>
      %dma_wait3A_591 = tpu.memref_squeeze %dma_wait3A_590 : memref<1x128x128xf32, #tpu.memory_space<vmem>> -> memref<128x128xf32, #tpu.memory_space<vmem>>
      %dma_wait3A_592 = arith.constant 0 : i32
      %dma_wait3A_593 = tpu.memref_slice %arg9[%dma_wait3A_585, %dma_wait3A_592] : memref<2x128xi32, #tpu.memory_space<vmem>> -> memref<1x128xi32, #tpu.memory_space<vmem>>
      %dma_wait3A_594 = tpu.memref_squeeze %dma_wait3A_593 : memref<1x128xi32, #tpu.memory_space<vmem>> -> memref<128xi32, #tpu.memory_space<vmem>>
      %dma_wait3A_595 = arith.constant 0 : i32
      %dma_wait3A_596 = arith.constant 0 : i32
      %dma_wait3A_597 = tpu.memref_slice %arg4[%dma_wait3A_595, %dma_wait3A_596] : memref<1001x128xf32, #tpu.memory_space<hbm>> -> memref<1001x128xf32, #tpu.memory_space<hbm>>
      %dma_wait3A_598 = tpu.memref_slice %arg16[%dma_wait3A_587] : memref<2x!tpu.dma_semaphore, #tpu.memory_space<semaphore_mem>> -> memref<1x!tpu.dma_semaphore, #tpu.memory_space<semaphore_mem>>
      %dma_wait3A_599 = tpu.memref_squeeze %dma_wait3A_598 : memref<1x!tpu.dma_semaphore, #tpu.memory_space<semaphore_mem>> -> memref<!tpu.dma_semaphore, #tpu.memory_space<semaphore_mem>>
      tpu.wait_indirect_dma semaphore(%dma_wait3A_599 : memref<!tpu.dma_semaphore, #tpu.memory_space<semaphore_mem>>) src(%dma_wait3A_597 : memref<1001x128xf32, #tpu.memory_space<hbm>>) dst(%dma_wait3A_591 : memref<128x128xf32, #tpu.memory_space<vmem>>)
      %dma_wait3A_600 = arith.constant 0 : i32
      %dma_wait3A_601 = arith.constant 0 : i32
      %dma_wait3A_602 = arith.constant 0 : i32
      %dma_wait3A_603 = arith.constant 0 : i32
      %dma_wait3A_604 = arith.constant 0 : i32
      %dma_wait3A_605 = tpu.memref_slice %arg13[%dma_wait3A_601, %dma_wait3A_603, %dma_wait3A_604] : memref<2x128x128xf32, #tpu.memory_space<vmem>> -> memref<1x128x128xf32, #tpu.memory_space<vmem>>
      %dma_wait3A_606 = tpu.memref_squeeze %dma_wait3A_605 : memref<1x128x128xf32, #tpu.memory_space<vmem>> -> memref<128x128xf32, #tpu.memory_space<vmem>>
      %dma_wait3A_607 = arith.constant 0 : i32
      %dma_wait3A_608 = tpu.memref_slice %arg10[%dma_wait3A_600, %dma_wait3A_607] : memref<2x128xi32, #tpu.memory_space<vmem>> -> memref<1x128xi32, #tpu.memory_space<vmem>>
      %dma_wait3A_609 = tpu.memref_squeeze %dma_wait3A_608 : memref<1x128xi32, #tpu.memory_space<vmem>> -> memref<128xi32, #tpu.memory_space<vmem>>
      %dma_wait3A_610 = arith.constant 0 : i32
      %dma_wait3A_611 = arith.constant 0 : i32
      %dma_wait3A_612 = tpu.memref_slice %arg5[%dma_wait3A_610, %dma_wait3A_611] : memref<2112x128xf32, #tpu.memory_space<hbm>> -> memref<2112x128xf32, #tpu.memory_space<hbm>>
      %dma_wait3A_613 = tpu.memref_slice %arg16[%dma_wait3A_602] : memref<2x!tpu.dma_semaphore, #tpu.memory_space<semaphore_mem>> -> memref<1x!tpu.dma_semaphore, #tpu.memory_space<semaphore_mem>>
      %dma_wait3A_614 = tpu.memref_squeeze %dma_wait3A_613 : memref<1x!tpu.dma_semaphore, #tpu.memory_space<semaphore_mem>> -> memref<!tpu.dma_semaphore, #tpu.memory_space<semaphore_mem>>
      tpu.wait_indirect_dma semaphore(%dma_wait3A_614 : memref<!tpu.dma_semaphore, #tpu.memory_space<semaphore_mem>>) src(%dma_wait3A_612 : memref<2112x128xf32, #tpu.memory_space<hbm>>) dst(%dma_wait3A_606 : memref<128x128xf32, #tpu.memory_space<vmem>>)
      %dma_wait3A_615 = arith.constant 0 : i32
      %dma_wait3A_616 = arith.constant 0 : i32
      %dma_wait3A_617 = arith.constant 0 : i32
      %dma_wait3A_618 = arith.constant 0 : i32
      %dma_wait3A_619 = arith.constant 0 : i32
      %dma_wait3A_620 = tpu.memref_slice %arg14[%dma_wait3A_616, %dma_wait3A_618, %dma_wait3A_619] : memref<2x128x128xf32, #tpu.memory_space<vmem>> -> memref<1x128x128xf32, #tpu.memory_space<vmem>>
      %dma_wait3A_621 = tpu.memref_squeeze %dma_wait3A_620 : memref<1x128x128xf32, #tpu.memory_space<vmem>> -> memref<128x128xf32, #tpu.memory_space<vmem>>
      %dma_wait3A_622 = arith.constant 0 : i32
      %dma_wait3A_623 = tpu.memref_slice %arg11[%dma_wait3A_615, %dma_wait3A_622] : memref<2x128xi32, #tpu.memory_space<vmem>> -> memref<1x128xi32, #tpu.memory_space<vmem>>
      %dma_wait3A_624 = tpu.memref_squeeze %dma_wait3A_623 : memref<1x128xi32, #tpu.memory_space<vmem>> -> memref<128xi32, #tpu.memory_space<vmem>>
      %dma_wait3A_625 = arith.constant 0 : i32
      %dma_wait3A_626 = arith.constant 0 : i32
      %dma_wait3A_627 = tpu.memref_slice %arg6[%dma_wait3A_625, %dma_wait3A_626] : memref<4096x128xf32, #tpu.memory_space<hbm>> -> memref<4096x128xf32, #tpu.memory_space<hbm>>
      %dma_wait3A_628 = tpu.memref_slice %arg16[%dma_wait3A_617] : memref<2x!tpu.dma_semaphore, #tpu.memory_space<semaphore_mem>> -> memref<1x!tpu.dma_semaphore, #tpu.memory_space<semaphore_mem>>
      %dma_wait3A_629 = tpu.memref_squeeze %dma_wait3A_628 : memref<1x!tpu.dma_semaphore, #tpu.memory_space<semaphore_mem>> -> memref<!tpu.dma_semaphore, #tpu.memory_space<semaphore_mem>>
      tpu.wait_indirect_dma semaphore(%dma_wait3A_629 : memref<!tpu.dma_semaphore, #tpu.memory_space<semaphore_mem>>) src(%dma_wait3A_627 : memref<4096x128xf32, #tpu.memory_space<hbm>>) dst(%dma_wait3A_621 : memref<128x128xf32, #tpu.memory_space<vmem>>)
      %add3A_630 = arith.constant 2 : i32
      %add3A_631 = arith.addi %mul3A_580, %add3A_630 : i32
      %lt3A_632 = arith.constant 50 : i32
      %lt3A_633 = arith.cmpi slt, %add3A_631, %lt3A_632 : i32
      %convert_element_type3A_634 = arith.extui %lt3A_633 : i1 to i32
      %cond3A_635 = arith.constant 0 : i32
      %cond3A_636 = arith.cmpi ne, %convert_element_type3A_634, %cond3A_635 : i32
      scf.if %cond3A_636 {
        %add3A_745 = arith.constant 2 : i32
        %add3A_746 = arith.addi %mul3A_580, %add3A_745 : i32
        %mul3A_747 = arith.constant 50 : i32
        %mul3A_748 = arith.muli %add3A, %mul3A_747 : i32
        %add3A_749 = arith.addi %mul3A_748, %add3A_746 : i32
        %mul3A_750 = arith.constant 128 : i32
        %mul3A_751 = arith.muli %add3A_749, %mul3A_750 : i32
        %dma_start3A_752 = arith.constant 0 : i32
        %dma_start3A_753 = arith.constant 0 : i32
        %dma_start3A_754 = arith.constant 0 : i32
        %dma_start3A_755 = tpu.memref_slice %arg9[%dma_start3A_752, %dma_start3A_754] : memref<2x128xi32, #tpu.memory_space<vmem>> -> memref<1x128xi32, #tpu.memory_space<vmem>>
        %dma_start3A_756 = tpu.memref_squeeze %dma_start3A_755 : memref<1x128xi32, #tpu.memory_space<vmem>> -> memref<128xi32, #tpu.memory_space<vmem>>
        %dma_start3A_757 = tpu.memref_slice %arg2[%mul3A_751] : memref<204800xi32, #tpu.memory_space<hbm>> -> memref<128xi32, #tpu.memory_space<hbm>>
        %dma_start3A_758 = tpu.memref_slice %arg15[%dma_start3A_753] : memref<2x!tpu.dma_semaphore, #tpu.memory_space<semaphore_mem>> -> memref<1x!tpu.dma_semaphore, #tpu.memory_space<semaphore_mem>>
        %dma_start3A_759 = tpu.memref_squeeze %dma_start3A_758 : memref<1x!tpu.dma_semaphore, #tpu.memory_space<semaphore_mem>> -> memref<!tpu.dma_semaphore, #tpu.memory_space<semaphore_mem>>
        %dma_start3A_760 = arith.constant 0 : i32
        %dma_start3A_761 = tpu.memref_slice %arg9[%dma_start3A_752, %dma_start3A_760] : memref<2x128xi32, #tpu.memory_space<vmem>> -> memref<1x128xi32, #tpu.memory_space<vmem>>
        %dma_start3A_762 = tpu.memref_squeeze %dma_start3A_761 : memref<1x128xi32, #tpu.memory_space<vmem>> -> memref<128xi32, #tpu.memory_space<vmem>>
        %dma_start3A_763 = tpu.memref_slice %arg2[%mul3A_751] : memref<204800xi32, #tpu.memory_space<hbm>> -> memref<128xi32, #tpu.memory_space<hbm>>
        tpu.enqueue_dma source(%dma_start3A_763 : memref<128xi32, #tpu.memory_space<hbm>>) target(%dma_start3A_762 : memref<128xi32, #tpu.memory_space<vmem>>) target_semaphore(%dma_start3A_759 : memref<!tpu.dma_semaphore, #tpu.memory_space<semaphore_mem>>)
        %dma_start3A_764 = arith.constant 0 : i32
        %dma_start3A_765 = arith.constant 0 : i32
        %dma_start3A_766 = arith.constant 0 : i32
        %dma_start3A_767 = arith.constant 0 : i32
        %dma_start3A_768 = tpu.memref_slice %arg8[%dma_start3A_764, %dma_start3A_766, %dma_start3A_767] : memref<2x4x128xi32, #tpu.memory_space<vmem>> -> memref<1x4x128xi32, #tpu.memory_space<vmem>>
        %dma_start3A_769 = tpu.memref_squeeze %dma_start3A_768 : memref<1x4x128xi32, #tpu.memory_space<vmem>> -> memref<4x128xi32, #tpu.memory_space<vmem>>
        %dma_start3A_770 = arith.constant 0 : i32
        %dma_start3A_771 = arith.constant 0 : i32
        %dma_start3A_772 = tpu.memref_slice %arg3[%add3A_749, %dma_start3A_770, %dma_start3A_771] : memref<1600x4x128xi32, #tpu.memory_space<hbm>> -> memref<1x4x128xi32, #tpu.memory_space<hbm>>
        %dma_start3A_773 = tpu.memref_squeeze %dma_start3A_772 : memref<1x4x128xi32, #tpu.memory_space<hbm>> -> memref<4x128xi32, #tpu.memory_space<hbm>>
        %dma_start3A_774 = tpu.memref_slice %arg15[%dma_start3A_765] : memref<2x!tpu.dma_semaphore, #tpu.memory_space<semaphore_mem>> -> memref<1x!tpu.dma_semaphore, #tpu.memory_space<semaphore_mem>>
        %dma_start3A_775 = tpu.memref_squeeze %dma_start3A_774 : memref<1x!tpu.dma_semaphore, #tpu.memory_space<semaphore_mem>> -> memref<!tpu.dma_semaphore, #tpu.memory_space<semaphore_mem>>
        %dma_start3A_776 = arith.constant 0 : i32
        %dma_start3A_777 = arith.constant 0 : i32
        %dma_start3A_778 = tpu.memref_slice %arg8[%dma_start3A_764, %dma_start3A_776, %dma_start3A_777] : memref<2x4x128xi32, #tpu.memory_space<vmem>> -> memref<1x4x128xi32, #tpu.memory_space<vmem>>
        %dma_start3A_779 = tpu.memref_squeeze %dma_start3A_778 : memref<1x4x128xi32, #tpu.memory_space<vmem>> -> memref<4x128xi32, #tpu.memory_space<vmem>>
        %dma_start3A_780 = arith.constant 0 : i32
        %dma_start3A_781 = arith.constant 0 : i32
        %dma_start3A_782 = tpu.memref_slice %arg3[%add3A_749, %dma_start3A_780, %dma_start3A_781] : memref<1600x4x128xi32, #tpu.memory_space<hbm>> -> memref<1x4x128xi32, #tpu.memory_space<hbm>>
        %dma_start3A_783 = tpu.memref_squeeze %dma_start3A_782 : memref<1x4x128xi32, #tpu.memory_space<hbm>> -> memref<4x128xi32, #tpu.memory_space<hbm>>
        tpu.enqueue_dma source(%dma_start3A_783 : memref<4x128xi32, #tpu.memory_space<hbm>>) target(%dma_start3A_779 : memref<4x128xi32, #tpu.memory_space<vmem>>) target_semaphore(%dma_start3A_775 : memref<!tpu.dma_semaphore, #tpu.memory_space<semaphore_mem>>)
      } else {
      }
      %parallel_loop3A = arith.constant 0 : i32
      %parallel_loop3A_637 = arith.constant 128 : i32
      %parallel_loop3A_638 = arith.constant 1 : i32
      scf.for %parallel_loop3A_745 = %parallel_loop3A to %parallel_loop3A_637 step %parallel_loop3A_638  : i32 {
        %parallel_loop3A_746 = arith.constant 0 : i32
        %parallel_loop3A_747 = arith.index_cast %parallel_loop3A_746 : i32 to index
        %parallel_loop3A_748 = arith.index_cast %parallel_loop3A_745 : i32 to index
        %parallel_loop3A_749 = arith.constant 0 : index
        %parallel_loop3A_750 = tpu.vector_load %arg13[%parallel_loop3A_747, %parallel_loop3A_748, %parallel_loop3A_749] {strides = array<i32>} : memref<2x128x128xf32, #tpu.memory_space<vmem>>, vector<1x1x16xf32>,
        %parallel_loop3A_751 = vector.shape_cast %parallel_loop3A_750 : vector<1x1x16xf32> to vector<16xf32>
        %parallel_loop3A_752 = arith.constant 0 : i32
        %parallel_loop3A_753 = arith.index_cast %parallel_loop3A_752 : i32 to index
        %parallel_loop3A_754 = arith.index_cast %parallel_loop3A_745 : i32 to index
        %parallel_loop3A_755 = arith.constant 16 : index
        %parallel_loop3A_756 = tpu.vector_load %arg13[%parallel_loop3A_753, %parallel_loop3A_754, %parallel_loop3A_755] {strides = array<i32>} : memref<2x128x128xf32, #tpu.memory_space<vmem>>, vector<1x1x16xf32>,
        %parallel_loop3A_757 = vector.shape_cast %parallel_loop3A_756 : vector<1x1x16xf32> to vector<16xf32>
        %parallel_loop3A_758 = arith.constant 0 : i32
        %parallel_loop3A_759 = arith.index_cast %parallel_loop3A_758 : i32 to index
        %parallel_loop3A_760 = arith.index_cast %parallel_loop3A_745 : i32 to index
        %parallel_loop3A_761 = arith.constant 32 : index
        %parallel_loop3A_762 = tpu.vector_load %arg13[%parallel_loop3A_759, %parallel_loop3A_760, %parallel_loop3A_761] {strides = array<i32>} : memref<2x128x128xf32, #tpu.memory_space<vmem>>, vector<1x1x16xf32>,
        %parallel_loop3A_763 = vector.shape_cast %parallel_loop3A_762 : vector<1x1x16xf32> to vector<16xf32>
        %parallel_loop3A_764 = arith.constant 0 : i32
        %parallel_loop3A_765 = arith.index_cast %parallel_loop3A_764 : i32 to index
        %parallel_loop3A_766 = arith.index_cast %parallel_loop3A_745 : i32 to index
        %parallel_loop3A_767 = arith.constant 48 : index
        %parallel_loop3A_768 = tpu.vector_load %arg13[%parallel_loop3A_765, %parallel_loop3A_766, %parallel_loop3A_767] {strides = array<i32>} : memref<2x128x128xf32, #tpu.memory_space<vmem>>, vector<1x1x16xf32>,
        %parallel_loop3A_769 = vector.shape_cast %parallel_loop3A_768 : vector<1x1x16xf32> to vector<16xf32>
        %parallel_loop3A_770 = arith.constant 0 : i32
        %parallel_loop3A_771 = arith.index_cast %parallel_loop3A_770 : i32 to index
        %parallel_loop3A_772 = arith.index_cast %parallel_loop3A_745 : i32 to index
        %parallel_loop3A_773 = arith.constant 64 : index
        %parallel_loop3A_774 = tpu.vector_load %arg13[%parallel_loop3A_771, %parallel_loop3A_772, %parallel_loop3A_773] {strides = array<i32>} : memref<2x128x128xf32, #tpu.memory_space<vmem>>, vector<1x1x16xf32>,
        %parallel_loop3A_775 = vector.shape_cast %parallel_loop3A_774 : vector<1x1x16xf32> to vector<16xf32>
        %parallel_loop3A_776 = arith.constant 0 : i32
        %parallel_loop3A_777 = arith.index_cast %parallel_loop3A_776 : i32 to index
        %parallel_loop3A_778 = arith.index_cast %parallel_loop3A_745 : i32 to index
        %parallel_loop3A_779 = arith.constant 80 : index
        %parallel_loop3A_780 = tpu.vector_load %arg13[%parallel_loop3A_777, %parallel_loop3A_778, %parallel_loop3A_779] {strides = array<i32>} : memref<2x128x128xf32, #tpu.memory_space<vmem>>, vector<1x1x16xf32>,
        %parallel_loop3A_781 = vector.shape_cast %parallel_loop3A_780 : vector<1x1x16xf32> to vector<16xf32>
        %parallel_loop3A_782 = arith.constant 0 : i32
        %parallel_loop3A_783 = arith.index_cast %parallel_loop3A_782 : i32 to index
        %parallel_loop3A_784 = arith.index_cast %parallel_loop3A_745 : i32 to index
        %parallel_loop3A_785 = arith.constant 96 : index
        %parallel_loop3A_786 = tpu.vector_load %arg13[%parallel_loop3A_783, %parallel_loop3A_784, %parallel_loop3A_785] {strides = array<i32>} : memref<2x128x128xf32, #tpu.memory_space<vmem>>, vector<1x1x16xf32>,
        %parallel_loop3A_787 = vector.shape_cast %parallel_loop3A_786 : vector<1x1x16xf32> to vector<16xf32>
        %parallel_loop3A_788 = arith.constant 0 : i32
        %parallel_loop3A_789 = arith.index_cast %parallel_loop3A_788 : i32 to index
        %parallel_loop3A_790 = arith.index_cast %parallel_loop3A_745 : i32 to index
        %parallel_loop3A_791 = arith.constant 112 : index
        %parallel_loop3A_792 = tpu.vector_load %arg13[%parallel_loop3A_789, %parallel_loop3A_790, %parallel_loop3A_791] {strides = array<i32>} : memref<2x128x128xf32, #tpu.memory_space<vmem>>, vector<1x1x16xf32>,
        %parallel_loop3A_793 = vector.shape_cast %parallel_loop3A_792 : vector<1x1x16xf32> to vector<16xf32>
        %parallel_loop3A_794 = arith.constant 0 : i32
        %parallel_loop3A_795 = arith.index_cast %parallel_loop3A_794 : i32 to index
        %parallel_loop3A_796 = arith.index_cast %parallel_loop3A_745 : i32 to index
        %parallel_loop3A_797 = arith.constant 0 : index
        %parallel_loop3A_798 = tpu.vector_load %arg14[%parallel_loop3A_795, %parallel_loop3A_796, %parallel_loop3A_797] {strides = array<i32>} : memref<2x128x128xf32, #tpu.memory_space<vmem>>, vector<1x1x16xf32>,
        %parallel_loop3A_799 = vector.shape_cast %parallel_loop3A_798 : vector<1x1x16xf32> to vector<16xf32>
        %parallel_loop3A_800 = arith.constant 0 : i32
        %parallel_loop3A_801 = arith.index_cast %parallel_loop3A_800 : i32 to index
        %parallel_loop3A_802 = arith.index_cast %parallel_loop3A_745 : i32 to index
        %parallel_loop3A_803 = arith.constant 16 : index
        %parallel_loop3A_804 = tpu.vector_load %arg14[%parallel_loop3A_801, %parallel_loop3A_802, %parallel_loop3A_803] {strides = array<i32>} : memref<2x128x128xf32, #tpu.memory_space<vmem>>, vector<1x1x16xf32>,
        %parallel_loop3A_805 = vector.shape_cast %parallel_loop3A_804 : vector<1x1x16xf32> to vector<16xf32>
        %parallel_loop3A_806 = arith.constant 0 : i32
        %parallel_loop3A_807 = arith.index_cast %parallel_loop3A_806 : i32 to index
        %parallel_loop3A_808 = arith.index_cast %parallel_loop3A_745 : i32 to index
        %parallel_loop3A_809 = arith.constant 32 : index
        %parallel_loop3A_810 = tpu.vector_load %arg14[%parallel_loop3A_807, %parallel_loop3A_808, %parallel_loop3A_809] {strides = array<i32>} : memref<2x128x128xf32, #tpu.memory_space<vmem>>, vector<1x1x16xf32>,
        %parallel_loop3A_811 = vector.shape_cast %parallel_loop3A_810 : vector<1x1x16xf32> to vector<16xf32>
        %parallel_loop3A_812 = arith.constant 0 : i32
        %parallel_loop3A_813 = arith.index_cast %parallel_loop3A_812 : i32 to index
        %parallel_loop3A_814 = arith.index_cast %parallel_loop3A_745 : i32 to index
        %parallel_loop3A_815 = arith.constant 48 : index
        %parallel_loop3A_816 = tpu.vector_load %arg14[%parallel_loop3A_813, %parallel_loop3A_814, %parallel_loop3A_815] {strides = array<i32>} : memref<2x128x128xf32, #tpu.memory_space<vmem>>, vector<1x1x16xf32>,
        %parallel_loop3A_817 = vector.shape_cast %parallel_loop3A_816 : vector<1x1x16xf32> to vector<16xf32>
        %parallel_loop3A_818 = arith.constant 0 : i32
        %parallel_loop3A_819 = arith.index_cast %parallel_loop3A_818 : i32 to index
        %parallel_loop3A_820 = arith.index_cast %parallel_loop3A_745 : i32 to index
        %parallel_loop3A_821 = arith.constant 64 : index
        %parallel_loop3A_822 = tpu.vector_load %arg14[%parallel_loop3A_819, %parallel_loop3A_820, %parallel_loop3A_821] {strides = array<i32>} : memref<2x128x128xf32, #tpu.memory_space<vmem>>, vector<1x1x16xf32>,
        %parallel_loop3A_823 = vector.shape_cast %parallel_loop3A_822 : vector<1x1x16xf32> to vector<16xf32>
        %parallel_loop3A_824 = arith.constant 0 : i32
        %parallel_loop3A_825 = arith.index_cast %parallel_loop3A_824 : i32 to index
        %parallel_loop3A_826 = arith.index_cast %parallel_loop3A_745 : i32 to index
        %parallel_loop3A_827 = arith.constant 80 : index
        %parallel_loop3A_828 = tpu.vector_load %arg14[%parallel_loop3A_825, %parallel_loop3A_826, %parallel_loop3A_827] {strides = array<i32>} : memref<2x128x128xf32, #tpu.memory_space<vmem>>, vector<1x1x16xf32>,
        %parallel_loop3A_829 = vector.shape_cast %parallel_loop3A_828 : vector<1x1x16xf32> to vector<16xf32>
        %parallel_loop3A_830 = arith.constant 0 : i32
        %parallel_loop3A_831 = arith.index_cast %parallel_loop3A_830 : i32 to index
        %parallel_loop3A_832 = arith.index_cast %parallel_loop3A_745 : i32 to index
        %parallel_loop3A_833 = arith.constant 96 : index
        %parallel_loop3A_834 = tpu.vector_load %arg14[%parallel_loop3A_831, %parallel_loop3A_832, %parallel_loop3A_833] {strides = array<i32>} : memref<2x128x128xf32, #tpu.memory_space<vmem>>, vector<1x1x16xf32>,
        %parallel_loop3A_835 = vector.shape_cast %parallel_loop3A_834 : vector<1x1x16xf32> to vector<16xf32>
        %parallel_loop3A_836 = arith.constant 0 : i32
        %parallel_loop3A_837 = arith.index_cast %parallel_loop3A_836 : i32 to index
        %parallel_loop3A_838 = arith.index_cast %parallel_loop3A_745 : i32 to index
        %parallel_loop3A_839 = arith.constant 112 : index
        %parallel_loop3A_840 = tpu.vector_load %arg14[%parallel_loop3A_837, %parallel_loop3A_838, %parallel_loop3A_839] {strides = array<i32>} : memref<2x128x128xf32, #tpu.memory_space<vmem>>, vector<1x1x16xf32>,
        %parallel_loop3A_841 = vector.shape_cast %parallel_loop3A_840 : vector<1x1x16xf32> to vector<16xf32>
        %parallel_loop3A_842 = arith.addf %parallel_loop3A_751, %parallel_loop3A_799 : vector<16xf32>
        %parallel_loop3A_843 = arith.constant 0 : i32
        %parallel_loop3A_844 = arith.index_cast %parallel_loop3A_843 : i32 to index
        %parallel_loop3A_845 = arith.index_cast %parallel_loop3A_745 : i32 to index
        %parallel_loop3A_846 = arith.constant 0 : index
        %parallel_loop3A_847 = tpu.vector_load %arg12[%parallel_loop3A_844, %parallel_loop3A_845, %parallel_loop3A_846] {strides = array<i32>} : memref<2x128x128xf32, #tpu.memory_space<vmem>>, vector<1x1x16xf32>,
        %parallel_loop3A_848 = vector.shape_cast %parallel_loop3A_847 : vector<1x1x16xf32> to vector<16xf32>
        %parallel_loop3A_849 = vector.shape_cast %parallel_loop3A_842 : vector<16xf32> to vector<1x1x16xf32>
        tpu.vector_store %arg12[%parallel_loop3A_844, %parallel_loop3A_845, %parallel_loop3A_846], %parallel_loop3A_849 {add = true, strides = array<i32>} : memref<2x128x128xf32, #tpu.memory_space<vmem>>, vector<1x1x16xf32>,
        %parallel_loop3A_850 = arith.addf %parallel_loop3A_757, %parallel_loop3A_805 : vector<16xf32>
        %parallel_loop3A_851 = arith.constant 0 : i32
        %parallel_loop3A_852 = arith.index_cast %parallel_loop3A_851 : i32 to index
        %parallel_loop3A_853 = arith.index_cast %parallel_loop3A_745 : i32 to index
        %parallel_loop3A_854 = arith.constant 16 : index
        %parallel_loop3A_855 = tpu.vector_load %arg12[%parallel_loop3A_852, %parallel_loop3A_853, %parallel_loop3A_854] {strides = array<i32>} : memref<2x128x128xf32, #tpu.memory_space<vmem>>, vector<1x1x16xf32>,
        %parallel_loop3A_856 = vector.shape_cast %parallel_loop3A_855 : vector<1x1x16xf32> to vector<16xf32>
        %parallel_loop3A_857 = vector.shape_cast %parallel_loop3A_850 : vector<16xf32> to vector<1x1x16xf32>
        tpu.vector_store %arg12[%parallel_loop3A_852, %parallel_loop3A_853, %parallel_loop3A_854], %parallel_loop3A_857 {add = true, strides = array<i32>} : memref<2x128x128xf32, #tpu.memory_space<vmem>>, vector<1x1x16xf32>,
        %parallel_loop3A_858 = arith.addf %parallel_loop3A_763, %parallel_loop3A_811 : vector<16xf32>
        %parallel_loop3A_859 = arith.constant 0 : i32
        %parallel_loop3A_860 = arith.index_cast %parallel_loop3A_859 : i32 to index
        %parallel_loop3A_861 = arith.index_cast %parallel_loop3A_745 : i32 to index
        %parallel_loop3A_862 = arith.constant 32 : index
        %parallel_loop3A_863 = tpu.vector_load %arg12[%parallel_loop3A_860, %parallel_loop3A_861, %parallel_loop3A_862] {strides = array<i32>} : memref<2x128x128xf32, #tpu.memory_space<vmem>>, vector<1x1x16xf32>,
        %parallel_loop3A_864 = vector.shape_cast %parallel_loop3A_863 : vector<1x1x16xf32> to vector<16xf32>
        %parallel_loop3A_865 = vector.shape_cast %parallel_loop3A_858 : vector<16xf32> to vector<1x1x16xf32>
        tpu.vector_store %arg12[%parallel_loop3A_860, %parallel_loop3A_861, %parallel_loop3A_862], %parallel_loop3A_865 {add = true, strides = array<i32>} : memref<2x128x128xf32, #tpu.memory_space<vmem>>, vector<1x1x16xf32>,
        %parallel_loop3A_866 = arith.addf %parallel_loop3A_769, %parallel_loop3A_817 : vector<16xf32>
        %parallel_loop3A_867 = arith.constant 0 : i32
        %parallel_loop3A_868 = arith.index_cast %parallel_loop3A_867 : i32 to index
        %parallel_loop3A_869 = arith.index_cast %parallel_loop3A_745 : i32 to index
        %parallel_loop3A_870 = arith.constant 48 : index
        %parallel_loop3A_871 = tpu.vector_load %arg12[%parallel_loop3A_868, %parallel_loop3A_869, %parallel_loop3A_870] {strides = array<i32>} : memref<2x128x128xf32, #tpu.memory_space<vmem>>, vector<1x1x16xf32>,
        %parallel_loop3A_872 = vector.shape_cast %parallel_loop3A_871 : vector<1x1x16xf32> to vector<16xf32>
        %parallel_loop3A_873 = vector.shape_cast %parallel_loop3A_866 : vector<16xf32> to vector<1x1x16xf32>
        tpu.vector_store %arg12[%parallel_loop3A_868, %parallel_loop3A_869, %parallel_loop3A_870], %parallel_loop3A_873 {add = true, strides = array<i32>} : memref<2x128x128xf32, #tpu.memory_space<vmem>>, vector<1x1x16xf32>,
        %parallel_loop3A_874 = arith.addf %parallel_loop3A_775, %parallel_loop3A_823 : vector<16xf32>
        %parallel_loop3A_875 = arith.constant 0 : i32
        %parallel_loop3A_876 = arith.index_cast %parallel_loop3A_875 : i32 to index
        %parallel_loop3A_877 = arith.index_cast %parallel_loop3A_745 : i32 to index
        %parallel_loop3A_878 = arith.constant 64 : index
        %parallel_loop3A_879 = tpu.vector_load %arg12[%parallel_loop3A_876, %parallel_loop3A_877, %parallel_loop3A_878] {strides = array<i32>} : memref<2x128x128xf32, #tpu.memory_space<vmem>>, vector<1x1x16xf32>,
        %parallel_loop3A_880 = vector.shape_cast %parallel_loop3A_879 : vector<1x1x16xf32> to vector<16xf32>
        %parallel_loop3A_881 = vector.shape_cast %parallel_loop3A_874 : vector<16xf32> to vector<1x1x16xf32>
        tpu.vector_store %arg12[%parallel_loop3A_876, %parallel_loop3A_877, %parallel_loop3A_878], %parallel_loop3A_881 {add = true, strides = array<i32>} : memref<2x128x128xf32, #tpu.memory_space<vmem>>, vector<1x1x16xf32>,
        %parallel_loop3A_882 = arith.addf %parallel_loop3A_781, %parallel_loop3A_829 : vector<16xf32>
        %parallel_loop3A_883 = arith.constant 0 : i32
        %parallel_loop3A_884 = arith.index_cast %parallel_loop3A_883 : i32 to index
        %parallel_loop3A_885 = arith.index_cast %parallel_loop3A_745 : i32 to index
        %parallel_loop3A_886 = arith.constant 80 : index
        %parallel_loop3A_887 = tpu.vector_load %arg12[%parallel_loop3A_884, %parallel_loop3A_885, %parallel_loop3A_886] {strides = array<i32>} : memref<2x128x128xf32, #tpu.memory_space<vmem>>, vector<1x1x16xf32>,
        %parallel_loop3A_888 = vector.shape_cast %parallel_loop3A_887 : vector<1x1x16xf32> to vector<16xf32>
        %parallel_loop3A_889 = vector.shape_cast %parallel_loop3A_882 : vector<16xf32> to vector<1x1x16xf32>
        tpu.vector_store %arg12[%parallel_loop3A_884, %parallel_loop3A_885, %parallel_loop3A_886], %parallel_loop3A_889 {add = true, strides = array<i32>} : memref<2x128x128xf32, #tpu.memory_space<vmem>>, vector<1x1x16xf32>,
        %parallel_loop3A_890 = arith.addf %parallel_loop3A_787, %parallel_loop3A_835 : vector<16xf32>
        %parallel_loop3A_891 = arith.constant 0 : i32
        %parallel_loop3A_892 = arith.index_cast %parallel_loop3A_891 : i32 to index
        %parallel_loop3A_893 = arith.index_cast %parallel_loop3A_745 : i32 to index
        %parallel_loop3A_894 = arith.constant 96 : index
        %parallel_loop3A_895 = tpu.vector_load %arg12[%parallel_loop3A_892, %parallel_loop3A_893, %parallel_loop3A_894] {strides = array<i32>} : memref<2x128x128xf32, #tpu.memory_space<vmem>>, vector<1x1x16xf32>,
        %parallel_loop3A_896 = vector.shape_cast %parallel_loop3A_895 : vector<1x1x16xf32> to vector<16xf32>
        %parallel_loop3A_897 = vector.shape_cast %parallel_loop3A_890 : vector<16xf32> to vector<1x1x16xf32>
        tpu.vector_store %arg12[%parallel_loop3A_892, %parallel_loop3A_893, %parallel_loop3A_894], %parallel_loop3A_897 {add = true, strides = array<i32>} : memref<2x128x128xf32, #tpu.memory_space<vmem>>, vector<1x1x16xf32>,
        %parallel_loop3A_898 = arith.addf %parallel_loop3A_793, %parallel_loop3A_841 : vector<16xf32>
        %parallel_loop3A_899 = arith.constant 0 : i32
        %parallel_loop3A_900 = arith.index_cast %parallel_loop3A_899 : i32 to index
        %parallel_loop3A_901 = arith.index_cast %parallel_loop3A_745 : i32 to index
        %parallel_loop3A_902 = arith.constant 112 : index
        %parallel_loop3A_903 = tpu.vector_load %arg12[%parallel_loop3A_900, %parallel_loop3A_901, %parallel_loop3A_902] {strides = array<i32>} : memref<2x128x128xf32, #tpu.memory_space<vmem>>, vector<1x1x16xf32>,
        %parallel_loop3A_904 = vector.shape_cast %parallel_loop3A_903 : vector<1x1x16xf32> to vector<16xf32>
        %parallel_loop3A_905 = vector.shape_cast %parallel_loop3A_898 : vector<16xf32> to vector<1x1x16xf32>
        tpu.vector_store %arg12[%parallel_loop3A_900, %parallel_loop3A_901, %parallel_loop3A_902], %parallel_loop3A_905 {add = true, strides = array<i32>} : memref<2x128x128xf32, #tpu.memory_space<vmem>>, vector<1x1x16xf32>,
      } {sc.loop_unroll_factor = 2 : i64, sc.parallel_access}
      %mul3A_639 = arith.constant 50 : i32
      %mul3A_640 = arith.muli %add3A, %mul3A_639 : i32
      %add3A_641 = arith.addi %mul3A_640, %mul3A_580 : i32
      %mul3A_642 = arith.constant 128 : i32
      %mul3A_643 = arith.muli %add3A_641, %mul3A_642 : i32
      %dma_start3A_644 = arith.constant 0 : i32
      %dma_start3A_645 = arith.constant 0 : i32
      %dma_start3A_646 = arith.constant 0 : i32
      %dma_start3A_647 = arith.constant 0 : i32
      %dma_start3A_648 = tpu.memref_slice %arg12[%dma_start3A_644, %dma_start3A_646, %dma_start3A_647] : memref<2x128x128xf32, #tpu.memory_space<vmem>> -> memref<1x128x128xf32, #tpu.memory_space<vmem>>
      %dma_start3A_649 = tpu.memref_squeeze %dma_start3A_648 : memref<1x128x128xf32, #tpu.memory_space<vmem>> -> memref<128x128xf32, #tpu.memory_space<vmem>>
      %dma_start3A_650 = arith.constant 0 : i32
      %dma_start3A_651 = tpu.memref_slice %arg7[%mul3A_643, %dma_start3A_650] : memref<204800x128xf32, #tpu.memory_space<hbm>> -> memref<128x128xf32, #tpu.memory_space<hbm>>
      %dma_start3A_652 = tpu.memref_slice %arg17[%dma_start3A_645] : memref<2x!tpu.dma_semaphore, #tpu.memory_space<semaphore_mem>> -> memref<1x!tpu.dma_semaphore, #tpu.memory_space<semaphore_mem>>
      %dma_start3A_653 = tpu.memref_squeeze %dma_start3A_652 : memref<1x!tpu.dma_semaphore, #tpu.memory_space<semaphore_mem>> -> memref<!tpu.dma_semaphore, #tpu.memory_space<semaphore_mem>>
      %dma_start3A_654 = arith.constant 0 : i32
      %dma_start3A_655 = tpu.memref_slice %arg7[%mul3A_643, %dma_start3A_654] : memref<204800x128xf32, #tpu.memory_space<hbm>> -> memref<128x128xf32, #tpu.memory_space<hbm>>
      %dma_start3A_656 = arith.constant 0 : i32
      %dma_start3A_657 = arith.constant 0 : i32
      %dma_start3A_658 = tpu.memref_slice %arg12[%dma_start3A_644, %dma_start3A_656, %dma_start3A_657] : memref<2x128x128xf32, #tpu.memory_space<vmem>> -> memref<1x128x128xf32, #tpu.memory_space<vmem>>
      %dma_start3A_659 = tpu.memref_squeeze %dma_start3A_658 : memref<1x128x128xf32, #tpu.memory_space<vmem>> -> memref<128x128xf32, #tpu.memory_space<vmem>>
      tpu.enqueue_dma source(%dma_start3A_659 : memref<128x128xf32, #tpu.memory_space<vmem>>) target(%dma_start3A_655 : memref<128x128xf32, #tpu.memory_space<hbm>>) target_semaphore(%dma_start3A_653 : memref<!tpu.dma_semaphore, #tpu.memory_space<semaphore_mem>>)
      %add3A_660 = arith.constant 1 : i32
      %add3A_661 = arith.addi %mul3A_580, %add3A_660 : i32
      %add3A_662 = arith.constant 1 : i32
      %add3A_663 = arith.addi %add3A_661, %add3A_662 : i32
      %lt3A_664 = arith.constant 50 : i32
      %lt3A_665 = arith.cmpi slt, %add3A_663, %lt3A_664 : i32
      %convert_element_type3A_666 = arith.extui %lt3A_665 : i1 to i32
      %cond3A_667 = arith.constant 0 : i32
      %cond3A_668 = arith.cmpi ne, %convert_element_type3A_666, %cond3A_667 : i32
      scf.if %cond3A_668 {
        %dma_wait3A_745 = arith.constant 0 : i32
        %dma_wait3A_746 = arith.constant 0 : i32
        %dma_wait3A_747 = arith.constant 0 : i32
        %dma_wait3A_748 = tpu.memref_slice %arg9[%dma_wait3A_745, %dma_wait3A_747] : memref<2x128xi32, #tpu.memory_space<vmem>> -> memref<1x128xi32, #tpu.memory_space<vmem>>
        %dma_wait3A_749 = tpu.memref_squeeze %dma_wait3A_748 : memref<1x128xi32, #tpu.memory_space<vmem>> -> memref<128xi32, #tpu.memory_space<vmem>>
        %dma_wait3A_750 = arith.constant 0 : i32
        %dma_wait3A_751 = tpu.memref_slice %arg2[%dma_wait3A_750] : memref<204800xi32, #tpu.memory_space<hbm>> -> memref<128xi32, #tpu.memory_space<hbm>>
        %dma_wait3A_752 = tpu.memref_slice %arg15[%dma_wait3A_746] : memref<2x!tpu.dma_semaphore, #tpu.memory_space<semaphore_mem>> -> memref<1x!tpu.dma_semaphore, #tpu.memory_space<semaphore_mem>>
        %dma_wait3A_753 = tpu.memref_squeeze %dma_wait3A_752 : memref<1x!tpu.dma_semaphore, #tpu.memory_space<semaphore_mem>> -> memref<!tpu.dma_semaphore, #tpu.memory_space<semaphore_mem>>
        %dma_wait3A_754 = arith.constant 0 : i32
        %dma_wait3A_755 = tpu.memref_slice %arg9[%dma_wait3A_745, %dma_wait3A_754] : memref<2x128xi32, #tpu.memory_space<vmem>> -> memref<1x128xi32, #tpu.memory_space<vmem>>
        %dma_wait3A_756 = tpu.memref_squeeze %dma_wait3A_755 : memref<1x128xi32, #tpu.memory_space<vmem>> -> memref<128xi32, #tpu.memory_space<vmem>>
        %dma_wait3A_757 = arith.constant 0 : i32
        %dma_wait3A_758 = tpu.memref_slice %arg2[%dma_wait3A_757] : memref<204800xi32, #tpu.memory_space<hbm>> -> memref<128xi32, #tpu.memory_space<hbm>>
        tpu.wait_dma2 semaphore(%dma_wait3A_753 : memref<!tpu.dma_semaphore, #tpu.memory_space<semaphore_mem>>) src(%dma_wait3A_758 : memref<128xi32, #tpu.memory_space<hbm>>) dst(%dma_wait3A_756 : memref<128xi32, #tpu.memory_space<vmem>>)
        %dma_wait3A_759 = arith.constant 0 : i32
        %dma_wait3A_760 = arith.constant 0 : i32
        %dma_wait3A_761 = arith.constant 0 : i32
        %dma_wait3A_762 = arith.constant 0 : i32
        %dma_wait3A_763 = arith.constant 0 : i32
        %dma_wait3A_764 = tpu.memref_slice %arg8[%dma_wait3A_760, %dma_wait3A_762, %dma_wait3A_763] : memref<2x4x128xi32, #tpu.memory_space<vmem>> -> memref<1x4x128xi32, #tpu.memory_space<vmem>>
        %dma_wait3A_765 = tpu.memref_squeeze %dma_wait3A_764 : memref<1x4x128xi32, #tpu.memory_space<vmem>> -> memref<4x128xi32, #tpu.memory_space<vmem>>
        %dma_wait3A_766 = arith.constant 0 : i32
        %dma_wait3A_767 = arith.constant 0 : i32
        %dma_wait3A_768 = tpu.memref_slice %arg3[%dma_wait3A_759, %dma_wait3A_766, %dma_wait3A_767] : memref<1600x4x128xi32, #tpu.memory_space<hbm>> -> memref<1x4x128xi32, #tpu.memory_space<hbm>>
        %dma_wait3A_769 = tpu.memref_squeeze %dma_wait3A_768 : memref<1x4x128xi32, #tpu.memory_space<hbm>> -> memref<4x128xi32, #tpu.memory_space<hbm>>
        %dma_wait3A_770 = tpu.memref_slice %arg15[%dma_wait3A_761] : memref<2x!tpu.dma_semaphore, #tpu.memory_space<semaphore_mem>> -> memref<1x!tpu.dma_semaphore, #tpu.memory_space<semaphore_mem>>
        %dma_wait3A_771 = tpu.memref_squeeze %dma_wait3A_770 : memref<1x!tpu.dma_semaphore, #tpu.memory_space<semaphore_mem>> -> memref<!tpu.dma_semaphore, #tpu.memory_space<semaphore_mem>>
        %dma_wait3A_772 = arith.constant 0 : i32
        %dma_wait3A_773 = arith.constant 0 : i32
        %dma_wait3A_774 = tpu.memref_slice %arg8[%dma_wait3A_760, %dma_wait3A_772, %dma_wait3A_773] : memref<2x4x128xi32, #tpu.memory_space<vmem>> -> memref<1x4x128xi32, #tpu.memory_space<vmem>>
        %dma_wait3A_775 = tpu.memref_squeeze %dma_wait3A_774 : memref<1x4x128xi32, #tpu.memory_space<vmem>> -> memref<4x128xi32, #tpu.memory_space<vmem>>
        %dma_wait3A_776 = arith.constant 0 : i32
        %dma_wait3A_777 = arith.constant 0 : i32
        %dma_wait3A_778 = tpu.memref_slice %arg3[%dma_wait3A_759, %dma_wait3A_776, %dma_wait3A_777] : memref<1600x4x128xi32, #tpu.memory_space<hbm>> -> memref<1x4x128xi32, #tpu.memory_space<hbm>>
        %dma_wait3A_779 = tpu.memref_squeeze %dma_wait3A_778 : memref<1x4x128xi32, #tpu.memory_space<hbm>> -> memref<4x128xi32, #tpu.memory_space<hbm>>
        tpu.wait_dma2 semaphore(%dma_wait3A_771 : memref<!tpu.dma_semaphore, #tpu.memory_space<semaphore_mem>>) src(%dma_wait3A_779 : memref<4x128xi32, #tpu.memory_space<hbm>>) dst(%dma_wait3A_775 : memref<4x128xi32, #tpu.memory_space<vmem>>)
        %get3A_780 = arith.constant 0 : i32
        %get3A_781 = arith.constant 0 : i32
        %get3A_782 = arith.index_cast %get3A_780 : i32 to index
        %get3A_783 = arith.index_cast %get3A_781 : i32 to index
        %get3A_784 = arith.constant 0 : index
        %get3A_785 = tpu.vector_load %arg8[%get3A_782, %get3A_783, %get3A_784] {strides = array<i32>} : memref<2x4x128xi32, #tpu.memory_space<vmem>>, vector<1x1x16xi32>,
        %get3A_786 = vector.shape_cast %get3A_785 : vector<1x1x16xi32> to vector<16xi32>
        %mul3A_787 = arith.constant 64 : i32
        %mul3A_788 = vector.broadcast %mul3A_787 : i32 to vector<16xi32>
        %mul3A_789 = arith.muli %get3A_786, %mul3A_788 : vector<16xi32>
        %get3A_790 = arith.constant 0 : i32
        %get3A_791 = arith.constant 3 : i32
        %get3A_792 = arith.index_cast %get3A_790 : i32 to index
        %get3A_793 = arith.index_cast %get3A_791 : i32 to index
        %get3A_794 = arith.constant 0 : index
        %get3A_795 = tpu.vector_load %arg8[%get3A_792, %get3A_793, %get3A_794] {strides = array<i32>} : memref<2x4x128xi32, #tpu.memory_space<vmem>>, vector<1x1x16xi32>,
        %get3A_796 = vector.shape_cast %get3A_795 : vector<1x1x16xi32> to vector<16xi32>
        %add3A_797 = arith.addi %mul3A_789, %get3A_796 : vector<16xi32>
        %swap3A_798 = arith.constant 0 : i32
        %swap3A_799 = arith.index_cast %swap3A_798 : i32 to index
        %swap3A_800 = arith.constant 0 : index
        %swap3A_801 = tpu.vector_load %arg10[%swap3A_799, %swap3A_800] {strides = array<i32>} : memref<2x128xi32, #tpu.memory_space<vmem>>, vector<1x16xi32>,
        %swap3A_802 = vector.shape_cast %swap3A_801 : vector<1x16xi32> to vector<16xi32>
        %swap3A_803 = vector.shape_cast %add3A_797 : vector<16xi32> to vector<1x16xi32>
        tpu.vector_store %arg10[%swap3A_799, %swap3A_800], %swap3A_803 {strides = array<i32>} : memref<2x128xi32, #tpu.memory_space<vmem>>, vector<1x16xi32>,
        %get3A_804 = arith.constant 0 : i32
        %get3A_805 = arith.constant 1 : i32
        %get3A_806 = arith.index_cast %get3A_804 : i32 to index
        %get3A_807 = arith.index_cast %get3A_805 : i32 to index
        %get3A_808 = arith.constant 0 : index
        %get3A_809 = tpu.vector_load %arg8[%get3A_806, %get3A_807, %get3A_808] {strides = array<i32>} : memref<2x4x128xi32, #tpu.memory_space<vmem>>, vector<1x1x16xi32>,
        %get3A_810 = vector.shape_cast %get3A_809 : vector<1x1x16xi32> to vector<16xi32>
        %mul3A_811 = arith.constant 64 : i32
        %mul3A_812 = vector.broadcast %mul3A_811 : i32 to vector<16xi32>
        %mul3A_813 = arith.muli %get3A_810, %mul3A_812 : vector<16xi32>
        %get3A_814 = arith.constant 0 : i32
        %get3A_815 = arith.constant 2 : i32
        %get3A_816 = arith.index_cast %get3A_814 : i32 to index
        %get3A_817 = arith.index_cast %get3A_815 : i32 to index
        %get3A_818 = arith.constant 0 : index
        %get3A_819 = tpu.vector_load %arg8[%get3A_816, %get3A_817, %get3A_818] {strides = array<i32>} : memref<2x4x128xi32, #tpu.memory_space<vmem>>, vector<1x1x16xi32>,
        %get3A_820 = vector.shape_cast %get3A_819 : vector<1x1x16xi32> to vector<16xi32>
        %add3A_821 = arith.addi %mul3A_813, %get3A_820 : vector<16xi32>
        %swap3A_822 = arith.constant 0 : i32
        %swap3A_823 = arith.index_cast %swap3A_822 : i32 to index
        %swap3A_824 = arith.constant 0 : index
        %swap3A_825 = tpu.vector_load %arg11[%swap3A_823, %swap3A_824] {strides = array<i32>} : memref<2x128xi32, #tpu.memory_space<vmem>>, vector<1x16xi32>,
        %swap3A_826 = vector.shape_cast %swap3A_825 : vector<1x16xi32> to vector<16xi32>
        %swap3A_827 = vector.shape_cast %add3A_821 : vector<16xi32> to vector<1x16xi32>
        tpu.vector_store %arg11[%swap3A_823, %swap3A_824], %swap3A_827 {strides = array<i32>} : memref<2x128xi32, #tpu.memory_space<vmem>>, vector<1x16xi32>,
        %get3A_828 = arith.constant 0 : i32
        %get3A_829 = arith.constant 0 : i32
        %get3A_830 = arith.index_cast %get3A_828 : i32 to index
        %get3A_831 = arith.index_cast %get3A_829 : i32 to index
        %get3A_832 = arith.constant 16 : index
        %get3A_833 = tpu.vector_load %arg8[%get3A_830, %get3A_831, %get3A_832] {strides = array<i32>} : memref<2x4x128xi32, #tpu.memory_space<vmem>>, vector<1x1x16xi32>,
        %get3A_834 = vector.shape_cast %get3A_833 : vector<1x1x16xi32> to vector<16xi32>
        %mul3A_835 = arith.constant 64 : i32
        %mul3A_836 = vector.broadcast %mul3A_835 : i32 to vector<16xi32>
        %mul3A_837 = arith.muli %get3A_834, %mul3A_836 : vector<16xi32>
        %get3A_838 = arith.constant 0 : i32
        %get3A_839 = arith.constant 3 : i32
        %get3A_840 = arith.index_cast %get3A_838 : i32 to index
        %get3A_841 = arith.index_cast %get3A_839 : i32 to index
        %get3A_842 = arith.constant 16 : index
        %get3A_843 = tpu.vector_load %arg8[%get3A_840, %get3A_841, %get3A_842] {strides = array<i32>} : memref<2x4x128xi32, #tpu.memory_space<vmem>>, vector<1x1x16xi32>,
        %get3A_844 = vector.shape_cast %get3A_843 : vector<1x1x16xi32> to vector<16xi32>
        %add3A_845 = arith.addi %mul3A_837, %get3A_844 : vector<16xi32>
        %swap3A_846 = arith.constant 0 : i32
        %swap3A_847 = arith.index_cast %swap3A_846 : i32 to index
        %swap3A_848 = arith.constant 16 : index
        %swap3A_849 = tpu.vector_load %arg10[%swap3A_847, %swap3A_848] {strides = array<i32>} : memref<2x128xi32, #tpu.memory_space<vmem>>, vector<1x16xi32>,
        %swap3A_850 = vector.shape_cast %swap3A_849 : vector<1x16xi32> to vector<16xi32>
        %swap3A_851 = vector.shape_cast %add3A_845 : vector<16xi32> to vector<1x16xi32>
        tpu.vector_store %arg10[%swap3A_847, %swap3A_848], %swap3A_851 {strides = array<i32>} : memref<2x128xi32, #tpu.memory_space<vmem>>, vector<1x16xi32>,
        %get3A_852 = arith.constant 0 : i32
        %get3A_853 = arith.constant 1 : i32
        %get3A_854 = arith.index_cast %get3A_852 : i32 to index
        %get3A_855 = arith.index_cast %get3A_853 : i32 to index
        %get3A_856 = arith.constant 16 : index
        %get3A_857 = tpu.vector_load %arg8[%get3A_854, %get3A_855, %get3A_856] {strides = array<i32>} : memref<2x4x128xi32, #tpu.memory_space<vmem>>, vector<1x1x16xi32>,
        %get3A_858 = vector.shape_cast %get3A_857 : vector<1x1x16xi32> to vector<16xi32>
        %mul3A_859 = arith.constant 64 : i32
        %mul3A_860 = vector.broadcast %mul3A_859 : i32 to vector<16xi32>
        %mul3A_861 = arith.muli %get3A_858, %mul3A_860 : vector<16xi32>
        %get3A_862 = arith.constant 0 : i32
        %get3A_863 = arith.constant 2 : i32
        %get3A_864 = arith.index_cast %get3A_862 : i32 to index
        %get3A_865 = arith.index_cast %get3A_863 : i32 to index
        %get3A_866 = arith.constant 16 : index
        %get3A_867 = tpu.vector_load %arg8[%get3A_864, %get3A_865, %get3A_866] {strides = array<i32>} : memref<2x4x128xi32, #tpu.memory_space<vmem>>, vector<1x1x16xi32>,
        %get3A_868 = vector.shape_cast %get3A_867 : vector<1x1x16xi32> to vector<16xi32>
        %add3A_869 = arith.addi %mul3A_861, %get3A_868 : vector<16xi32>
        %swap3A_870 = arith.constant 0 : i32
        %swap3A_871 = arith.index_cast %swap3A_870 : i32 to index
        %swap3A_872 = arith.constant 16 : index
        %swap3A_873 = tpu.vector_load %arg11[%swap3A_871, %swap3A_872] {strides = array<i32>} : memref<2x128xi32, #tpu.memory_space<vmem>>, vector<1x16xi32>,
        %swap3A_874 = vector.shape_cast %swap3A_873 : vector<1x16xi32> to vector<16xi32>
        %swap3A_875 = vector.shape_cast %add3A_869 : vector<16xi32> to vector<1x16xi32>
        tpu.vector_store %arg11[%swap3A_871, %swap3A_872], %swap3A_875 {strides = array<i32>} : memref<2x128xi32, #tpu.memory_space<vmem>>, vector<1x16xi32>,
        %get3A_876 = arith.constant 0 : i32
        %get3A_877 = arith.constant 0 : i32
        %get3A_878 = arith.index_cast %get3A_876 : i32 to index
        %get3A_879 = arith.index_cast %get3A_877 : i32 to index
        %get3A_880 = arith.constant 32 : index
        %get3A_881 = tpu.vector_load %arg8[%get3A_878, %get3A_879, %get3A_880] {strides = array<i32>} : memref<2x4x128xi32, #tpu.memory_space<vmem>>, vector<1x1x16xi32>,
        %get3A_882 = vector.shape_cast %get3A_881 : vector<1x1x16xi32> to vector<16xi32>
        %mul3A_883 = arith.constant 64 : i32
        %mul3A_884 = vector.broadcast %mul3A_883 : i32 to vector<16xi32>
        %mul3A_885 = arith.muli %get3A_882, %mul3A_884 : vector<16xi32>
        %get3A_886 = arith.constant 0 : i32
        %get3A_887 = arith.constant 3 : i32
        %get3A_888 = arith.index_cast %get3A_886 : i32 to index
        %get3A_889 = arith.index_cast %get3A_887 : i32 to index
        %get3A_890 = arith.constant 32 : index
        %get3A_891 = tpu.vector_load %arg8[%get3A_888, %get3A_889, %get3A_890] {strides = array<i32>} : memref<2x4x128xi32, #tpu.memory_space<vmem>>, vector<1x1x16xi32>,
        %get3A_892 = vector.shape_cast %get3A_891 : vector<1x1x16xi32> to vector<16xi32>
        %add3A_893 = arith.addi %mul3A_885, %get3A_892 : vector<16xi32>
        %swap3A_894 = arith.constant 0 : i32
        %swap3A_895 = arith.index_cast %swap3A_894 : i32 to index
        %swap3A_896 = arith.constant 32 : index
        %swap3A_897 = tpu.vector_load %arg10[%swap3A_895, %swap3A_896] {strides = array<i32>} : memref<2x128xi32, #tpu.memory_space<vmem>>, vector<1x16xi32>,
        %swap3A_898 = vector.shape_cast %swap3A_897 : vector<1x16xi32> to vector<16xi32>
        %swap3A_899 = vector.shape_cast %add3A_893 : vector<16xi32> to vector<1x16xi32>
        tpu.vector_store %arg10[%swap3A_895, %swap3A_896], %swap3A_899 {strides = array<i32>} : memref<2x128xi32, #tpu.memory_space<vmem>>, vector<1x16xi32>,
        %get3A_900 = arith.constant 0 : i32
        %get3A_901 = arith.constant 1 : i32
        %get3A_902 = arith.index_cast %get3A_900 : i32 to index
        %get3A_903 = arith.index_cast %get3A_901 : i32 to index
        %get3A_904 = arith.constant 32 : index
        %get3A_905 = tpu.vector_load %arg8[%get3A_902, %get3A_903, %get3A_904] {strides = array<i32>} : memref<2x4x128xi32, #tpu.memory_space<vmem>>, vector<1x1x16xi32>,
        %get3A_906 = vector.shape_cast %get3A_905 : vector<1x1x16xi32> to vector<16xi32>
        %mul3A_907 = arith.constant 64 : i32
        %mul3A_908 = vector.broadcast %mul3A_907 : i32 to vector<16xi32>
        %mul3A_909 = arith.muli %get3A_906, %mul3A_908 : vector<16xi32>
        %get3A_910 = arith.constant 0 : i32
        %get3A_911 = arith.constant 2 : i32
        %get3A_912 = arith.index_cast %get3A_910 : i32 to index
        %get3A_913 = arith.index_cast %get3A_911 : i32 to index
        %get3A_914 = arith.constant 32 : index
        %get3A_915 = tpu.vector_load %arg8[%get3A_912, %get3A_913, %get3A_914] {strides = array<i32>} : memref<2x4x128xi32, #tpu.memory_space<vmem>>, vector<1x1x16xi32>,
        %get3A_916 = vector.shape_cast %get3A_915 : vector<1x1x16xi32> to vector<16xi32>
        %add3A_917 = arith.addi %mul3A_909, %get3A_916 : vector<16xi32>
        %swap3A_918 = arith.constant 0 : i32
        %swap3A_919 = arith.index_cast %swap3A_918 : i32 to index
        %swap3A_920 = arith.constant 32 : index
        %swap3A_921 = tpu.vector_load %arg11[%swap3A_919, %swap3A_920] {strides = array<i32>} : memref<2x128xi32, #tpu.memory_space<vmem>>, vector<1x16xi32>,
        %swap3A_922 = vector.shape_cast %swap3A_921 : vector<1x16xi32> to vector<16xi32>
        %swap3A_923 = vector.shape_cast %add3A_917 : vector<16xi32> to vector<1x16xi32>
        tpu.vector_store %arg11[%swap3A_919, %swap3A_920], %swap3A_923 {strides = array<i32>} : memref<2x128xi32, #tpu.memory_space<vmem>>, vector<1x16xi32>,
        %get3A_924 = arith.constant 0 : i32
        %get3A_925 = arith.constant 0 : i32
        %get3A_926 = arith.index_cast %get3A_924 : i32 to index
        %get3A_927 = arith.index_cast %get3A_925 : i32 to index
        %get3A_928 = arith.constant 48 : index
        %get3A_929 = tpu.vector_load %arg8[%get3A_926, %get3A_927, %get3A_928] {strides = array<i32>} : memref<2x4x128xi32, #tpu.memory_space<vmem>>, vector<1x1x16xi32>,
        %get3A_930 = vector.shape_cast %get3A_929 : vector<1x1x16xi32> to vector<16xi32>
        %mul3A_931 = arith.constant 64 : i32
        %mul3A_932 = vector.broadcast %mul3A_931 : i32 to vector<16xi32>
        %mul3A_933 = arith.muli %get3A_930, %mul3A_932 : vector<16xi32>
        %get3A_934 = arith.constant 0 : i32
        %get3A_935 = arith.constant 3 : i32
        %get3A_936 = arith.index_cast %get3A_934 : i32 to index
        %get3A_937 = arith.index_cast %get3A_935 : i32 to index
        %get3A_938 = arith.constant 48 : index
        %get3A_939 = tpu.vector_load %arg8[%get3A_936, %get3A_937, %get3A_938] {strides = array<i32>} : memref<2x4x128xi32, #tpu.memory_space<vmem>>, vector<1x1x16xi32>,
        %get3A_940 = vector.shape_cast %get3A_939 : vector<1x1x16xi32> to vector<16xi32>
        %add3A_941 = arith.addi %mul3A_933, %get3A_940 : vector<16xi32>
        %swap3A_942 = arith.constant 0 : i32
        %swap3A_943 = arith.index_cast %swap3A_942 : i32 to index
        %swap3A_944 = arith.constant 48 : index
        %swap3A_945 = tpu.vector_load %arg10[%swap3A_943, %swap3A_944] {strides = array<i32>} : memref<2x128xi32, #tpu.memory_space<vmem>>, vector<1x16xi32>,
        %swap3A_946 = vector.shape_cast %swap3A_945 : vector<1x16xi32> to vector<16xi32>
        %swap3A_947 = vector.shape_cast %add3A_941 : vector<16xi32> to vector<1x16xi32>
        tpu.vector_store %arg10[%swap3A_943, %swap3A_944], %swap3A_947 {strides = array<i32>} : memref<2x128xi32, #tpu.memory_space<vmem>>, vector<1x16xi32>,
        %get3A_948 = arith.constant 0 : i32
        %get3A_949 = arith.constant 1 : i32
        %get3A_950 = arith.index_cast %get3A_948 : i32 to index
        %get3A_951 = arith.index_cast %get3A_949 : i32 to index
        %get3A_952 = arith.constant 48 : index
        %get3A_953 = tpu.vector_load %arg8[%get3A_950, %get3A_951, %get3A_952] {strides = array<i32>} : memref<2x4x128xi32, #tpu.memory_space<vmem>>, vector<1x1x16xi32>,
        %get3A_954 = vector.shape_cast %get3A_953 : vector<1x1x16xi32> to vector<16xi32>
        %mul3A_955 = arith.constant 64 : i32
        %mul3A_956 = vector.broadcast %mul3A_955 : i32 to vector<16xi32>
        %mul3A_957 = arith.muli %get3A_954, %mul3A_956 : vector<16xi32>
        %get3A_958 = arith.constant 0 : i32
        %get3A_959 = arith.constant 2 : i32
        %get3A_960 = arith.index_cast %get3A_958 : i32 to index
        %get3A_961 = arith.index_cast %get3A_959 : i32 to index
        %get3A_962 = arith.constant 48 : index
        %get3A_963 = tpu.vector_load %arg8[%get3A_960, %get3A_961, %get3A_962] {strides = array<i32>} : memref<2x4x128xi32, #tpu.memory_space<vmem>>, vector<1x1x16xi32>,
        %get3A_964 = vector.shape_cast %get3A_963 : vector<1x1x16xi32> to vector<16xi32>
        %add3A_965 = arith.addi %mul3A_957, %get3A_964 : vector<16xi32>
        %swap3A_966 = arith.constant 0 : i32
        %swap3A_967 = arith.index_cast %swap3A_966 : i32 to index
        %swap3A_968 = arith.constant 48 : index
        %swap3A_969 = tpu.vector_load %arg11[%swap3A_967, %swap3A_968] {strides = array<i32>} : memref<2x128xi32, #tpu.memory_space<vmem>>, vector<1x16xi32>,
        %swap3A_970 = vector.shape_cast %swap3A_969 : vector<1x16xi32> to vector<16xi32>
        %swap3A_971 = vector.shape_cast %add3A_965 : vector<16xi32> to vector<1x16xi32>
        tpu.vector_store %arg11[%swap3A_967, %swap3A_968], %swap3A_971 {strides = array<i32>} : memref<2x128xi32, #tpu.memory_space<vmem>>, vector<1x16xi32>,
        %get3A_972 = arith.constant 0 : i32
        %get3A_973 = arith.constant 0 : i32
        %get3A_974 = arith.index_cast %get3A_972 : i32 to index
        %get3A_975 = arith.index_cast %get3A_973 : i32 to index
        %get3A_976 = arith.constant 64 : index
        %get3A_977 = tpu.vector_load %arg8[%get3A_974, %get3A_975, %get3A_976] {strides = array<i32>} : memref<2x4x128xi32, #tpu.memory_space<vmem>>, vector<1x1x16xi32>,
        %get3A_978 = vector.shape_cast %get3A_977 : vector<1x1x16xi32> to vector<16xi32>
        %mul3A_979 = arith.constant 64 : i32
        %mul3A_980 = vector.broadcast %mul3A_979 : i32 to vector<16xi32>
        %mul3A_981 = arith.muli %get3A_978, %mul3A_980 : vector<16xi32>
        %get3A_982 = arith.constant 0 : i32
        %get3A_983 = arith.constant 3 : i32
        %get3A_984 = arith.index_cast %get3A_982 : i32 to index
        %get3A_985 = arith.index_cast %get3A_983 : i32 to index
        %get3A_986 = arith.constant 64 : index
        %get3A_987 = tpu.vector_load %arg8[%get3A_984, %get3A_985, %get3A_986] {strides = array<i32>} : memref<2x4x128xi32, #tpu.memory_space<vmem>>, vector<1x1x16xi32>,
        %get3A_988 = vector.shape_cast %get3A_987 : vector<1x1x16xi32> to vector<16xi32>
        %add3A_989 = arith.addi %mul3A_981, %get3A_988 : vector<16xi32>
        %swap3A_990 = arith.constant 0 : i32
        %swap3A_991 = arith.index_cast %swap3A_990 : i32 to index
        %swap3A_992 = arith.constant 64 : index
        %swap3A_993 = tpu.vector_load %arg10[%swap3A_991, %swap3A_992] {strides = array<i32>} : memref<2x128xi32, #tpu.memory_space<vmem>>, vector<1x16xi32>,
        %swap3A_994 = vector.shape_cast %swap3A_993 : vector<1x16xi32> to vector<16xi32>
        %swap3A_995 = vector.shape_cast %add3A_989 : vector<16xi32> to vector<1x16xi32>
        tpu.vector_store %arg10[%swap3A_991, %swap3A_992], %swap3A_995 {strides = array<i32>} : memref<2x128xi32, #tpu.memory_space<vmem>>, vector<1x16xi32>,
        %get3A_996 = arith.constant 0 : i32
        %get3A_997 = arith.constant 1 : i32
        %get3A_998 = arith.index_cast %get3A_996 : i32 to index
        %get3A_999 = arith.index_cast %get3A_997 : i32 to index
        %get3A_1000 = arith.constant 64 : index
        %get3A_1001 = tpu.vector_load %arg8[%get3A_998, %get3A_999, %get3A_1000] {strides = array<i32>} : memref<2x4x128xi32, #tpu.memory_space<vmem>>, vector<1x1x16xi32>,
        %get3A_1002 = vector.shape_cast %get3A_1001 : vector<1x1x16xi32> to vector<16xi32>
        %mul3A_1003 = arith.constant 64 : i32
        %mul3A_1004 = vector.broadcast %mul3A_1003 : i32 to vector<16xi32>
        %mul3A_1005 = arith.muli %get3A_1002, %mul3A_1004 : vector<16xi32>
        %get3A_1006 = arith.constant 0 : i32
        %get3A_1007 = arith.constant 2 : i32
        %get3A_1008 = arith.index_cast %get3A_1006 : i32 to index
        %get3A_1009 = arith.index_cast %get3A_1007 : i32 to index
        %get3A_1010 = arith.constant 64 : index
        %get3A_1011 = tpu.vector_load %arg8[%get3A_1008, %get3A_1009, %get3A_1010] {strides = array<i32>} : memref<2x4x128xi32, #tpu.memory_space<vmem>>, vector<1x1x16xi32>,
        %get3A_1012 = vector.shape_cast %get3A_1011 : vector<1x1x16xi32> to vector<16xi32>
        %add3A_1013 = arith.addi %mul3A_1005, %get3A_1012 : vector<16xi32>
        %swap3A_1014 = arith.constant 0 : i32
        %swap3A_1015 = arith.index_cast %swap3A_1014 : i32 to index
        %swap3A_1016 = arith.constant 64 : index
        %swap3A_1017 = tpu.vector_load %arg11[%swap3A_1015, %swap3A_1016] {strides = array<i32>} : memref<2x128xi32, #tpu.memory_space<vmem>>, vector<1x16xi32>,
        %swap3A_1018 = vector.shape_cast %swap3A_1017 : vector<1x16xi32> to vector<16xi32>
        %swap3A_1019 = vector.shape_cast %add3A_1013 : vector<16xi32> to vector<1x16xi32>
        tpu.vector_store %arg11[%swap3A_1015, %swap3A_1016], %swap3A_1019 {strides = array<i32>} : memref<2x128xi32, #tpu.memory_space<vmem>>, vector<1x16xi32>,
        %get3A_1020 = arith.constant 0 : i32
        %get3A_1021 = arith.constant 0 : i32
        %get3A_1022 = arith.index_cast %get3A_1020 : i32 to index
        %get3A_1023 = arith.index_cast %get3A_1021 : i32 to index
        %get3A_1024 = arith.constant 80 : index
        %get3A_1025 = tpu.vector_load %arg8[%get3A_1022, %get3A_1023, %get3A_1024] {strides = array<i32>} : memref<2x4x128xi32, #tpu.memory_space<vmem>>, vector<1x1x16xi32>,
        %get3A_1026 = vector.shape_cast %get3A_1025 : vector<1x1x16xi32> to vector<16xi32>
        %mul3A_1027 = arith.constant 64 : i32
        %mul3A_1028 = vector.broadcast %mul3A_1027 : i32 to vector<16xi32>
        %mul3A_1029 = arith.muli %get3A_1026, %mul3A_1028 : vector<16xi32>
        %get3A_1030 = arith.constant 0 : i32
        %get3A_1031 = arith.constant 3 : i32
        %get3A_1032 = arith.index_cast %get3A_1030 : i32 to index
        %get3A_1033 = arith.index_cast %get3A_1031 : i32 to index
        %get3A_1034 = arith.constant 80 : index
        %get3A_1035 = tpu.vector_load %arg8[%get3A_1032, %get3A_1033, %get3A_1034] {strides = array<i32>} : memref<2x4x128xi32, #tpu.memory_space<vmem>>, vector<1x1x16xi32>,
        %get3A_1036 = vector.shape_cast %get3A_1035 : vector<1x1x16xi32> to vector<16xi32>
        %add3A_1037 = arith.addi %mul3A_1029, %get3A_1036 : vector<16xi32>
        %swap3A_1038 = arith.constant 0 : i32
        %swap3A_1039 = arith.index_cast %swap3A_1038 : i32 to index
        %swap3A_1040 = arith.constant 80 : index
        %swap3A_1041 = tpu.vector_load %arg10[%swap3A_1039, %swap3A_1040] {strides = array<i32>} : memref<2x128xi32, #tpu.memory_space<vmem>>, vector<1x16xi32>,
        %swap3A_1042 = vector.shape_cast %swap3A_1041 : vector<1x16xi32> to vector<16xi32>
        %swap3A_1043 = vector.shape_cast %add3A_1037 : vector<16xi32> to vector<1x16xi32>
        tpu.vector_store %arg10[%swap3A_1039, %swap3A_1040], %swap3A_1043 {strides = array<i32>} : memref<2x128xi32, #tpu.memory_space<vmem>>, vector<1x16xi32>,
        %get3A_1044 = arith.constant 0 : i32
        %get3A_1045 = arith.constant 1 : i32
        %get3A_1046 = arith.index_cast %get3A_1044 : i32 to index
        %get3A_1047 = arith.index_cast %get3A_1045 : i32 to index
        %get3A_1048 = arith.constant 80 : index
        %get3A_1049 = tpu.vector_load %arg8[%get3A_1046, %get3A_1047, %get3A_1048] {strides = array<i32>} : memref<2x4x128xi32, #tpu.memory_space<vmem>>, vector<1x1x16xi32>,
        %get3A_1050 = vector.shape_cast %get3A_1049 : vector<1x1x16xi32> to vector<16xi32>
        %mul3A_1051 = arith.constant 64 : i32
        %mul3A_1052 = vector.broadcast %mul3A_1051 : i32 to vector<16xi32>
        %mul3A_1053 = arith.muli %get3A_1050, %mul3A_1052 : vector<16xi32>
        %get3A_1054 = arith.constant 0 : i32
        %get3A_1055 = arith.constant 2 : i32
        %get3A_1056 = arith.index_cast %get3A_1054 : i32 to index
        %get3A_1057 = arith.index_cast %get3A_1055 : i32 to index
        %get3A_1058 = arith.constant 80 : index
        %get3A_1059 = tpu.vector_load %arg8[%get3A_1056, %get3A_1057, %get3A_1058] {strides = array<i32>} : memref<2x4x128xi32, #tpu.memory_space<vmem>>, vector<1x1x16xi32>,
        %get3A_1060 = vector.shape_cast %get3A_1059 : vector<1x1x16xi32> to vector<16xi32>
        %add3A_1061 = arith.addi %mul3A_1053, %get3A_1060 : vector<16xi32>
        %swap3A_1062 = arith.constant 0 : i32
        %swap3A_1063 = arith.index_cast %swap3A_1062 : i32 to index
        %swap3A_1064 = arith.constant 80 : index
        %swap3A_1065 = tpu.vector_load %arg11[%swap3A_1063, %swap3A_1064] {strides = array<i32>} : memref<2x128xi32, #tpu.memory_space<vmem>>, vector<1x16xi32>,
        %swap3A_1066 = vector.shape_cast %swap3A_1065 : vector<1x16xi32> to vector<16xi32>
        %swap3A_1067 = vector.shape_cast %add3A_1061 : vector<16xi32> to vector<1x16xi32>
        tpu.vector_store %arg11[%swap3A_1063, %swap3A_1064], %swap3A_1067 {strides = array<i32>} : memref<2x128xi32, #tpu.memory_space<vmem>>, vector<1x16xi32>,
        %get3A_1068 = arith.constant 0 : i32
        %get3A_1069 = arith.constant 0 : i32
        %get3A_1070 = arith.index_cast %get3A_1068 : i32 to index
        %get3A_1071 = arith.index_cast %get3A_1069 : i32 to index
        %get3A_1072 = arith.constant 96 : index
        %get3A_1073 = tpu.vector_load %arg8[%get3A_1070, %get3A_1071, %get3A_1072] {strides = array<i32>} : memref<2x4x128xi32, #tpu.memory_space<vmem>>, vector<1x1x16xi32>,
        %get3A_1074 = vector.shape_cast %get3A_1073 : vector<1x1x16xi32> to vector<16xi32>
        %mul3A_1075 = arith.constant 64 : i32
        %mul3A_1076 = vector.broadcast %mul3A_1075 : i32 to vector<16xi32>
        %mul3A_1077 = arith.muli %get3A_1074, %mul3A_1076 : vector<16xi32>
        %get3A_1078 = arith.constant 0 : i32
        %get3A_1079 = arith.constant 3 : i32
        %get3A_1080 = arith.index_cast %get3A_1078 : i32 to index
        %get3A_1081 = arith.index_cast %get3A_1079 : i32 to index
        %get3A_1082 = arith.constant 96 : index
        %get3A_1083 = tpu.vector_load %arg8[%get3A_1080, %get3A_1081, %get3A_1082] {strides = array<i32>} : memref<2x4x128xi32, #tpu.memory_space<vmem>>, vector<1x1x16xi32>,
        %get3A_1084 = vector.shape_cast %get3A_1083 : vector<1x1x16xi32> to vector<16xi32>
        %add3A_1085 = arith.addi %mul3A_1077, %get3A_1084 : vector<16xi32>
        %swap3A_1086 = arith.constant 0 : i32
        %swap3A_1087 = arith.index_cast %swap3A_1086 : i32 to index
        %swap3A_1088 = arith.constant 96 : index
        %swap3A_1089 = tpu.vector_load %arg10[%swap3A_1087, %swap3A_1088] {strides = array<i32>} : memref<2x128xi32, #tpu.memory_space<vmem>>, vector<1x16xi32>,
        %swap3A_1090 = vector.shape_cast %swap3A_1089 : vector<1x16xi32> to vector<16xi32>
        %swap3A_1091 = vector.shape_cast %add3A_1085 : vector<16xi32> to vector<1x16xi32>
        tpu.vector_store %arg10[%swap3A_1087, %swap3A_1088], %swap3A_1091 {strides = array<i32>} : memref<2x128xi32, #tpu.memory_space<vmem>>, vector<1x16xi32>,
        %get3A_1092 = arith.constant 0 : i32
        %get3A_1093 = arith.constant 1 : i32
        %get3A_1094 = arith.index_cast %get3A_1092 : i32 to index
        %get3A_1095 = arith.index_cast %get3A_1093 : i32 to index
        %get3A_1096 = arith.constant 96 : index
        %get3A_1097 = tpu.vector_load %arg8[%get3A_1094, %get3A_1095, %get3A_1096] {strides = array<i32>} : memref<2x4x128xi32, #tpu.memory_space<vmem>>, vector<1x1x16xi32>,
        %get3A_1098 = vector.shape_cast %get3A_1097 : vector<1x1x16xi32> to vector<16xi32>
        %mul3A_1099 = arith.constant 64 : i32
        %mul3A_1100 = vector.broadcast %mul3A_1099 : i32 to vector<16xi32>
        %mul3A_1101 = arith.muli %get3A_1098, %mul3A_1100 : vector<16xi32>
        %get3A_1102 = arith.constant 0 : i32
        %get3A_1103 = arith.constant 2 : i32
        %get3A_1104 = arith.index_cast %get3A_1102 : i32 to index
        %get3A_1105 = arith.index_cast %get3A_1103 : i32 to index
        %get3A_1106 = arith.constant 96 : index
        %get3A_1107 = tpu.vector_load %arg8[%get3A_1104, %get3A_1105, %get3A_1106] {strides = array<i32>} : memref<2x4x128xi32, #tpu.memory_space<vmem>>, vector<1x1x16xi32>,
        %get3A_1108 = vector.shape_cast %get3A_1107 : vector<1x1x16xi32> to vector<16xi32>
        %add3A_1109 = arith.addi %mul3A_1101, %get3A_1108 : vector<16xi32>
        %swap3A_1110 = arith.constant 0 : i32
        %swap3A_1111 = arith.index_cast %swap3A_1110 : i32 to index
        %swap3A_1112 = arith.constant 96 : index
        %swap3A_1113 = tpu.vector_load %arg11[%swap3A_1111, %swap3A_1112] {strides = array<i32>} : memref<2x128xi32, #tpu.memory_space<vmem>>, vector<1x16xi32>,
        %swap3A_1114 = vector.shape_cast %swap3A_1113 : vector<1x16xi32> to vector<16xi32>
        %swap3A_1115 = vector.shape_cast %add3A_1109 : vector<16xi32> to vector<1x16xi32>
        tpu.vector_store %arg11[%swap3A_1111, %swap3A_1112], %swap3A_1115 {strides = array<i32>} : memref<2x128xi32, #tpu.memory_space<vmem>>, vector<1x16xi32>,
        %get3A_1116 = arith.constant 0 : i32
        %get3A_1117 = arith.constant 0 : i32
        %get3A_1118 = arith.index_cast %get3A_1116 : i32 to index
        %get3A_1119 = arith.index_cast %get3A_1117 : i32 to index
        %get3A_1120 = arith.constant 112 : index
        %get3A_1121 = tpu.vector_load %arg8[%get3A_1118, %get3A_1119, %get3A_1120] {strides = array<i32>} : memref<2x4x128xi32, #tpu.memory_space<vmem>>, vector<1x1x16xi32>,
        %get3A_1122 = vector.shape_cast %get3A_1121 : vector<1x1x16xi32> to vector<16xi32>
        %mul3A_1123 = arith.constant 64 : i32
        %mul3A_1124 = vector.broadcast %mul3A_1123 : i32 to vector<16xi32>
        %mul3A_1125 = arith.muli %get3A_1122, %mul3A_1124 : vector<16xi32>
        %get3A_1126 = arith.constant 0 : i32
        %get3A_1127 = arith.constant 3 : i32
        %get3A_1128 = arith.index_cast %get3A_1126 : i32 to index
        %get3A_1129 = arith.index_cast %get3A_1127 : i32 to index
        %get3A_1130 = arith.constant 112 : index
        %get3A_1131 = tpu.vector_load %arg8[%get3A_1128, %get3A_1129, %get3A_1130] {strides = array<i32>} : memref<2x4x128xi32, #tpu.memory_space<vmem>>, vector<1x1x16xi32>,
        %get3A_1132 = vector.shape_cast %get3A_1131 : vector<1x1x16xi32> to vector<16xi32>
        %add3A_1133 = arith.addi %mul3A_1125, %get3A_1132 : vector<16xi32>
        %swap3A_1134 = arith.constant 0 : i32
        %swap3A_1135 = arith.index_cast %swap3A_1134 : i32 to index
        %swap3A_1136 = arith.constant 112 : index
        %swap3A_1137 = tpu.vector_load %arg10[%swap3A_1135, %swap3A_1136] {strides = array<i32>} : memref<2x128xi32, #tpu.memory_space<vmem>>, vector<1x16xi32>,
        %swap3A_1138 = vector.shape_cast %swap3A_1137 : vector<1x16xi32> to vector<16xi32>
        %swap3A_1139 = vector.shape_cast %add3A_1133 : vector<16xi32> to vector<1x16xi32>
        tpu.vector_store %arg10[%swap3A_1135, %swap3A_1136], %swap3A_1139 {strides = array<i32>} : memref<2x128xi32, #tpu.memory_space<vmem>>, vector<1x16xi32>,
        %get3A_1140 = arith.constant 0 : i32
        %get3A_1141 = arith.constant 1 : i32
        %get3A_1142 = arith.index_cast %get3A_1140 : i32 to index
        %get3A_1143 = arith.index_cast %get3A_1141 : i32 to index
        %get3A_1144 = arith.constant 112 : index
        %get3A_1145 = tpu.vector_load %arg8[%get3A_1142, %get3A_1143, %get3A_1144] {strides = array<i32>} : memref<2x4x128xi32, #tpu.memory_space<vmem>>, vector<1x1x16xi32>,
        %get3A_1146 = vector.shape_cast %get3A_1145 : vector<1x1x16xi32> to vector<16xi32>
        %mul3A_1147 = arith.constant 64 : i32
        %mul3A_1148 = vector.broadcast %mul3A_1147 : i32 to vector<16xi32>
        %mul3A_1149 = arith.muli %get3A_1146, %mul3A_1148 : vector<16xi32>
        %get3A_1150 = arith.constant 0 : i32
        %get3A_1151 = arith.constant 2 : i32
        %get3A_1152 = arith.index_cast %get3A_1150 : i32 to index
        %get3A_1153 = arith.index_cast %get3A_1151 : i32 to index
        %get3A_1154 = arith.constant 112 : index
        %get3A_1155 = tpu.vector_load %arg8[%get3A_1152, %get3A_1153, %get3A_1154] {strides = array<i32>} : memref<2x4x128xi32, #tpu.memory_space<vmem>>, vector<1x1x16xi32>,
        %get3A_1156 = vector.shape_cast %get3A_1155 : vector<1x1x16xi32> to vector<16xi32>
        %add3A_1157 = arith.addi %mul3A_1149, %get3A_1156 : vector<16xi32>
        %swap3A_1158 = arith.constant 0 : i32
        %swap3A_1159 = arith.index_cast %swap3A_1158 : i32 to index
        %swap3A_1160 = arith.constant 112 : index
        %swap3A_1161 = tpu.vector_load %arg11[%swap3A_1159, %swap3A_1160] {strides = array<i32>} : memref<2x128xi32, #tpu.memory_space<vmem>>, vector<1x16xi32>,
        %swap3A_1162 = vector.shape_cast %swap3A_1161 : vector<1x16xi32> to vector<16xi32>
        %swap3A_1163 = vector.shape_cast %add3A_1157 : vector<16xi32> to vector<1x16xi32>
        tpu.vector_store %arg11[%swap3A_1159, %swap3A_1160], %swap3A_1163 {strides = array<i32>} : memref<2x128xi32, #tpu.memory_space<vmem>>, vector<1x16xi32>,
        %ge3A = arith.constant 1 : i32
        %ge3A_1164 = arith.cmpi sge, %add3A_661, %ge3A : i32
        %convert_element_type3A_1165 = arith.extui %ge3A_1164 : i1 to i32
        %cond3A_1166 = arith.constant 0 : i32
        %cond3A_1167 = arith.cmpi ne, %convert_element_type3A_1165, %cond3A_1166 : i32
        scf.if %cond3A_1167 {
          %dma_wait3A_1213 = arith.constant 0 : i32
          %dma_wait3A_1214 = arith.constant 0 : i32
          %dma_wait3A_1215 = arith.constant 0 : i32
          %dma_wait3A_1216 = arith.constant 0 : i32
          %dma_wait3A_1217 = tpu.memref_slice %arg12[%dma_wait3A_1213, %dma_wait3A_1215, %dma_wait3A_1216] : memref<2x128x128xf32, #tpu.memory_space<vmem>> -> memref<1x128x128xf32, #tpu.memory_space<vmem>>
          %dma_wait3A_1218 = tpu.memref_squeeze %dma_wait3A_1217 : memref<1x128x128xf32, #tpu.memory_space<vmem>> -> memref<128x128xf32, #tpu.memory_space<vmem>>
          %dma_wait3A_1219 = arith.constant 0 : i32
          %dma_wait3A_1220 = arith.constant 0 : i32
          %dma_wait3A_1221 = tpu.memref_slice %arg7[%dma_wait3A_1219, %dma_wait3A_1220] : memref<204800x128xf32, #tpu.memory_space<hbm>> -> memref<128x128xf32, #tpu.memory_space<hbm>>
          %dma_wait3A_1222 = tpu.memref_slice %arg17[%dma_wait3A_1214] : memref<2x!tpu.dma_semaphore, #tpu.memory_space<semaphore_mem>> -> memref<1x!tpu.dma_semaphore, #tpu.memory_space<semaphore_mem>>
          %dma_wait3A_1223 = tpu.memref_squeeze %dma_wait3A_1222 : memref<1x!tpu.dma_semaphore, #tpu.memory_space<semaphore_mem>> -> memref<!tpu.dma_semaphore, #tpu.memory_space<semaphore_mem>>
          %dma_wait3A_1224 = arith.constant 0 : i32
          %dma_wait3A_1225 = arith.constant 0 : i32
          %dma_wait3A_1226 = tpu.memref_slice %arg7[%dma_wait3A_1224, %dma_wait3A_1225] : memref<204800x128xf32, #tpu.memory_space<hbm>> -> memref<128x128xf32, #tpu.memory_space<hbm>>
          %dma_wait3A_1227 = arith.constant 0 : i32
          %dma_wait3A_1228 = arith.constant 0 : i32
          %dma_wait3A_1229 = tpu.memref_slice %arg12[%dma_wait3A_1213, %dma_wait3A_1227, %dma_wait3A_1228] : memref<2x128x128xf32, #tpu.memory_space<vmem>> -> memref<1x128x128xf32, #tpu.memory_space<vmem>>
          %dma_wait3A_1230 = tpu.memref_squeeze %dma_wait3A_1229 : memref<1x128x128xf32, #tpu.memory_space<vmem>> -> memref<128x128xf32, #tpu.memory_space<vmem>>
          tpu.wait_dma2 semaphore(%dma_wait3A_1223 : memref<!tpu.dma_semaphore, #tpu.memory_space<semaphore_mem>>) src(%dma_wait3A_1230 : memref<128x128xf32, #tpu.memory_space<vmem>>) dst(%dma_wait3A_1226 : memref<128x128xf32, #tpu.memory_space<hbm>>)
        } else {
        }
        %dma_start3A_1168 = arith.constant 0 : i32
        %dma_start3A_1169 = arith.constant 0 : i32
        %dma_start3A_1170 = arith.constant 0 : i32
        %dma_start3A_1171 = arith.constant 0 : i32
        %dma_start3A_1172 = arith.constant 0 : i32
        %dma_start3A_1173 = tpu.memref_slice %arg12[%dma_start3A_1169, %dma_start3A_1171, %dma_start3A_1172] : memref<2x128x128xf32, #tpu.memory_space<vmem>> -> memref<1x128x128xf32, #tpu.memory_space<vmem>>
        %dma_start3A_1174 = tpu.memref_squeeze %dma_start3A_1173 : memref<1x128x128xf32, #tpu.memory_space<vmem>> -> memref<128x128xf32, #tpu.memory_space<vmem>>
        %dma_start3A_1175 = arith.constant 0 : i32
        %dma_start3A_1176 = tpu.memref_slice %arg9[%dma_start3A_1168, %dma_start3A_1175] : memref<2x128xi32, #tpu.memory_space<vmem>> -> memref<1x128xi32, #tpu.memory_space<vmem>>
        %dma_start3A_1177 = tpu.memref_squeeze %dma_start3A_1176 : memref<1x128xi32, #tpu.memory_space<vmem>> -> memref<128xi32, #tpu.memory_space<vmem>>
        %dma_start3A_1178 = arith.constant 0 : i32
        %dma_start3A_1179 = arith.constant 0 : i32
        %dma_start3A_1180 = tpu.memref_slice %arg4[%dma_start3A_1178, %dma_start3A_1179] : memref<1001x128xf32, #tpu.memory_space<hbm>> -> memref<1001x128xf32, #tpu.memory_space<hbm>>
        %dma_start3A_1181 = tpu.memref_slice %arg16[%dma_start3A_1170] : memref<2x!tpu.dma_semaphore, #tpu.memory_space<semaphore_mem>> -> memref<1x!tpu.dma_semaphore, #tpu.memory_space<semaphore_mem>>
        %dma_start3A_1182 = tpu.memref_squeeze %dma_start3A_1181 : memref<1x!tpu.dma_semaphore, #tpu.memory_space<semaphore_mem>> -> memref<!tpu.dma_semaphore, #tpu.memory_space<semaphore_mem>>
        tpu.enqueue_indirect_dma source(%dma_start3A_1180 : memref<1001x128xf32, #tpu.memory_space<hbm>>) target(%dma_start3A_1174 : memref<128x128xf32, #tpu.memory_space<vmem>>) offsets(%dma_start3A_1177 : memref<128xi32, #tpu.memory_space<vmem>>) semaphore(%dma_start3A_1182 : memref<!tpu.dma_semaphore, #tpu.memory_space<semaphore_mem>>)
        %dma_start3A_1183 = arith.constant 0 : i32
        %dma_start3A_1184 = arith.constant 0 : i32
        %dma_start3A_1185 = arith.constant 0 : i32
        %dma_start3A_1186 = arith.constant 0 : i32
        %dma_start3A_1187 = arith.constant 0 : i32
        %dma_start3A_1188 = tpu.memref_slice %arg13[%dma_start3A_1184, %dma_start3A_1186, %dma_start3A_1187] : memref<2x128x128xf32, #tpu.memory_space<vmem>> -> memref<1x128x128xf32, #tpu.memory_space<vmem>>
        %dma_start3A_1189 = tpu.memref_squeeze %dma_start3A_1188 : memref<1x128x128xf32, #tpu.memory_space<vmem>> -> memref<128x128xf32, #tpu.memory_space<vmem>>
        %dma_start3A_1190 = arith.constant 0 : i32
        %dma_start3A_1191 = tpu.memref_slice %arg10[%dma_start3A_1183, %dma_start3A_1190] : memref<2x128xi32, #tpu.memory_space<vmem>> -> memref<1x128xi32, #tpu.memory_space<vmem>>
        %dma_start3A_1192 = tpu.memref_squeeze %dma_start3A_1191 : memref<1x128xi32, #tpu.memory_space<vmem>> -> memref<128xi32, #tpu.memory_space<vmem>>
        %dma_start3A_1193 = arith.constant 0 : i32
        %dma_start3A_1194 = arith.constant 0 : i32
        %dma_start3A_1195 = tpu.memref_slice %arg5[%dma_start3A_1193, %dma_start3A_1194] : memref<2112x128xf32, #tpu.memory_space<hbm>> -> memref<2112x128xf32, #tpu.memory_space<hbm>>
        %dma_start3A_1196 = tpu.memref_slice %arg16[%dma_start3A_1185] : memref<2x!tpu.dma_semaphore, #tpu.memory_space<semaphore_mem>> -> memref<1x!tpu.dma_semaphore, #tpu.memory_space<semaphore_mem>>
        %dma_start3A_1197 = tpu.memref_squeeze %dma_start3A_1196 : memref<1x!tpu.dma_semaphore, #tpu.memory_space<semaphore_mem>> -> memref<!tpu.dma_semaphore, #tpu.memory_space<semaphore_mem>>
        tpu.enqueue_indirect_dma source(%dma_start3A_1195 : memref<2112x128xf32, #tpu.memory_space<hbm>>) target(%dma_start3A_1189 : memref<128x128xf32, #tpu.memory_space<vmem>>) offsets(%dma_start3A_1192 : memref<128xi32, #tpu.memory_space<vmem>>) semaphore(%dma_start3A_1197 : memref<!tpu.dma_semaphore, #tpu.memory_space<semaphore_mem>>)
        %dma_start3A_1198 = arith.constant 0 : i32
        %dma_start3A_1199 = arith.constant 0 : i32
        %dma_start3A_1200 = arith.constant 0 : i32
        %dma_start3A_1201 = arith.constant 0 : i32
        %dma_start3A_1202 = arith.constant 0 : i32
        %dma_start3A_1203 = tpu.memref_slice %arg14[%dma_start3A_1199, %dma_start3A_1201, %dma_start3A_1202] : memref<2x128x128xf32, #tpu.memory_space<vmem>> -> memref<1x128x128xf32, #tpu.memory_space<vmem>>
        %dma_start3A_1204 = tpu.memref_squeeze %dma_start3A_1203 : memref<1x128x128xf32, #tpu.memory_space<vmem>> -> memref<128x128xf32, #tpu.memory_space<vmem>>
        %dma_start3A_1205 = arith.constant 0 : i32
        %dma_start3A_1206 = tpu.memref_slice %arg11[%dma_start3A_1198, %dma_start3A_1205] : memref<2x128xi32, #tpu.memory_space<vmem>> -> memref<1x128xi32, #tpu.memory_space<vmem>>
        %dma_start3A_1207 = tpu.memref_squeeze %dma_start3A_1206 : memref<1x128xi32, #tpu.memory_space<vmem>> -> memref<128xi32, #tpu.memory_space<vmem>>
        %dma_start3A_1208 = arith.constant 0 : i32
        %dma_start3A_1209 = arith.constant 0 : i32
        %dma_start3A_1210 = tpu.memref_slice %arg6[%dma_start3A_1208, %dma_start3A_1209] : memref<4096x128xf32, #tpu.memory_space<hbm>> -> memref<4096x128xf32, #tpu.memory_space<hbm>>
        %dma_start3A_1211 = tpu.memref_slice %arg16[%dma_start3A_1200] : memref<2x!tpu.dma_semaphore, #tpu.memory_space<semaphore_mem>> -> memref<1x!tpu.dma_semaphore, #tpu.memory_space<semaphore_mem>>
        %dma_start3A_1212 = tpu.memref_squeeze %dma_start3A_1211 : memref<1x!tpu.dma_semaphore, #tpu.memory_space<semaphore_mem>> -> memref<!tpu.dma_semaphore, #tpu.memory_space<semaphore_mem>>
        tpu.enqueue_indirect_dma source(%dma_start3A_1210 : memref<4096x128xf32, #tpu.memory_space<hbm>>) target(%dma_start3A_1204 : memref<128x128xf32, #tpu.memory_space<vmem>>) offsets(%dma_start3A_1207 : memref<128xi32, #tpu.memory_space<vmem>>) semaphore(%dma_start3A_1212 : memref<!tpu.dma_semaphore, #tpu.memory_space<semaphore_mem>>)
      } else {
      }
      %dma_wait3A_669 = arith.constant 1 : i32
      %dma_wait3A_670 = arith.constant 1 : i32
      %dma_wait3A_671 = arith.constant 1 : i32
      %dma_wait3A_672 = arith.constant 0 : i32
      %dma_wait3A_673 = arith.constant 0 : i32
      %dma_wait3A_674 = tpu.memref_slice %arg12[%dma_wait3A_670, %dma_wait3A_672, %dma_wait3A_673] : memref<2x128x128xf32, #tpu.memory_space<vmem>> -> memref<1x128x128xf32, #tpu.memory_space<vmem>>
      %dma_wait3A_675 = tpu.memref_squeeze %dma_wait3A_674 : memref<1x128x128xf32, #tpu.memory_space<vmem>> -> memref<128x128xf32, #tpu.memory_space<vmem>>
      %dma_wait3A_676 = arith.constant 0 : i32
      %dma_wait3A_677 = tpu.memref_slice %arg9[%dma_wait3A_669, %dma_wait3A_676] : memref<2x128xi32, #tpu.memory_space<vmem>> -> memref<1x128xi32, #tpu.memory_space<vmem>>
      %dma_wait3A_678 = tpu.memref_squeeze %dma_wait3A_677 : memref<1x128xi32, #tpu.memory_space<vmem>> -> memref<128xi32, #tpu.memory_space<vmem>>
      %dma_wait3A_679 = arith.constant 0 : i32
      %dma_wait3A_680 = arith.constant 0 : i32
      %dma_wait3A_681 = tpu.memref_slice %arg4[%dma_wait3A_679, %dma_wait3A_680] : memref<1001x128xf32, #tpu.memory_space<hbm>> -> memref<1001x128xf32, #tpu.memory_space<hbm>>
      %dma_wait3A_682 = tpu.memref_slice %arg16[%dma_wait3A_671] : memref<2x!tpu.dma_semaphore, #tpu.memory_space<semaphore_mem>> -> memref<1x!tpu.dma_semaphore, #tpu.memory_space<semaphore_mem>>
      %dma_wait3A_683 = tpu.memref_squeeze %dma_wait3A_682 : memref<1x!tpu.dma_semaphore, #tpu.memory_space<semaphore_mem>> -> memref<!tpu.dma_semaphore, #tpu.memory_space<semaphore_mem>>
      tpu.wait_indirect_dma semaphore(%dma_wait3A_683 : memref<!tpu.dma_semaphore, #tpu.memory_space<semaphore_mem>>) src(%dma_wait3A_681 : memref<1001x128xf32, #tpu.memory_space<hbm>>) dst(%dma_wait3A_675 : memref<128x128xf32, #tpu.memory_space<vmem>>)
      %dma_wait3A_684 = arith.constant 1 : i32
      %dma_wait3A_685 = arith.constant 1 : i32
      %dma_wait3A_686 = arith.constant 1 : i32
      %dma_wait3A_687 = arith.constant 0 : i32
      %dma_wait3A_688 = arith.constant 0 : i32
      %dma_wait3A_689 = tpu.memref_slice %arg13[%dma_wait3A_685, %dma_wait3A_687, %dma_wait3A_688] : memref<2x128x128xf32, #tpu.memory_space<vmem>> -> memref<1x128x128xf32, #tpu.memory_space<vmem>>
      %dma_wait3A_690 = tpu.memref_squeeze %dma_wait3A_689 : memref<1x128x128xf32, #tpu.memory_space<vmem>> -> memref<128x128xf32, #tpu.memory_space<vmem>>
      %dma_wait3A_691 = arith.constant 0 : i32
      %dma_wait3A_692 = tpu.memref_slice %arg10[%dma_wait3A_684, %dma_wait3A_691] : memref<2x128xi32, #tpu.memory_space<vmem>> -> memref<1x128xi32, #tpu.memory_space<vmem>>
      %dma_wait3A_693 = tpu.memref_squeeze %dma_wait3A_692 : memref<1x128xi32, #tpu.memory_space<vmem>> -> memref<128xi32, #tpu.memory_space<vmem>>
      %dma_wait3A_694 = arith.constant 0 : i32
      %dma_wait3A_695 = arith.constant 0 : i32
      %dma_wait3A_696 = tpu.memref_slice %arg5[%dma_wait3A_694, %dma_wait3A_695] : memref<2112x128xf32, #tpu.memory_space<hbm>> -> memref<2112x128xf32, #tpu.memory_space<hbm>>
      %dma_wait3A_697 = tpu.memref_slice %arg16[%dma_wait3A_686] : memref<2x!tpu.dma_semaphore, #tpu.memory_space<semaphore_mem>> -> memref<1x!tpu.dma_semaphore, #tpu.memory_space<semaphore_mem>>
      %dma_wait3A_698 = tpu.memref_squeeze %dma_wait3A_697 : memref<1x!tpu.dma_semaphore, #tpu.memory_space<semaphore_mem>> -> memref<!tpu.dma_semaphore, #tpu.memory_space<semaphore_mem>>
      tpu.wait_indirect_dma semaphore(%dma_wait3A_698 : memref<!tpu.dma_semaphore, #tpu.memory_space<semaphore_mem>>) src(%dma_wait3A_696 : memref<2112x128xf32, #tpu.memory_space<hbm>>) dst(%dma_wait3A_690 : memref<128x128xf32, #tpu.memory_space<vmem>>)
      %dma_wait3A_699 = arith.constant 1 : i32
      %dma_wait3A_700 = arith.constant 1 : i32
      %dma_wait3A_701 = arith.constant 1 : i32
      %dma_wait3A_702 = arith.constant 0 : i32
      %dma_wait3A_703 = arith.constant 0 : i32
      %dma_wait3A_704 = tpu.memref_slice %arg14[%dma_wait3A_700, %dma_wait3A_702, %dma_wait3A_703] : memref<2x128x128xf32, #tpu.memory_space<vmem>> -> memref<1x128x128xf32, #tpu.memory_space<vmem>>
      %dma_wait3A_705 = tpu.memref_squeeze %dma_wait3A_704 : memref<1x128x128xf32, #tpu.memory_space<vmem>> -> memref<128x128xf32, #tpu.memory_space<vmem>>
      %dma_wait3A_706 = arith.constant 0 : i32
      %dma_wait3A_707 = tpu.memref_slice %arg11[%dma_wait3A_699, %dma_wait3A_706] : memref<2x128xi32, #tpu.memory_space<vmem>> -> memref<1x128xi32, #tpu.memory_space<vmem>>
      %dma_wait3A_708 = tpu.memref_squeeze %dma_wait3A_707 : memref<1x128xi32, #tpu.memory_space<vmem>> -> memref<128xi32, #tpu.memory_space<vmem>>
      %dma_wait3A_709 = arith.constant 0 : i32
      %dma_wait3A_710 = arith.constant 0 : i32
      %dma_wait3A_711 = tpu.memref_slice %arg6[%dma_wait3A_709, %dma_wait3A_710] : memref<4096x128xf32, #tpu.memory_space<hbm>> -> memref<4096x128xf32, #tpu.memory_space<hbm>>
      %dma_wait3A_712 = tpu.memref_slice %arg16[%dma_wait3A_701] : memref<2x!tpu.dma_semaphore, #tpu.memory_space<semaphore_mem>> -> memref<1x!tpu.dma_semaphore, #tpu.memory_space<semaphore_mem>>
      %dma_wait3A_713 = tpu.memref_squeeze %dma_wait3A_712 : memref<1x!tpu.dma_semaphore, #tpu.memory_space<semaphore_mem>> -> memref<!tpu.dma_semaphore, #tpu.memory_space<semaphore_mem>>
      tpu.wait_indirect_dma semaphore(%dma_wait3A_713 : memref<!tpu.dma_semaphore, #tpu.memory_space<semaphore_mem>>) src(%dma_wait3A_711 : memref<4096x128xf32, #tpu.memory_space<hbm>>) dst(%dma_wait3A_705 : memref<128x128xf32, #tpu.memory_space<vmem>>)
      %add3A_714 = arith.constant 2 : i32
      %add3A_715 = arith.addi %add3A_661, %add3A_714 : i32
      %lt3A_716 = arith.constant 50 : i32
      %lt3A_717 = arith.cmpi slt, %add3A_715, %lt3A_716 : i32
      %convert_element_type3A_718 = arith.extui %lt3A_717 : i1 to i32
      %cond3A_719 = arith.constant 0 : i32
      %cond3A_720 = arith.cmpi ne, %convert_element_type3A_718, %cond3A_719 : i32
      scf.if %cond3A_720 {
        %add3A_745 = arith.constant 2 : i32
        %add3A_746 = arith.addi %add3A_661, %add3A_745 : i32
        %mul3A_747 = arith.constant 50 : i32
        %mul3A_748 = arith.muli %add3A, %mul3A_747 : i32
        %add3A_749 = arith.addi %mul3A_748, %add3A_746 : i32
        %mul3A_750 = arith.constant 128 : i32
        %mul3A_751 = arith.muli %add3A_749, %mul3A_750 : i32
        %dma_start3A_752 = arith.constant 1 : i32
        %dma_start3A_753 = arith.constant 1 : i32
        %dma_start3A_754 = arith.constant 0 : i32
        %dma_start3A_755 = tpu.memref_slice %arg9[%dma_start3A_752, %dma_start3A_754] : memref<2x128xi32, #tpu.memory_space<vmem>> -> memref<1x128xi32, #tpu.memory_space<vmem>>
        %dma_start3A_756 = tpu.memref_squeeze %dma_start3A_755 : memref<1x128xi32, #tpu.memory_space<vmem>> -> memref<128xi32, #tpu.memory_space<vmem>>
        %dma_start3A_757 = tpu.memref_slice %arg2[%mul3A_751] : memref<204800xi32, #tpu.memory_space<hbm>> -> memref<128xi32, #tpu.memory_space<hbm>>
        %dma_start3A_758 = tpu.memref_slice %arg15[%dma_start3A_753] : memref<2x!tpu.dma_semaphore, #tpu.memory_space<semaphore_mem>> -> memref<1x!tpu.dma_semaphore, #tpu.memory_space<semaphore_mem>>
        %dma_start3A_759 = tpu.memref_squeeze %dma_start3A_758 : memref<1x!tpu.dma_semaphore, #tpu.memory_space<semaphore_mem>> -> memref<!tpu.dma_semaphore, #tpu.memory_space<semaphore_mem>>
        %dma_start3A_760 = arith.constant 0 : i32
        %dma_start3A_761 = tpu.memref_slice %arg9[%dma_start3A_752, %dma_start3A_760] : memref<2x128xi32, #tpu.memory_space<vmem>> -> memref<1x128xi32, #tpu.memory_space<vmem>>
        %dma_start3A_762 = tpu.memref_squeeze %dma_start3A_761 : memref<1x128xi32, #tpu.memory_space<vmem>> -> memref<128xi32, #tpu.memory_space<vmem>>
        %dma_start3A_763 = tpu.memref_slice %arg2[%mul3A_751] : memref<204800xi32, #tpu.memory_space<hbm>> -> memref<128xi32, #tpu.memory_space<hbm>>
        tpu.enqueue_dma source(%dma_start3A_763 : memref<128xi32, #tpu.memory_space<hbm>>) target(%dma_start3A_762 : memref<128xi32, #tpu.memory_space<vmem>>) target_semaphore(%dma_start3A_759 : memref<!tpu.dma_semaphore, #tpu.memory_space<semaphore_mem>>)
        %dma_start3A_764 = arith.constant 1 : i32
        %dma_start3A_765 = arith.constant 1 : i32
        %dma_start3A_766 = arith.constant 0 : i32
        %dma_start3A_767 = arith.constant 0 : i32
        %dma_start3A_768 = tpu.memref_slice %arg8[%dma_start3A_764, %dma_start3A_766, %dma_start3A_767] : memref<2x4x128xi32, #tpu.memory_space<vmem>> -> memref<1x4x128xi32, #tpu.memory_space<vmem>>
        %dma_start3A_769 = tpu.memref_squeeze %dma_start3A_768 : memref<1x4x128xi32, #tpu.memory_space<vmem>> -> memref<4x128xi32, #tpu.memory_space<vmem>>
        %dma_start3A_770 = arith.constant 0 : i32
        %dma_start3A_771 = arith.constant 0 : i32
        %dma_start3A_772 = tpu.memref_slice %arg3[%add3A_749, %dma_start3A_770, %dma_start3A_771] : memref<1600x4x128xi32, #tpu.memory_space<hbm>> -> memref<1x4x128xi32, #tpu.memory_space<hbm>>
        %dma_start3A_773 = tpu.memref_squeeze %dma_start3A_772 : memref<1x4x128xi32, #tpu.memory_space<hbm>> -> memref<4x128xi32, #tpu.memory_space<hbm>>
        %dma_start3A_774 = tpu.memref_slice %arg15[%dma_start3A_765] : memref<2x!tpu.dma_semaphore, #tpu.memory_space<semaphore_mem>> -> memref<1x!tpu.dma_semaphore, #tpu.memory_space<semaphore_mem>>
        %dma_start3A_775 = tpu.memref_squeeze %dma_start3A_774 : memref<1x!tpu.dma_semaphore, #tpu.memory_space<semaphore_mem>> -> memref<!tpu.dma_semaphore, #tpu.memory_space<semaphore_mem>>
        %dma_start3A_776 = arith.constant 0 : i32
        %dma_start3A_777 = arith.constant 0 : i32
        %dma_start3A_778 = tpu.memref_slice %arg8[%dma_start3A_764, %dma_start3A_776, %dma_start3A_777] : memref<2x4x128xi32, #tpu.memory_space<vmem>> -> memref<1x4x128xi32, #tpu.memory_space<vmem>>
        %dma_start3A_779 = tpu.memref_squeeze %dma_start3A_778 : memref<1x4x128xi32, #tpu.memory_space<vmem>> -> memref<4x128xi32, #tpu.memory_space<vmem>>
        %dma_start3A_780 = arith.constant 0 : i32
        %dma_start3A_781 = arith.constant 0 : i32
        %dma_start3A_782 = tpu.memref_slice %arg3[%add3A_749, %dma_start3A_780, %dma_start3A_781] : memref<1600x4x128xi32, #tpu.memory_space<hbm>> -> memref<1x4x128xi32, #tpu.memory_space<hbm>>
        %dma_start3A_783 = tpu.memref_squeeze %dma_start3A_782 : memref<1x4x128xi32, #tpu.memory_space<hbm>> -> memref<4x128xi32, #tpu.memory_space<hbm>>
        tpu.enqueue_dma source(%dma_start3A_783 : memref<4x128xi32, #tpu.memory_space<hbm>>) target(%dma_start3A_779 : memref<4x128xi32, #tpu.memory_space<vmem>>) target_semaphore(%dma_start3A_775 : memref<!tpu.dma_semaphore, #tpu.memory_space<semaphore_mem>>)
      } else {
      }
      %parallel_loop3A_721 = arith.constant 0 : i32
      %parallel_loop3A_722 = arith.constant 128 : i32
      %parallel_loop3A_723 = arith.constant 1 : i32
      scf.for %parallel_loop3A_745 = %parallel_loop3A_721 to %parallel_loop3A_722 step %parallel_loop3A_723  : i32 {
        %parallel_loop3A_746 = arith.constant 1 : i32
        %parallel_loop3A_747 = arith.index_cast %parallel_loop3A_746 : i32 to index
        %parallel_loop3A_748 = arith.index_cast %parallel_loop3A_745 : i32 to index
        %parallel_loop3A_749 = arith.constant 0 : index
        %parallel_loop3A_750 = tpu.vector_load %arg13[%parallel_loop3A_747, %parallel_loop3A_748, %parallel_loop3A_749] {strides = array<i32>} : memref<2x128x128xf32, #tpu.memory_space<vmem>>, vector<1x1x16xf32>,
        %parallel_loop3A_751 = vector.shape_cast %parallel_loop3A_750 : vector<1x1x16xf32> to vector<16xf32>
        %parallel_loop3A_752 = arith.constant 1 : i32
        %parallel_loop3A_753 = arith.index_cast %parallel_loop3A_752 : i32 to index
        %parallel_loop3A_754 = arith.index_cast %parallel_loop3A_745 : i32 to index
        %parallel_loop3A_755 = arith.constant 16 : index
        %parallel_loop3A_756 = tpu.vector_load %arg13[%parallel_loop3A_753, %parallel_loop3A_754, %parallel_loop3A_755] {strides = array<i32>} : memref<2x128x128xf32, #tpu.memory_space<vmem>>, vector<1x1x16xf32>,
        %parallel_loop3A_757 = vector.shape_cast %parallel_loop3A_756 : vector<1x1x16xf32> to vector<16xf32>
        %parallel_loop3A_758 = arith.constant 1 : i32
        %parallel_loop3A_759 = arith.index_cast %parallel_loop3A_758 : i32 to index
        %parallel_loop3A_760 = arith.index_cast %parallel_loop3A_745 : i32 to index
        %parallel_loop3A_761 = arith.constant 32 : index
        %parallel_loop3A_762 = tpu.vector_load %arg13[%parallel_loop3A_759, %parallel_loop3A_760, %parallel_loop3A_761] {strides = array<i32>} : memref<2x128x128xf32, #tpu.memory_space<vmem>>, vector<1x1x16xf32>,
        %parallel_loop3A_763 = vector.shape_cast %parallel_loop3A_762 : vector<1x1x16xf32> to vector<16xf32>
        %parallel_loop3A_764 = arith.constant 1 : i32
        %parallel_loop3A_765 = arith.index_cast %parallel_loop3A_764 : i32 to index
        %parallel_loop3A_766 = arith.index_cast %parallel_loop3A_745 : i32 to index
        %parallel_loop3A_767 = arith.constant 48 : index
        %parallel_loop3A_768 = tpu.vector_load %arg13[%parallel_loop3A_765, %parallel_loop3A_766, %parallel_loop3A_767] {strides = array<i32>} : memref<2x128x128xf32, #tpu.memory_space<vmem>>, vector<1x1x16xf32>,
        %parallel_loop3A_769 = vector.shape_cast %parallel_loop3A_768 : vector<1x1x16xf32> to vector<16xf32>
        %parallel_loop3A_770 = arith.constant 1 : i32
        %parallel_loop3A_771 = arith.index_cast %parallel_loop3A_770 : i32 to index
        %parallel_loop3A_772 = arith.index_cast %parallel_loop3A_745 : i32 to index
        %parallel_loop3A_773 = arith.constant 64 : index
        %parallel_loop3A_774 = tpu.vector_load %arg13[%parallel_loop3A_771, %parallel_loop3A_772, %parallel_loop3A_773] {strides = array<i32>} : memref<2x128x128xf32, #tpu.memory_space<vmem>>, vector<1x1x16xf32>,
        %parallel_loop3A_775 = vector.shape_cast %parallel_loop3A_774 : vector<1x1x16xf32> to vector<16xf32>
        %parallel_loop3A_776 = arith.constant 1 : i32
        %parallel_loop3A_777 = arith.index_cast %parallel_loop3A_776 : i32 to index
        %parallel_loop3A_778 = arith.index_cast %parallel_loop3A_745 : i32 to index
        %parallel_loop3A_779 = arith.constant 80 : index
        %parallel_loop3A_780 = tpu.vector_load %arg13[%parallel_loop3A_777, %parallel_loop3A_778, %parallel_loop3A_779] {strides = array<i32>} : memref<2x128x128xf32, #tpu.memory_space<vmem>>, vector<1x1x16xf32>,
        %parallel_loop3A_781 = vector.shape_cast %parallel_loop3A_780 : vector<1x1x16xf32> to vector<16xf32>
        %parallel_loop3A_782 = arith.constant 1 : i32
        %parallel_loop3A_783 = arith.index_cast %parallel_loop3A_782 : i32 to index
        %parallel_loop3A_784 = arith.index_cast %parallel_loop3A_745 : i32 to index
        %parallel_loop3A_785 = arith.constant 96 : index
        %parallel_loop3A_786 = tpu.vector_load %arg13[%parallel_loop3A_783, %parallel_loop3A_784, %parallel_loop3A_785] {strides = array<i32>} : memref<2x128x128xf32, #tpu.memory_space<vmem>>, vector<1x1x16xf32>,
        %parallel_loop3A_787 = vector.shape_cast %parallel_loop3A_786 : vector<1x1x16xf32> to vector<16xf32>
        %parallel_loop3A_788 = arith.constant 1 : i32
        %parallel_loop3A_789 = arith.index_cast %parallel_loop3A_788 : i32 to index
        %parallel_loop3A_790 = arith.index_cast %parallel_loop3A_745 : i32 to index
        %parallel_loop3A_791 = arith.constant 112 : index
        %parallel_loop3A_792 = tpu.vector_load %arg13[%parallel_loop3A_789, %parallel_loop3A_790, %parallel_loop3A_791] {strides = array<i32>} : memref<2x128x128xf32, #tpu.memory_space<vmem>>, vector<1x1x16xf32>,
        %parallel_loop3A_793 = vector.shape_cast %parallel_loop3A_792 : vector<1x1x16xf32> to vector<16xf32>
        %parallel_loop3A_794 = arith.constant 1 : i32
        %parallel_loop3A_795 = arith.index_cast %parallel_loop3A_794 : i32 to index
        %parallel_loop3A_796 = arith.index_cast %parallel_loop3A_745 : i32 to index
        %parallel_loop3A_797 = arith.constant 0 : index
        %parallel_loop3A_798 = tpu.vector_load %arg14[%parallel_loop3A_795, %parallel_loop3A_796, %parallel_loop3A_797] {strides = array<i32>} : memref<2x128x128xf32, #tpu.memory_space<vmem>>, vector<1x1x16xf32>,
        %parallel_loop3A_799 = vector.shape_cast %parallel_loop3A_798 : vector<1x1x16xf32> to vector<16xf32>
        %parallel_loop3A_800 = arith.constant 1 : i32
        %parallel_loop3A_801 = arith.index_cast %parallel_loop3A_800 : i32 to index
        %parallel_loop3A_802 = arith.index_cast %parallel_loop3A_745 : i32 to index
        %parallel_loop3A_803 = arith.constant 16 : index
        %parallel_loop3A_804 = tpu.vector_load %arg14[%parallel_loop3A_801, %parallel_loop3A_802, %parallel_loop3A_803] {strides = array<i32>} : memref<2x128x128xf32, #tpu.memory_space<vmem>>, vector<1x1x16xf32>,
        %parallel_loop3A_805 = vector.shape_cast %parallel_loop3A_804 : vector<1x1x16xf32> to vector<16xf32>
        %parallel_loop3A_806 = arith.constant 1 : i32
        %parallel_loop3A_807 = arith.index_cast %parallel_loop3A_806 : i32 to index
        %parallel_loop3A_808 = arith.index_cast %parallel_loop3A_745 : i32 to index
        %parallel_loop3A_809 = arith.constant 32 : index
        %parallel_loop3A_810 = tpu.vector_load %arg14[%parallel_loop3A_807, %parallel_loop3A_808, %parallel_loop3A_809] {strides = array<i32>} : memref<2x128x128xf32, #tpu.memory_space<vmem>>, vector<1x1x16xf32>,
        %parallel_loop3A_811 = vector.shape_cast %parallel_loop3A_810 : vector<1x1x16xf32> to vector<16xf32>
        %parallel_loop3A_812 = arith.constant 1 : i32
        %parallel_loop3A_813 = arith.index_cast %parallel_loop3A_812 : i32 to index
        %parallel_loop3A_814 = arith.index_cast %parallel_loop3A_745 : i32 to index
        %parallel_loop3A_815 = arith.constant 48 : index
        %parallel_loop3A_816 = tpu.vector_load %arg14[%parallel_loop3A_813, %parallel_loop3A_814, %parallel_loop3A_815] {strides = array<i32>} : memref<2x128x128xf32, #tpu.memory_space<vmem>>, vector<1x1x16xf32>,
        %parallel_loop3A_817 = vector.shape_cast %parallel_loop3A_816 : vector<1x1x16xf32> to vector<16xf32>
        %parallel_loop3A_818 = arith.constant 1 : i32
        %parallel_loop3A_819 = arith.index_cast %parallel_loop3A_818 : i32 to index
        %parallel_loop3A_820 = arith.index_cast %parallel_loop3A_745 : i32 to index
        %parallel_loop3A_821 = arith.constant 64 : index
        %parallel_loop3A_822 = tpu.vector_load %arg14[%parallel_loop3A_819, %parallel_loop3A_820, %parallel_loop3A_821] {strides = array<i32>} : memref<2x128x128xf32, #tpu.memory_space<vmem>>, vector<1x1x16xf32>,
        %parallel_loop3A_823 = vector.shape_cast %parallel_loop3A_822 : vector<1x1x16xf32> to vector<16xf32>
        %parallel_loop3A_824 = arith.constant 1 : i32
        %parallel_loop3A_825 = arith.index_cast %parallel_loop3A_824 : i32 to index
        %parallel_loop3A_826 = arith.index_cast %parallel_loop3A_745 : i32 to index
        %parallel_loop3A_827 = arith.constant 80 : index
        %parallel_loop3A_828 = tpu.vector_load %arg14[%parallel_loop3A_825, %parallel_loop3A_826, %parallel_loop3A_827] {strides = array<i32>} : memref<2x128x128xf32, #tpu.memory_space<vmem>>, vector<1x1x16xf32>,
        %parallel_loop3A_829 = vector.shape_cast %parallel_loop3A_828 : vector<1x1x16xf32> to vector<16xf32>
        %parallel_loop3A_830 = arith.constant 1 : i32
        %parallel_loop3A_831 = arith.index_cast %parallel_loop3A_830 : i32 to index
        %parallel_loop3A_832 = arith.index_cast %parallel_loop3A_745 : i32 to index
        %parallel_loop3A_833 = arith.constant 96 : index
        %parallel_loop3A_834 = tpu.vector_load %arg14[%parallel_loop3A_831, %parallel_loop3A_832, %parallel_loop3A_833] {strides = array<i32>} : memref<2x128x128xf32, #tpu.memory_space<vmem>>, vector<1x1x16xf32>,
        %parallel_loop3A_835 = vector.shape_cast %parallel_loop3A_834 : vector<1x1x16xf32> to vector<16xf32>
        %parallel_loop3A_836 = arith.constant 1 : i32
        %parallel_loop3A_837 = arith.index_cast %parallel_loop3A_836 : i32 to index
        %parallel_loop3A_838 = arith.index_cast %parallel_loop3A_745 : i32 to index
        %parallel_loop3A_839 = arith.constant 112 : index
        %parallel_loop3A_840 = tpu.vector_load %arg14[%parallel_loop3A_837, %parallel_loop3A_838, %parallel_loop3A_839] {strides = array<i32>} : memref<2x128x128xf32, #tpu.memory_space<vmem>>, vector<1x1x16xf32>,
        %parallel_loop3A_841 = vector.shape_cast %parallel_loop3A_840 : vector<1x1x16xf32> to vector<16xf32>
        %parallel_loop3A_842 = arith.addf %parallel_loop3A_751, %parallel_loop3A_799 : vector<16xf32>
        %parallel_loop3A_843 = arith.constant 1 : i32
        %parallel_loop3A_844 = arith.index_cast %parallel_loop3A_843 : i32 to index
        %parallel_loop3A_845 = arith.index_cast %parallel_loop3A_745 : i32 to index
        %parallel_loop3A_846 = arith.constant 0 : index
        %parallel_loop3A_847 = tpu.vector_load %arg12[%parallel_loop3A_844, %parallel_loop3A_845, %parallel_loop3A_846] {strides = array<i32>} : memref<2x128x128xf32, #tpu.memory_space<vmem>>, vector<1x1x16xf32>,
        %parallel_loop3A_848 = vector.shape_cast %parallel_loop3A_847 : vector<1x1x16xf32> to vector<16xf32>
        %parallel_loop3A_849 = vector.shape_cast %parallel_loop3A_842 : vector<16xf32> to vector<1x1x16xf32>
        tpu.vector_store %arg12[%parallel_loop3A_844, %parallel_loop3A_845, %parallel_loop3A_846], %parallel_loop3A_849 {add = true, strides = array<i32>} : memref<2x128x128xf32, #tpu.memory_space<vmem>>, vector<1x1x16xf32>,
        %parallel_loop3A_850 = arith.addf %parallel_loop3A_757, %parallel_loop3A_805 : vector<16xf32>
        %parallel_loop3A_851 = arith.constant 1 : i32
        %parallel_loop3A_852 = arith.index_cast %parallel_loop3A_851 : i32 to index
        %parallel_loop3A_853 = arith.index_cast %parallel_loop3A_745 : i32 to index
        %parallel_loop3A_854 = arith.constant 16 : index
        %parallel_loop3A_855 = tpu.vector_load %arg12[%parallel_loop3A_852, %parallel_loop3A_853, %parallel_loop3A_854] {strides = array<i32>} : memref<2x128x128xf32, #tpu.memory_space<vmem>>, vector<1x1x16xf32>,
        %parallel_loop3A_856 = vector.shape_cast %parallel_loop3A_855 : vector<1x1x16xf32> to vector<16xf32>
        %parallel_loop3A_857 = vector.shape_cast %parallel_loop3A_850 : vector<16xf32> to vector<1x1x16xf32>
        tpu.vector_store %arg12[%parallel_loop3A_852, %parallel_loop3A_853, %parallel_loop3A_854], %parallel_loop3A_857 {add = true, strides = array<i32>} : memref<2x128x128xf32, #tpu.memory_space<vmem>>, vector<1x1x16xf32>,
        %parallel_loop3A_858 = arith.addf %parallel_loop3A_763, %parallel_loop3A_811 : vector<16xf32>
        %parallel_loop3A_859 = arith.constant 1 : i32
        %parallel_loop3A_860 = arith.index_cast %parallel_loop3A_859 : i32 to index
        %parallel_loop3A_861 = arith.index_cast %parallel_loop3A_745 : i32 to index
        %parallel_loop3A_862 = arith.constant 32 : index
        %parallel_loop3A_863 = tpu.vector_load %arg12[%parallel_loop3A_860, %parallel_loop3A_861, %parallel_loop3A_862] {strides = array<i32>} : memref<2x128x128xf32, #tpu.memory_space<vmem>>, vector<1x1x16xf32>,
        %parallel_loop3A_864 = vector.shape_cast %parallel_loop3A_863 : vector<1x1x16xf32> to vector<16xf32>
        %parallel_loop3A_865 = vector.shape_cast %parallel_loop3A_858 : vector<16xf32> to vector<1x1x16xf32>
        tpu.vector_store %arg12[%parallel_loop3A_860, %parallel_loop3A_861, %parallel_loop3A_862], %parallel_loop3A_865 {add = true, strides = array<i32>} : memref<2x128x128xf32, #tpu.memory_space<vmem>>, vector<1x1x16xf32>,
        %parallel_loop3A_866 = arith.addf %parallel_loop3A_769, %parallel_loop3A_817 : vector<16xf32>
        %parallel_loop3A_867 = arith.constant 1 : i32
        %parallel_loop3A_868 = arith.index_cast %parallel_loop3A_867 : i32 to index
        %parallel_loop3A_869 = arith.index_cast %parallel_loop3A_745 : i32 to index
        %parallel_loop3A_870 = arith.constant 48 : index
        %parallel_loop3A_871 = tpu.vector_load %arg12[%parallel_loop3A_868, %parallel_loop3A_869, %parallel_loop3A_870] {strides = array<i32>} : memref<2x128x128xf32, #tpu.memory_space<vmem>>, vector<1x1x16xf32>,
        %parallel_loop3A_872 = vector.shape_cast %parallel_loop3A_871 : vector<1x1x16xf32> to vector<16xf32>
        %parallel_loop3A_873 = vector.shape_cast %parallel_loop3A_866 : vector<16xf32> to vector<1x1x16xf32>
        tpu.vector_store %arg12[%parallel_loop3A_868, %parallel_loop3A_869, %parallel_loop3A_870], %parallel_loop3A_873 {add = true, strides = array<i32>} : memref<2x128x128xf32, #tpu.memory_space<vmem>>, vector<1x1x16xf32>,
        %parallel_loop3A_874 = arith.addf %parallel_loop3A_775, %parallel_loop3A_823 : vector<16xf32>
        %parallel_loop3A_875 = arith.constant 1 : i32
        %parallel_loop3A_876 = arith.index_cast %parallel_loop3A_875 : i32 to index
        %parallel_loop3A_877 = arith.index_cast %parallel_loop3A_745 : i32 to index
        %parallel_loop3A_878 = arith.constant 64 : index
        %parallel_loop3A_879 = tpu.vector_load %arg12[%parallel_loop3A_876, %parallel_loop3A_877, %parallel_loop3A_878] {strides = array<i32>} : memref<2x128x128xf32, #tpu.memory_space<vmem>>, vector<1x1x16xf32>,
        %parallel_loop3A_880 = vector.shape_cast %parallel_loop3A_879 : vector<1x1x16xf32> to vector<16xf32>
        %parallel_loop3A_881 = vector.shape_cast %parallel_loop3A_874 : vector<16xf32> to vector<1x1x16xf32>
        tpu.vector_store %arg12[%parallel_loop3A_876, %parallel_loop3A_877, %parallel_loop3A_878], %parallel_loop3A_881 {add = true, strides = array<i32>} : memref<2x128x128xf32, #tpu.memory_space<vmem>>, vector<1x1x16xf32>,
        %parallel_loop3A_882 = arith.addf %parallel_loop3A_781, %parallel_loop3A_829 : vector<16xf32>
        %parallel_loop3A_883 = arith.constant 1 : i32
        %parallel_loop3A_884 = arith.index_cast %parallel_loop3A_883 : i32 to index
        %parallel_loop3A_885 = arith.index_cast %parallel_loop3A_745 : i32 to index
        %parallel_loop3A_886 = arith.constant 80 : index
        %parallel_loop3A_887 = tpu.vector_load %arg12[%parallel_loop3A_884, %parallel_loop3A_885, %parallel_loop3A_886] {strides = array<i32>} : memref<2x128x128xf32, #tpu.memory_space<vmem>>, vector<1x1x16xf32>,
        %parallel_loop3A_888 = vector.shape_cast %parallel_loop3A_887 : vector<1x1x16xf32> to vector<16xf32>
        %parallel_loop3A_889 = vector.shape_cast %parallel_loop3A_882 : vector<16xf32> to vector<1x1x16xf32>
        tpu.vector_store %arg12[%parallel_loop3A_884, %parallel_loop3A_885, %parallel_loop3A_886], %parallel_loop3A_889 {add = true, strides = array<i32>} : memref<2x128x128xf32, #tpu.memory_space<vmem>>, vector<1x1x16xf32>,
        %parallel_loop3A_890 = arith.addf %parallel_loop3A_787, %parallel_loop3A_835 : vector<16xf32>
        %parallel_loop3A_891 = arith.constant 1 : i32
        %parallel_loop3A_892 = arith.index_cast %parallel_loop3A_891 : i32 to index
        %parallel_loop3A_893 = arith.index_cast %parallel_loop3A_745 : i32 to index
        %parallel_loop3A_894 = arith.constant 96 : index
        %parallel_loop3A_895 = tpu.vector_load %arg12[%parallel_loop3A_892, %parallel_loop3A_893, %parallel_loop3A_894] {strides = array<i32>} : memref<2x128x128xf32, #tpu.memory_space<vmem>>, vector<1x1x16xf32>,
        %parallel_loop3A_896 = vector.shape_cast %parallel_loop3A_895 : vector<1x1x16xf32> to vector<16xf32>
        %parallel_loop3A_897 = vector.shape_cast %parallel_loop3A_890 : vector<16xf32> to vector<1x1x16xf32>
        tpu.vector_store %arg12[%parallel_loop3A_892, %parallel_loop3A_893, %parallel_loop3A_894], %parallel_loop3A_897 {add = true, strides = array<i32>} : memref<2x128x128xf32, #tpu.memory_space<vmem>>, vector<1x1x16xf32>,
        %parallel_loop3A_898 = arith.addf %parallel_loop3A_793, %parallel_loop3A_841 : vector<16xf32>
        %parallel_loop3A_899 = arith.constant 1 : i32
        %parallel_loop3A_900 = arith.index_cast %parallel_loop3A_899 : i32 to index
        %parallel_loop3A_901 = arith.index_cast %parallel_loop3A_745 : i32 to index
        %parallel_loop3A_902 = arith.constant 112 : index
        %parallel_loop3A_903 = tpu.vector_load %arg12[%parallel_loop3A_900, %parallel_loop3A_901, %parallel_loop3A_902] {strides = array<i32>} : memref<2x128x128xf32, #tpu.memory_space<vmem>>, vector<1x1x16xf32>,
        %parallel_loop3A_904 = vector.shape_cast %parallel_loop3A_903 : vector<1x1x16xf32> to vector<16xf32>
        %parallel_loop3A_905 = vector.shape_cast %parallel_loop3A_898 : vector<16xf32> to vector<1x1x16xf32>
        tpu.vector_store %arg12[%parallel_loop3A_900, %parallel_loop3A_901, %parallel_loop3A_902], %parallel_loop3A_905 {add = true, strides = array<i32>} : memref<2x128x128xf32, #tpu.memory_space<vmem>>, vector<1x1x16xf32>,
      } {sc.loop_unroll_factor = 2 : i64, sc.parallel_access}
      %mul3A_724 = arith.constant 50 : i32
      %mul3A_725 = arith.muli %add3A, %mul3A_724 : i32
      %add3A_726 = arith.addi %mul3A_725, %add3A_661 : i32
      %mul3A_727 = arith.constant 128 : i32
      %mul3A_728 = arith.muli %add3A_726, %mul3A_727 : i32
      %dma_start3A_729 = arith.constant 1 : i32
      %dma_start3A_730 = arith.constant 1 : i32
      %dma_start3A_731 = arith.constant 0 : i32
      %dma_start3A_732 = arith.constant 0 : i32
      %dma_start3A_733 = tpu.memref_slice %arg12[%dma_start3A_729, %dma_start3A_731, %dma_start3A_732] : memref<2x128x128xf32, #tpu.memory_space<vmem>> -> memref<1x128x128xf32, #tpu.memory_space<vmem>>
      %dma_start3A_734 = tpu.memref_squeeze %dma_start3A_733 : memref<1x128x128xf32, #tpu.memory_space<vmem>> -> memref<128x128xf32, #tpu.memory_space<vmem>>
      %dma_start3A_735 = arith.constant 0 : i32
      %dma_start3A_736 = tpu.memref_slice %arg7[%mul3A_728, %dma_start3A_735] : memref<204800x128xf32, #tpu.memory_space<hbm>> -> memref<128x128xf32, #tpu.memory_space<hbm>>
      %dma_start3A_737 = tpu.memref_slice %arg17[%dma_start3A_730] : memref<2x!tpu.dma_semaphore, #tpu.memory_space<semaphore_mem>> -> memref<1x!tpu.dma_semaphore, #tpu.memory_space<semaphore_mem>>
      %dma_start3A_738 = tpu.memref_squeeze %dma_start3A_737 : memref<1x!tpu.dma_semaphore, #tpu.memory_space<semaphore_mem>> -> memref<!tpu.dma_semaphore, #tpu.memory_space<semaphore_mem>>
      %dma_start3A_739 = arith.constant 0 : i32
      %dma_start3A_740 = tpu.memref_slice %arg7[%mul3A_728, %dma_start3A_739] : memref<204800x128xf32, #tpu.memory_space<hbm>> -> memref<128x128xf32, #tpu.memory_space<hbm>>
      %dma_start3A_741 = arith.constant 0 : i32
      %dma_start3A_742 = arith.constant 0 : i32
      %dma_start3A_743 = tpu.memref_slice %arg12[%dma_start3A_729, %dma_start3A_741, %dma_start3A_742] : memref<2x128x128xf32, #tpu.memory_space<vmem>> -> memref<1x128x128xf32, #tpu.memory_space<vmem>>
      %dma_start3A_744 = tpu.memref_squeeze %dma_start3A_743 : memref<1x128x128xf32, #tpu.memory_space<vmem>> -> memref<128x128xf32, #tpu.memory_space<vmem>>
      tpu.enqueue_dma source(%dma_start3A_744 : memref<128x128xf32, #tpu.memory_space<vmem>>) target(%dma_start3A_740 : memref<128x128xf32, #tpu.memory_space<hbm>>) target_semaphore(%dma_start3A_738 : memref<!tpu.dma_semaphore, #tpu.memory_space<semaphore_mem>>)
    }
    %scan3A_541 = arith.constant 25 : i32
    %dma_wait3A_542 = arith.constant 0 : i32
    %dma_wait3A_543 = arith.constant 0 : i32
    %dma_wait3A_544 = arith.constant 0 : i32
    %dma_wait3A_545 = arith.constant 0 : i32
    %dma_wait3A_546 = tpu.memref_slice %arg12[%dma_wait3A_542, %dma_wait3A_544, %dma_wait3A_545] : memref<2x128x128xf32, #tpu.memory_space<vmem>> -> memref<1x128x128xf32, #tpu.memory_space<vmem>>
    %dma_wait3A_547 = tpu.memref_squeeze %dma_wait3A_546 : memref<1x128x128xf32, #tpu.memory_space<vmem>> -> memref<128x128xf32, #tpu.memory_space<vmem>>
    %dma_wait3A_548 = arith.constant 0 : i32
    %dma_wait3A_549 = arith.constant 0 : i32
    %dma_wait3A_550 = tpu.memref_slice %arg7[%dma_wait3A_548, %dma_wait3A_549] : memref<204800x128xf32, #tpu.memory_space<hbm>> -> memref<128x128xf32, #tpu.memory_space<hbm>>
    %dma_wait3A_551 = tpu.memref_slice %arg17[%dma_wait3A_543] : memref<2x!tpu.dma_semaphore, #tpu.memory_space<semaphore_mem>> -> memref<1x!tpu.dma_semaphore, #tpu.memory_space<semaphore_mem>>
    %dma_wait3A_552 = tpu.memref_squeeze %dma_wait3A_551 : memref<1x!tpu.dma_semaphore, #tpu.memory_space<semaphore_mem>> -> memref<!tpu.dma_semaphore, #tpu.memory_space<semaphore_mem>>
    %dma_wait3A_553 = arith.constant 0 : i32
    %dma_wait3A_554 = arith.constant 0 : i32
    %dma_wait3A_555 = tpu.memref_slice %arg7[%dma_wait3A_553, %dma_wait3A_554] : memref<204800x128xf32, #tpu.memory_space<hbm>> -> memref<128x128xf32, #tpu.memory_space<hbm>>
    %dma_wait3A_556 = arith.constant 0 : i32
    %dma_wait3A_557 = arith.constant 0 : i32
    %dma_wait3A_558 = tpu.memref_slice %arg12[%dma_wait3A_542, %dma_wait3A_556, %dma_wait3A_557] : memref<2x128x128xf32, #tpu.memory_space<vmem>> -> memref<1x128x128xf32, #tpu.memory_space<vmem>>
    %dma_wait3A_559 = tpu.memref_squeeze %dma_wait3A_558 : memref<1x128x128xf32, #tpu.memory_space<vmem>> -> memref<128x128xf32, #tpu.memory_space<vmem>>
    tpu.wait_dma2 semaphore(%dma_wait3A_552 : memref<!tpu.dma_semaphore, #tpu.memory_space<semaphore_mem>>) src(%dma_wait3A_559 : memref<128x128xf32, #tpu.memory_space<vmem>>) dst(%dma_wait3A_555 : memref<128x128xf32, #tpu.memory_space<hbm>>)
    %dma_wait3A_560 = arith.constant 1 : i32
    %dma_wait3A_561 = arith.constant 1 : i32
    %dma_wait3A_562 = arith.constant 0 : i32
    %dma_wait3A_563 = arith.constant 0 : i32
    %dma_wait3A_564 = tpu.memref_slice %arg12[%dma_wait3A_560, %dma_wait3A_562, %dma_wait3A_563] : memref<2x128x128xf32, #tpu.memory_space<vmem>> -> memref<1x128x128xf32, #tpu.memory_space<vmem>>
    %dma_wait3A_565 = tpu.memref_squeeze %dma_wait3A_564 : memref<1x128x128xf32, #tpu.memory_space<vmem>> -> memref<128x128xf32, #tpu.memory_space<vmem>>
    %dma_wait3A_566 = arith.constant 0 : i32
    %dma_wait3A_567 = arith.constant 0 : i32
    %dma_wait3A_568 = tpu.memref_slice %arg7[%dma_wait3A_566, %dma_wait3A_567] : memref<204800x128xf32, #tpu.memory_space<hbm>> -> memref<128x128xf32, #tpu.memory_space<hbm>>
    %dma_wait3A_569 = tpu.memref_slice %arg17[%dma_wait3A_561] : memref<2x!tpu.dma_semaphore, #tpu.memory_space<semaphore_mem>> -> memref<1x!tpu.dma_semaphore, #tpu.memory_space<semaphore_mem>>
    %dma_wait3A_570 = tpu.memref_squeeze %dma_wait3A_569 : memref<1x!tpu.dma_semaphore, #tpu.memory_space<semaphore_mem>> -> memref<!tpu.dma_semaphore, #tpu.memory_space<semaphore_mem>>
    %dma_wait3A_571 = arith.constant 0 : i32
    %dma_wait3A_572 = arith.constant 0 : i32
    %dma_wait3A_573 = tpu.memref_slice %arg7[%dma_wait3A_571, %dma_wait3A_572] : memref<204800x128xf32, #tpu.memory_space<hbm>> -> memref<128x128xf32, #tpu.memory_space<hbm>>
    %dma_wait3A_574 = arith.constant 0 : i32
    %dma_wait3A_575 = arith.constant 0 : i32
    %dma_wait3A_576 = tpu.memref_slice %arg12[%dma_wait3A_560, %dma_wait3A_574, %dma_wait3A_575] : memref<2x128x128xf32, #tpu.memory_space<vmem>> -> memref<1x128x128xf32, #tpu.memory_space<vmem>>
    %dma_wait3A_577 = tpu.memref_squeeze %dma_wait3A_576 : memref<1x128x128xf32, #tpu.memory_space<vmem>> -> memref<128x128xf32, #tpu.memory_space<vmem>>
    tpu.wait_dma2 semaphore(%dma_wait3A_570 : memref<!tpu.dma_semaphore, #tpu.memory_space<semaphore_mem>>) src(%dma_wait3A_577 : memref<128x128xf32, #tpu.memory_space<vmem>>) dst(%dma_wait3A_573 : memref<128x128xf32, #tpu.memory_space<hbm>>)
    return
  }
}

module attributes {stable_mosaic.version = 14 : i64} {
  func.func @_build_tables_body(%arg0: memref<33x128xf32, #tpu.memory_space<vmem>>, %arg1: memref<64x128xf32, #tpu.memory_space<vmem>>, %arg2: memref<64x128xf32, #tpu.memory_space<vmem>>, %arg3: memref<64x128xf32, #tpu.memory_space<vmem>>, %arg4: memref<2112x128xf32, #tpu.memory_space<vmem>>, %arg5: memref<4096x128xf32, #tpu.memory_space<vmem>>) attributes {dimension_semantics = [], scalar_prefetch = 0 : i64, scratch_operands = 0 : i64, tpu.core_type = #tpu.core_type<tc>} {
    %get3A = arith.constant 0 : index
    %get3A_0 = arith.constant 0 : index
    %get3A_1 = vector.load %arg0[%get3A, %get3A_0] : memref<33x128xf32, #tpu.memory_space<vmem>>, vector<33x128xf32>
    %broadcast_in_dim3A = vector.shape_cast %get3A_1 : vector<33x128xf32> to vector<33x1x128xf32>
    %get3A_2 = arith.constant 0 : index
    %get3A_3 = arith.constant 0 : index
    %get3A_4 = vector.load %arg3[%get3A_2, %get3A_3] : memref<64x128xf32, #tpu.memory_space<vmem>>, vector<64x128xf32>
    %broadcast_in_dim3A_5 = vector.shape_cast %get3A_4 : vector<64x128xf32> to vector<1x64x128xf32>
    %add3A = vector.broadcast %broadcast_in_dim3A : vector<33x1x128xf32> to vector<33x64x128xf32>
    %add3A_6 = vector.broadcast %broadcast_in_dim3A_5 : vector<1x64x128xf32> to vector<33x64x128xf32>
    %add3A_7 = arith.addf %add3A, %add3A_6 : vector<33x64x128xf32>
    %reshape3A = vector.shape_cast %add3A_7 : vector<33x64x128xf32> to vector<2112x128xf32>
    %swap3A = arith.constant 0 : index
    %swap3A_8 = arith.constant 0 : index
    %swap3A_9 = vector.load %arg4[%swap3A, %swap3A_8] : memref<2112x128xf32, #tpu.memory_space<vmem>>, vector<2112x128xf32>
    tpu.vector_store %arg4[%swap3A, %swap3A_8], %reshape3A {strides = array<i32>} : memref<2112x128xf32, #tpu.memory_space<vmem>>, vector<2112x128xf32>,
    %get3A_10 = arith.constant 0 : index
    %get3A_11 = arith.constant 0 : index
    %get3A_12 = vector.load %arg1[%get3A_10, %get3A_11] : memref<64x128xf32, #tpu.memory_space<vmem>>, vector<64x128xf32>
    %broadcast_in_dim3A_13 = vector.shape_cast %get3A_12 : vector<64x128xf32> to vector<64x1x128xf32>
    %get3A_14 = arith.constant 0 : index
    %get3A_15 = arith.constant 0 : index
    %get3A_16 = vector.load %arg2[%get3A_14, %get3A_15] : memref<64x128xf32, #tpu.memory_space<vmem>>, vector<64x128xf32>
    %broadcast_in_dim3A_17 = vector.shape_cast %get3A_16 : vector<64x128xf32> to vector<1x64x128xf32>
    %add3A_18 = vector.broadcast %broadcast_in_dim3A_13 : vector<64x1x128xf32> to vector<64x64x128xf32>
    %add3A_19 = vector.broadcast %broadcast_in_dim3A_17 : vector<1x64x128xf32> to vector<64x64x128xf32>
    %add3A_20 = arith.addf %add3A_18, %add3A_19 : vector<64x64x128xf32>
    %reshape3A_21 = vector.shape_cast %add3A_20 : vector<64x64x128xf32> to vector<4096x128xf32>
    %swap3A_22 = arith.constant 0 : index
    %swap3A_23 = arith.constant 0 : index
    %swap3A_24 = vector.load %arg5[%swap3A_22, %swap3A_23] : memref<4096x128xf32, #tpu.memory_space<vmem>>, vector<4096x128xf32>
    tpu.vector_store %arg5[%swap3A_22, %swap3A_23], %reshape3A_21 {strides = array<i32>} : memref<4096x128xf32, #tpu.memory_space<vmem>>, vector<4096x128xf32>,
    return
  }
}

</mosaic_0001>

<sc_bundles>
// kernel: kernel.4.cloned.1.call-start
scs
__scs_entry_jumppad:
0x0: {  	(pc) =	sbr.rel $0x88, $3  }
0x1: {  	(tag) =	ssettag $0x0;
	lr =	simm.s32 $0x1  }
0x2: {  	[smem:$0x3F9B] =	sst lr;
	_ =	strace $0xD0000000  }
0x3: {  	_ = 	snop  }
0x4: {  	_ = 	snop  }
0x5: {  	_ = 	snop  }
0x6: {  	_ = 	snop  }
0x7: {  	_ = 	snop  }
__scs_overlays_trampoline_lowered:
0x8: {  	[smem:$0x3FAA] =	sst s0  }
0x9: {  	[smem:$0x3FAB] =	sst s1  }
0xa: {  	[smem:$0x3FAC] =	sst s2  }
0xb: {  	[smem:$0x3FAD] =	sst s3  }
0xc: {  	[smem:$0x3FAE] =	sst s4  }
0xd: {  	[smem:$0x3FAF] =	sst s5  }
0xe: {  	[smem:$0x3FB0] =	sst s6  }
0xf: {  	[smem:$0x3FB1] =	sst s7  }
0x10: {  	[smem:$0x3FB2] =	sst s8  }
0x11: {  	[smem:$0x3FB3] =	sst s9;
	s0 =	simm.s32 @!p0 $0x0  }
0x12: {  	s1 =	sld [smem:$0x3F99];
	s0 =	simm.s32 @p0 $0x1  }
0x13: {  	[smem:$0x3FB4] =	sst s0;
	s0 =	simm.s32 @!p1 $0x0  }
0x14: {  	s2 =	sld [smem:$0x3F98];
	s0 =	simm.s32 @p1 $0x1  }
0x15: {  	[smem:$0x3FB5] =	sst s0;
	s0 =	simm.s32 @!p2 $0x0  }
0x16: {  	s3 =	sld [smem:$0x3FDB];
	s0 =	simm.s32 @p2 $0x1  }
0x17: {  	s4 =	simm.s32 $0x1BF5;
	[smem:$0x3FB7] =	sst s0  }
0x18: {  	s0 =	sld [smem:$0x3F9A];
	_ =	swait.ge [sflag:s4], $0x0  }
0x19: {  	s7 =	sld [smem:$0x3F9B]  }
0x1a: {  	s8 =	sadd.s32 $0xFFFFE003, lr  }
0x1b: {  	s9 =	sadd.s32 $0xFFFFFEF7, lr;
	s5 =	simm.s32 $0xFFFFFFFF;
	p2 =	slt.u32 s8, $0xFFFFF086  }
0x1c: {  	p1 =	slt.u32 s9, $0xF7A;
	s5 =	simm.s32 @!p2 $0x0  }
0x1d: {  	s5 =	simm.s32 @p1 $0x1;
	p0 =	seq.s32 s7, s2  }
0x1e: {  	s7 =	smul.u32 @!p0 $0xF7A, s2;
	p2 =	seq.s32 @!p0 s5, $0x0  }
0x1f: {  	s9 =	smul.u32 $0xF7A, s1;
	s8 =	simm.s32 @!p0 $0x1BF5;
	p2 =	por !p2, p0  }
0x20: {  	[sflag:s8] =	ssyncset.s32 @!p0 $0xFFFFF086;
	s6 =	sadd.s32 @!p0 s3, s7;
	s7 =	simm.s32 @!p0 $0x108  }
0x21: {  	s3 =	sadd.s32 s3, s9;
	s6 =	sadd.s32 @!p0 $0x88, s6;
	s7 =	simm.s32 @p2 $0x1082  }
0x22: {  	[simem:s7], [sflag:s8] =	dma.local @!p0 [hbm:s6], $0xF7A  }
0x23: {  	s9 =	sor.u32 $0xD0000000, s2;
	s6 =	simm.s32 $0x108;
	_ =	swait.ge @!p0 [sflag:s8], $0x0  }
0x24: {  	s3 =	sadd.s32 $0x88, s3;
	s6 =	simm.s32 @!p1 $0x1082;
	[sflag:s4] =	ssyncset.s32 $0xFFFFF086  }
0x25: {  	[simem:s6], [sflag:s4] =	dma.local [hbm:s3], $0xF7A  }
0x26: {  	[smem:$0x3F9B] =	sst s1;
	(tag) =	ssettag s2;
	_ =	strace s9  }
0x27: {  	s1 =	sld [smem:$0x3FAB]  }
0x28: {  	s2 =	sld [smem:$0x3FAC]  }
0x29: {  	s4 =	sld [smem:$0x3FAE]  }
0x2a: {  	p0 =	seq.s32 s5, $0x0;
	s5 =	sld [smem:$0x3FAF]  }
0x2b: {  	s6 =	sld [smem:$0x3FB0]  }
0x2c: {  	s7 =	sld [smem:$0x3FB1]  }
0x2d: {  	s3 =	simm.s32 $0x108;
	s8 =	sld [smem:$0x3FB2]  }
0x2e: {  	s3 =	simm.s32 @!p0 $0x1082;
	s9 =	sld [smem:$0x3FB3]  }
0x2f: {  	lr =	sadd.s32 s0, s3;
	s0 =	sld [smem:$0x3FAA]  }
0x30: {  	s3 =	sld [smem:$0x3FAD]  }
0x31: {  	[smem:$0x3FB6] =	sst s10  }
0x32: {  	s10 =	sld [smem:$0x3FB4];
	_ =	sdelay $0x3  }
0x33: {  	p0 =	seq.s32 s10, $0x1;
	s10 =	sld [smem:$0x3FB6];
	_ =	sdelay $0x3  }
0x34: {  	[smem:$0x3FB6] =	sst s10  }
0x35: {  	s10 =	sld [smem:$0x3FB5];
	_ =	sdelay $0x3  }
0x36: {  	p1 =	seq.s32 s10, $0x1;
	s10 =	sld [smem:$0x3FB6];
	_ =	sdelay $0x3  }
0x37: {  	[smem:$0x3FB6] =	sst s10  }
0x38: {  	s10 =	sld [smem:$0x3FB7]  }
0x39: {  	_ = 	snop;
	(pc) =	sbr.ind lr, $3  }
0x3a: {  	_ = 	snop  }
0x3b: {  	_ = 	snop  }
0x3c: {  	p2 =	seq.s32 s10, $0x1;
	s10 =	sld [smem:$0x3FB6]  }
0x3d: {  	_ =	shalt  }
0x3e: {  	_ =	shalt  }
0x3f: {  	_ =	shalt  }
0x40: {  	_ =	shalt  }
0x41: {  	_ =	shalt  }
0x42: {  	_ =	shalt  }
0x43: {  	_ =	shalt  }
0x44: {  	_ =	shalt  }
0x45: {  	_ =	shalt  }
0x46: {  	_ =	shalt  }
0x47: {  	_ =	shalt  }
0x48: {  	_ =	shalt  }
0x49: {  	_ =	shalt  }
0x4a: {  	_ =	shalt  }
0x4b: {  	_ =	shalt  }
0x4c: {  	_ =	shalt  }
0x4d: {  	_ =	shalt  }
0x4e: {  	_ =	shalt  }
0x4f: {  	_ =	shalt  }
0x50: {  	_ =	shalt  }
0x51: {  	_ =	shalt  }
0x52: {  	_ =	shalt  }
0x53: {  	_ =	shalt  }
0x54: {  	_ =	shalt  }
0x55: {  	_ =	shalt  }
0x56: {  	_ =	shalt  }
0x57: {  	_ =	shalt  }
0x58: {  	_ =	shalt  }
0x59: {  	_ =	shalt  }
0x5a: {  	_ =	shalt  }
0x5b: {  	_ =	shalt  }
0x5c: {  	_ =	shalt  }
0x5d: {  	_ =	shalt  }
0x5e: {  	_ =	shalt  }
0x5f: {  	_ =	shalt  }
0x60: {  	_ =	shalt  }
0x61: {  	_ =	shalt  }
0x62: {  	_ =	shalt  }
0x63: {  	_ =	shalt  }
0x64: {  	_ =	shalt  }
0x65: {  	_ =	shalt  }
0x66: {  	_ =	shalt  }
0x67: {  	_ =	shalt  }
0x68: {  	_ =	shalt  }
0x69: {  	_ =	shalt  }
0x6a: {  	_ =	shalt  }
0x6b: {  	_ =	shalt  }
0x6c: {  	_ =	shalt  }
0x6d: {  	_ =	shalt  }
0x6e: {  	_ =	shalt  }
0x6f: {  	_ =	shalt  }
0x70: {  	_ =	shalt  }
0x71: {  	_ =	shalt  }
0x72: {  	_ =	shalt  }
0x73: {  	_ =	shalt  }
0x74: {  	_ =	shalt  }
0x75: {  	_ =	shalt  }
0x76: {  	_ =	shalt  }
0x77: {  	_ =	shalt  }
0x78: {  	_ =	shalt  }
0x79: {  	_ =	shalt  }
0x7a: {  	_ =	shalt  }
0x7b: {  	_ =	shalt  }
0x7c: {  	_ =	shalt  }
0x7d: {  	_ =	shalt  }
0x7e: {  	_ =	shalt  }
0x7f: {  	_ =	shalt  }
0x80: {  	_ =	shalt  }
0x81: {  	_ =	shalt  }
0x82: {  	_ =	shalt  }
0x83: {  	_ =	shalt  }
0x84: {  	_ =	shalt  }
0x85: {  	_ =	shalt  }
0x86: {  	_ =	shalt  }
0x87: {  	_ =	shalt  }
.Lfunc_end0:
.L_simem_size_0:
called_computation_lowered:
.L_overlay_start_0:
0x88: {  	s2 =	sld [smem:$0x3FD9]  }
0x89: {  	s3 =	sld [smem:$0x3FFE];
	_ =	sdelay $0x1  }
0x8a: {  	s1 =	srdreg.scid  }
0x8b: {  	s0 =	sand.u32 $0x1, s1  }
0x8c: {  	s17 =	sshll.u32 s0, $0xA;
	s2 =	sadd.s32 s3, s2  }
0x8d: {  	s2 =	sadd.s32 s2, s17  }
0x8e: {  	[smem:$0x3FC2] =	sst s2  }
0x8f: {  	_ = 	snop  }
0x90: {  	s2 =	sld [smem:$0x3FD0];
	(tm) =	ssettm $0x1  }
0x91: {  	s18 =	sld [smem:$0x3FFB];
	_ =	sdelay $0x3  }
0x92: {  	_ =	strace s18  }
0x93: {  	s3 =	sld [smem:$0x3FFC];
	_ =	sdelay $0x3  }
0x94: {  	_ =	strace s3  }
0x95: {  	s3 =	sld [smem:$0x3FFD];
	_ =	sdelay $0x3  }
0x96: {  	_ =	strace s3  }
0x97: {  	_ =	strace $0x8FFFFFFF  }
0x98: {  	s19 =	sld [smem:$0x3FDB];
	_ =	sdelay $0x1  }
0x99: {  	s4 =	simm.s32 $_scs_section_size  }
0x9a: {  	s5 =	simm.s32 $_size__tile_overlayer_lowered;
	s6 =	simm.s32 $_tile_overlayer_lowered  }
0x9b: {  	s22 =	simm.s32 $0x1BFF;
	s21 =	sshll.u32 s6, $0x1;
	s3 =	sadd.s32 s4, s19  }
0x9c: {  	s7 =	simm.s32 $0x0;
	s20 =	sshll.u32 s5, $0x1;
	s5 =	sadd.s32 s21, s3  }
0x9d: {  	[timem:s7], [sflag:s22] =	dma.local [hbm:s5], s20  }
0x9e: {  	_ =	swait.ge [sflag:s22], s20  }
0x9f: {  	s4 =	ssub.s32 $0x0, s20;
	[sflag:s22] =	ssyncset.done $0x0  }
0xa0: {  	[sflag:s22] =	ssyncadd.s32 s4;
	_ =	sdelay $0x1  }
0xa1: {  	s23 =	simm.s32 $0x1B8B  }
0xa2: {  	_ =	swait.ge [sflag:s23], $0x1  }
0xa3: {  	[sflag:s23] =	ssyncset.done $0x0  }
0xa4: {  	s25 =	simm.s32 $0x1B8E;
	s24 =	sld [smem:$0x3FFE];
	[sflag:s23] =	ssyncadd.s32 $0xFFFFFFFF  }
0xa5: {  	s26 =	simm.s32 $execute0_lowered;
	[smem:$0x3FD2] =	sst s25  }
0xa6: {  	s5 =	sshll.u32 s26, $0x1;
	_ =	strace $0x80000046;
	[dreg:$0x1] =	wrdreg $0xFFFFFFFF  }
0xa7: {  	s28 =	simm.s32 $_size_execute0_lowered;
	s3 =	sadd.s32 s3, s5;
	[dreg:$0x0] =	wrdreg $0x0  }
0xa8: {  	s5 =	sshll.u32 s28, $0x1;
	[dreg:$0x2] =	wrdreg s3  }
0xa9: {  	[dreg:$0x3] =	wrdreg s5  }
0xaa: {  	[dreg:$0x4] =	wrdreg $0xC0  }
0xab: {  	_ =	task [dreg:s7], $0x5FFFF  }
0xac: {  	[dreg:$0x1] =	wrdreg $0xFFFFFFFF  }
0xad: {  	[dreg:$0x0] =	wrdreg $0x60  }
0xae: {  	[dreg:$0x2] =	wrdreg s24  }
0xaf: {  	[dreg:$0x3] =	wrdreg s2  }
0xb0: {  	[dreg:$0x4] =	wrdreg $0x9  }
0xb1: {  	_ =	task.clear_ibuf [dreg:s7], $0x5FFFF;
	_ =	strace $0x90000046  }
0xb2: {  	s29 =	simm.s32 $0x9;
	_ =	strace $0x80000048  }
0xb3: {  	_ =	swait.ge [sflag:s29], $0x1  }
0xb4: {  	[sflag:s29] =	ssyncadd.s32 $0xFFFFFFFF  }
0xb5: {  	_ =	strace $0x90000048  }
0xb6: {  	_ =	sfence  }
0xb7: {  	s30 =	sld [smem:$0x0];
	_ =	sdelay $0x2  }
0xb8: {  	s31 =	sshll.u32 s1, $0xD;
	s1 =	sshrl.u32 s1, $0x2  }
0xb9: {  	s3 =	sand.u32 $0x4000, s31;
	s1 =	sadd.s32 s1, s30  }
0xba: {  	s0 =	sor.u32 s3, s0;
	s1 =	sshll.u32 s1, $0x11  }
0xbb: {  	s0 =	sor.u32 s1, s0  }
0xbc: {  	s0 =	sadd.s32 $0x8F2B, s0  }
0xbd: {  	[sflag:s0] =	ssyncadd.remote.s32 $0x1  }
0xbe: {  	_ =	sfence.sel $0xFFFF  }
0xbf: {  	[dreg:$0x0] =	wrdreg $0xFFFFFFFF;
	(pc) =	sbr.abs _section_cstart, $3  }
0xc0: {  	[dreg:$0x1] =	wrdreg $0xFFFFFFFF  }
0xc1: {  	_ =	task.clear_ibuf [dreg:s7], $0x2FFFF;
	_ =	strace $0x9FFFFFFF  }
0xc2: {  	(tm) =	ssettm $0x7FFFFFFF  }
0xc3: {  	_ =	shalt  }
tec
execute0_lowered:
.L_overlay_start_1:
0x0: {  	(tag) =	ssettag $0x1  }
0x1: {  	s0 =	rddreg [dreg:$0x0]  }
0x2: {  	s1 =	rddreg [dreg:$0x1];
	s3 =	simm.s32 $0x0  }
0x3: {  	s2 =	srdreg.scid;
	s5 =	stileid.u32;
	s18 =	simm.s32 $0x400  }
0x4: {  	s19 =	simm.s32 $0x1;
	s20 =	simm.s32 $0x80;
	s21 =	simm.s32 $0x700  }
0x5: {  	s29 =	simm.s32 $0x2;
	s30 =	simm.s32 $0x4700;
	s31 =	simm.s32 $0x580  }
0x6: {  	s13 =	simm.s32 $0x4;
	s14 =	simm.s32 $0x5;
	[smem:$0x7FF] =	sst s3  }
0x7: {  	s4 =	sadd.s32 $0x1600, s0;
	s2 =	sand.u32 $0x1, s2;
	s7 =	sshll.u32 s5, $0x1  }
0x8: {  	s5 =	sadd.s32 $0xBA00, s0;
	s6 =	sadd.s32 $0x7A00, s0;
	s10 =	sor.u32 s2, s7  }
0x9: {  	s9 =	sadd.s32 $0x24A00, s0;
	s2 =	ssub.s32 $0x2, s2;
	s8 =	smul.u32 $0x32, s10  }
0xa: {  	_ =	strace $0x80000047;
	s23 =	sshrl.u32 s2, $0x1;
	s11 =	smul.u32 $0x320, s10  }
0xb: {  	s7 =	sadd.s32 $0x34A00, s0;
	s24 =	smul.u32 $0xC80, s10;
	s0 =	ssub.s32 s2, s23  }
0xc: {  	s23 =	simm.s32 $0x0;
	s10 =	sor.u32 $0x1, s8;
	s11 =	sadd.s32 s4, s11  }
0xd: {  	s2 =	sadd.s32 s5, s24;
	s15 =	sadd.s32 $0x2, s8;
	[dreg:$0x3] =	wrdreg s11  }
0xe: {  	s16 =	sadd.s32 $0x3, s8;
	s0 =	smax.u32 s0, $0x1;
	[dreg:$0x4] =	wrdreg s2  }
0xf: {  	s25 =	sshll.u32 s10, $0x4;
	s12 =	sshll.u32 s10, $0x6;
	[dreg:$0x7] =	wrdreg s0  }
0x10: {  	s0 =	simm.s32 $0xC700;
	s2 =	simm.s32 $0x680;
	s26 =	sadd.s32 s4, s25  }
0x11: {  	s11 =	simm.s32 $0x14700;
	s28 =	sadd.s32 s5, s12;
	[dreg:$0x5] =	wrdreg s26  }
0x12: {  	s12 =	simm.s32 $0x3;
	[dreg:$0x6] =	wrdreg s28;
	s26 =	simm.s32 $0x480  }
.LBB2_1:
0x13: {  	[dreg:$0x8] =	wrdreg s23  }
0x14: {  	s17 =	rddreg [dreg:$0x3]  }
0x15: {  	[tilespmem:s18], [sflag:$0x1] =	stream.linear.gather [hbm4b:s17+s3], $0x80, $0x38;
	[tilespmem:$0x18700] =	vst v63  }
0x16: {  	s25 =	rddreg [dreg:$0x4]  }
0x17: {  	[tilespmem:s3], [sflag:$0x1] =	stream.linear.gather [hbm4b:s25+s3], $0x200, $0x38;
	[tilespmem:$0x18700] =	vst v63  }
0x18: {  	_ =	swait.ge [sflag:s19], $0x80  }
0x19: {  	[sflag:s19] =	ssyncset.done $0x0  }
0x1a: {  	[sflag:s19] =	ssyncadd.s32 $0xFFFFFF80  }
0x1b: {  	_ =	swait.ge [sflag:s19], $0x200  }
0x1c: {  	[sflag:s19] =	ssyncset.done $0x0  }
0x1d: {  	[sflag:s19] =	ssyncadd.s32 $0xFFFFFE00  }
0x1e: {  	v0 =	vld [tilespmem:$0x0]  }
0x1f: {  	v1 =	vld [tilespmem:$0x180]  }
0x20: {  	v2 =	vld [tilespmem:$0x80]  }
0x21: {  	v3 =	vld [tilespmem:$0x100]  }
0x22: {  	v4 =	vld [tilespmem:$0x10]  }
0x23: {  	v5 =	vld [tilespmem:$0x190]  }
0x24: {  	v6 =	vld [tilespmem:$0x90]  }
0x25: {  	v7 =	vld [tilespmem:$0x110]  }
0x26: {  	v8 =	vld [tilespmem:$0x20]  }
0x27: {  	v9 =	vld [tilespmem:$0x1A0]  }
0x28: {  	v10 =	vld [tilespmem:$0xA0]  }
0x29: {  	v11 =	vld [tilespmem:$0x120]  }
0x2a: {  	v12 =	vld [tilespmem:$0x30]  }
0x2b: {  	v13 =	vld [tilespmem:$0x1B0]  }
0x2c: {  	v14 =	vld [tilespmem:$0xB0]  }
0x2d: {  	v15 =	vld [tilespmem:$0x130]  }
0x2e: {  	v16 =	vld [tilespmem:$0x40]  }
0x2f: {  	v17 =	vld [tilespmem:$0x1C0]  }
0x30: {  	v18 =	vld [tilespmem:$0xC0]  }
0x31: {  	v19 =	vld [tilespmem:$0x140]  }
0x32: {  	v20 =	vld [tilespmem:$0x50];
	v0 =	vshll.u32 v0, $0x6  }
0x33: {  	v24 =	vld [tilespmem:$0x1D0];
	v23 =	vshll.u32 v2, $0x6;
	v0 =	vadd.s32 v1, v0  }
0x34: {  	v27 =	vld [tilespmem:$0xD0];
	v26 =	vshll.u32 v4, $0x6;
	v25 =	vadd.s32 v3, v23;
	[tilespmem:$0x500] =	vst v0  }
0x35: {  	v30 =	vld [tilespmem:$0x150];
	v29 =	vshll.u32 v6, $0x6;
	v28 =	vadd.s32 v5, v26;
	[tilespmem:$0x600] =	vst v25  }
0x36: {  	v33 =	vld [tilespmem:$0x60];
	v32 =	vshll.u32 v8, $0x6;
	v31 =	vadd.s32 v7, v29;
	[tilespmem:$0x510] =	vst v28  }
0x37: {  	v36 =	vld [tilespmem:$0x1E0];
	v35 =	vshll.u32 v10, $0x6;
	v34 =	vadd.s32 v9, v32;
	[tilespmem:$0x610] =	vst v31  }
0x38: {  	v39 =	vld [tilespmem:$0xE0];
	v38 =	vshll.u32 v12, $0x6;
	v37 =	vadd.s32 v11, v35;
	[tilespmem:$0x520] =	vst v34  }
0x39: {  	v42 =	vld [tilespmem:$0x160];
	v41 =	vshll.u32 v14, $0x6;
	v40 =	vadd.s32 v13, v38;
	[tilespmem:$0x620] =	vst v37  }
0x3a: {  	v45 =	vld [tilespmem:$0x70];
	v44 =	vshll.u32 v16, $0x6;
	v43 =	vadd.s32 v15, v41;
	[tilespmem:$0x530] =	vst v40  }
0x3b: {  	v48 =	vld [tilespmem:$0x1F0];
	v47 =	vshll.u32 v18, $0x6;
	v46 =	vadd.s32 v17, v44;
	[tilespmem:$0x630] =	vst v43  }
0x3c: {  	v51 =	vld [tilespmem:$0xF0];
	v50 =	vshll.u32 v20, $0x6;
	v49 =	vadd.s32 v19, v47;
	[tilespmem:$0x540] =	vst v46  }
0x3d: {  	v54 =	vld [tilespmem:$0x170];
	v53 =	vshll.u32 v27, $0x6;
	v52 =	vadd.s32 v24, v50;
	[tilespmem:$0x640] =	vst v49  }
0x3e: {  	v56 =	vshll.u32 v33, $0x6;
	v55 =	vadd.s32 v30, v53;
	[tilespmem:$0x550] =	vst v52  }
0x3f: {  	v58 =	vshll.u32 v39, $0x6;
	v57 =	vadd.s32 v36, v56;
	[tilespmem:$0x650] =	vst v55  }
0x40: {  	v60 =	vshll.u32 v45, $0x6;
	v59 =	vadd.s32 v42, v58;
	[tilespmem:$0x560] =	vst v57  }
0x41: {  	v62 =	vshll.u32 v51, $0x6;
	v61 =	vadd.s32 v48, v60;
	[tilespmem:$0x660] =	vst v59  }
0x42: {  	v63 =	vadd.s32 v54, v62;
	[tilespmem:$0x570] =	vst v61  }
0x43: {  	[tilespmem:$0x670] =	vst v63  }
0x44: {  	[tilespmem:s21], [sflag:$0x3] =	stream.indirect.gather [hbm4b:s6+s20], $0x80, s18, s20, $0xb8;
	[tilespmem:$0x18700] =	vst v63  }
0x45: {  	s28 =	simm.s32 $0x500;
	s22 =	simm.s32 $0x8700  }
0x46: {  	[tilespmem:s22], [sflag:$0x3] =	stream.indirect.gather [hbm4b:s7+s20], $0x80, s28, s20, $0xb8;
	[tilespmem:$0x18700] =	vst v63  }
0x47: {  	s23 =	simm.s32 $0x10700;
	s22 =	simm.s32 $0x600  }
0x48: {  	[tilespmem:s23], [sflag:$0x3] =	stream.indirect.gather [hbm4b:s9+s20], $0x80, s22, s20, $0xb8;
	[tilespmem:$0x18700] =	vst v63  }
0x49: {  	s24 =	rddreg [dreg:$0x5]  }
0x4a: {  	[tilespmem:s26], [sflag:$0x2] =	stream.linear.gather [hbm4b:s24+s3], $0x80, $0x38;
	[tilespmem:$0x18700] =	vst v63  }
0x4b: {  	s17 =	simm.s32 $0x0;
	s25 =	rddreg [dreg:$0x6];
	s28 =	simm.s32 $0x200  }
0x4c: {  	[tilespmem:s28], [sflag:$0x2] =	stream.linear.gather [hbm4b:s25+s3], $0x200, $0x38;
	[tilespmem:$0x18700] =	vst v63  }
.LBB2_2:
0x4d: {  	_ =	swait.ge [sflag:s29], $0x80  }
0x4e: {  	[sflag:s29] =	ssyncset.done $0x0  }
0x4f: {  	[sflag:s29] =	ssyncadd.s32 $0xFFFFFF80  }
0x50: {  	_ =	swait.ge [sflag:s29], $0x200  }
0x51: {  	[sflag:s29] =	ssyncset.done $0x0  }
0x52: {  	[sflag:s29] =	ssyncadd.s32 $0xFFFFFE00  }
0x53: {  	v0 =	vld [tilespmem:$0x200]  }
0x54: {  	v1 =	vld [tilespmem:$0x380]  }
0x55: {  	v2 =	vld [tilespmem:$0x280]  }
0x56: {  	v3 =	vld [tilespmem:$0x300]  }
0x57: {  	v4 =	vld [tilespmem:$0x210]  }
0x58: {  	v5 =	vld [tilespmem:$0x390]  }
0x59: {  	v6 =	vld [tilespmem:$0x290]  }
0x5a: {  	v7 =	vld [tilespmem:$0x310]  }
0x5b: {  	v8 =	vld [tilespmem:$0x220]  }
0x5c: {  	v9 =	vld [tilespmem:$0x3A0]  }
0x5d: {  	v10 =	vld [tilespmem:$0x2A0]  }
0x5e: {  	v11 =	vld [tilespmem:$0x320]  }
0x5f: {  	v12 =	vld [tilespmem:$0x230]  }
0x60: {  	v13 =	vld [tilespmem:$0x3B0]  }
0x61: {  	v14 =	vld [tilespmem:$0x2B0]  }
0x62: {  	v15 =	vld [tilespmem:$0x330]  }
0x63: {  	v16 =	vld [tilespmem:$0x240]  }
0x64: {  	v17 =	vld [tilespmem:$0x3C0]  }
0x65: {  	v18 =	vld [tilespmem:$0x2C0]  }
0x66: {  	v19 =	vld [tilespmem:$0x340]  }
0x67: {  	v20 =	vld [tilespmem:$0x250];
	v0 =	vshll.u32 v0, $0x6  }
0x68: {  	v34 =	vld [tilespmem:$0x350];
	v0 =	vadd.s32 v1, v0;
	v1 =	vshll.u32 v2, $0x6  }
0x69: {  	v35 =	vld [tilespmem:$0x260];
	[tilespmem:$0x580] =	vst v0;
	v0 =	vadd.s32 v3, v1;
	v1 =	vshll.u32 v4, $0x6  }
0x6a: {  	v36 =	vld [tilespmem:$0x3E0];
	[tilespmem:$0x680] =	vst v0;
	v0 =	vadd.s32 v5, v1;
	v1 =	vshll.u32 v6, $0x6  }
0x6b: {  	v37 =	vld [tilespmem:$0x2E0];
	[tilespmem:$0x590] =	vst v0;
	v0 =	vadd.s32 v7, v1;
	v1 =	vshll.u32 v8, $0x6  }
0x6c: {  	v2 =	vld [tilespmem:$0x3D0];
	[tilespmem:$0x690] =	vst v0;
	v0 =	vadd.s32 v9, v1;
	v1 =	vshll.u32 v10, $0x6  }
0x6d: {  	v3 =	vld [tilespmem:$0x2D0];
	[tilespmem:$0x5A0] =	vst v0;
	v0 =	vadd.s32 v11, v1;
	v1 =	vshll.u32 v12, $0x6  }
0x6e: {  	v38 =	vld [tilespmem:$0x360];
	[tilespmem:$0x6A0] =	vst v0;
	v0 =	vadd.s32 v13, v1;
	v1 =	vshll.u32 v14, $0x6  }
0x6f: {  	v39 =	vld [tilespmem:$0x270];
	[tilespmem:$0x5B0] =	vst v0;
	v0 =	vadd.s32 v15, v1;
	v1 =	vshll.u32 v16, $0x6  }
0x70: {  	v40 =	vld [tilespmem:$0x3F0];
	[tilespmem:$0x6B0] =	vst v0;
	v0 =	vadd.s32 v17, v1;
	v1 =	vshll.u32 v18, $0x6  }
0x71: {  	v41 =	vld [tilespmem:$0x2F0];
	[tilespmem:$0x5C0] =	vst v0;
	v0 =	vadd.s32 v19, v1;
	v1 =	vshll.u32 v20, $0x6  }
0x72: {  	[tilespmem:$0x6C0] =	vst v0;
	v0 =	vadd.s32 v2, v1;
	v1 =	vshll.u32 v3, $0x6;
	v2 =	vld [tilespmem:$0x370]  }
0x73: {  	[tilespmem:$0x5D0] =	vst v0;
	v0 =	vadd.s32 v34, v1;
	v1 =	vshll.u32 v35, $0x6  }
0x74: {  	[tilespmem:$0x6D0] =	vst v0;
	v0 =	vadd.s32 v36, v1;
	v1 =	vshll.u32 v37, $0x6  }
0x75: {  	[tilespmem:$0x5E0] =	vst v0;
	v0 =	vadd.s32 v38, v1;
	v1 =	vshll.u32 v39, $0x6  }
0x76: {  	[tilespmem:$0x6E0] =	vst v0;
	v0 =	vadd.s32 v40, v1;
	v1 =	vshll.u32 v41, $0x6  }
0x77: {  	p0 =	seq.s32 s17, $0x0;
	[tilespmem:$0x5F0] =	vst v0;
	v0 =	vadd.s32 v2, v1  }
0x78: {  	s22 =	simm.s32 @!p0 $0x6;
	[tilespmem:$0x6F0] =	vst v0  }
0x79: {  	_ =	swait.ge @!p0 [sflag:s22], $0x4000  }
0x7a: {  	[sflag:s22] =	ssyncset.done @!p0 $0x0  }
0x7b: {  	[sflag:s22] =	ssyncadd.s32 @!p0 $0xFFFFC000  }
0x7c: {  	[tilespmem:s30], [sflag:$0x4] =	stream.indirect.gather [hbm4b:s6+s20], $0x80, s26, s20, $0xb8;
	[tilespmem:$0x18700] =	vst v63  }
0x7d: {  	_ = 	snop  }
0x7e: {  	[tilespmem:s0], [sflag:$0x4] =	stream.indirect.gather [hbm4b:s7+s20], $0x80, s31, s20, $0xb8;
	[tilespmem:$0x18700] =	vst v63  }
0x7f: {  	_ = 	snop  }
0x80: {  	[tilespmem:s11], [sflag:$0x4] =	stream.indirect.gather [hbm4b:s9+s20], $0x80, s2, s20, $0xb8;
	[tilespmem:$0x18700] =	vst v63  }
0x81: {  	_ =	swait.ge [sflag:s12], $0x4000  }
0x82: {  	[sflag:s12] =	ssyncset.done $0x0  }
0x83: {  	[sflag:s12] =	ssyncadd.s32 $0xFFFFC000  }
0x84: {  	_ =	swait.ge [sflag:s12], $0x4000  }
0x85: {  	s22 =	sshll.u32 s17, $0x1;
	p0 =	seq.s32 s17, $0x18;
	[sflag:s12] =	ssyncset.done $0x0  }
0x86: {  	s23 =	sadd.s32 @!p0 s22, s15;
	s25 =	simm.s32 @!p0 $0x0;
	[sflag:s12] =	ssyncadd.s32 $0xFFFFC000  }
0x87: {  	s28 =	simm.s32 @!p0 $0x400;
	s24 =	sshll.u32 @!p0 s23, $0x4;
	_ =	swait.ge [sflag:s12], $0x4000  }
0x88: {  	s23 =	sshll.u32 @!p0 s23, $0x6;
	s24 =	sand.u32 @!p0 $0x1FFFFFE0, s24;
	[sflag:s12] =	ssyncset.done $0x0  }
0x89: {  	s23 =	sand.u32 @!p0 $0x1FFFFF80, s23;
	s24 =	sadd.s32 @!p0 s4, s24;
	[sflag:s12] =	ssyncadd.s32 $0xFFFFC000  }
0x8a: {  	[tilespmem:s28], [sflag:$0x1] =	stream.linear.gather @!p0 [hbm4b:s24+s25], $0x80, $0x38;
	[tilespmem:$0x18700] =	vst v63  }
0x8b: {  	s23 =	sadd.s32 @!p0 s5, s23  }
0x8c: {  	[tilespmem:s25], [sflag:$0x1] =	stream.linear.gather @!p0 [hbm4b:s23+s25], $0x200, $0x38;
	[tilespmem:$0x18700] =	vst v63  }
0x8d: {  	s23 =	simm.s32 $0x0  }
0x8e: {  	v0 =	vld [tilespmem:s23+$0x87F0]  }
0x8f: {  	v1 =	vld [tilespmem:s23+$0x107F0]  }
0x90: {  	v2 =	vld [tilespmem:s23+$0x8700]  }
0x91: {  	v3 =	vld [tilespmem:s23+$0x8710]  }
0x92: {  	v42 =	vld [tilespmem:s23+$0x8720]  }
0x93: {  	v43 =	vld [tilespmem:s23+$0x8730]  }
0x94: {  	v44 =	vld [tilespmem:s23+$0x8740]  }
0x95: {  	v45 =	vld [tilespmem:s23+$0x8770]  }
0x96: {  	v46 =	vld [tilespmem:s23+$0x10700]  }
0x97: {  	v47 =	vld [tilespmem:s23+$0x10710]  }
0x98: {  	v48 =	vld [tilespmem:s23+$0x10720]  }
0x99: {  	v49 =	vld [tilespmem:s23+$0x10730]  }
0x9a: {  	v50 =	vld [tilespmem:s23+$0x10740]  }
0x9b: {  	v51 =	vld [tilespmem:s23+$0x10750]  }
0x9c: {  	v52 =	vld [tilespmem:s23+$0x10760]  }
0x9d: {  	v53 =	vld [tilespmem:s23+$0x10770]  }
0x9e: {  	v54 =	vld [tilespmem:s23+$0x8780]  }
0x9f: {  	v55 =	vld [tilespmem:s23+$0x8790]  }
0xa0: {  	v56 =	vld [tilespmem:s23+$0x87A0]  }
0xa1: {  	v57 =	vld [tilespmem:s23+$0x87B0]  }
0xa2: {  	v58 =	vld [tilespmem:s23+$0x87C0]  }
0xa3: {  	v21 =	vld [tilespmem:s23+$0x87D0]  }
0xa4: {  	v22 =	vld [tilespmem:s23+$0x87E0]  }
0xa5: {  	v59 =	vld [tilespmem:s23+$0x10780]  }
0xa6: {  	v23 =	vld [tilespmem:s23+$0x10790]  }
0xa7: {  	v60 =	vld [tilespmem:s23+$0x107C0]  }
0xa8: {  	v61 =	vld [tilespmem:s23+$0x107D0]  }
0xa9: {  	v62 =	vld [tilespmem:s23+$0x107E0];
	v0 =	vadd.f32 v1, v0  }
0xaa: {  	v1 =	vld [tilespmem:s23+$0x8750]  }
0xab: {  	v2 =	vadd.f32 v46, v2;
	[tilespmem:s23+$0x7F0] =	vst.add.f32.msk $0xffff, v0  }
0xac: {  	v0 =	vld [tilespmem:s23+$0x8760]  }
0xad: {  	v3 =	vadd.f32 v47, v3;
	[tilespmem:s23+$0x700] =	vst.add.f32.msk $0xffff, v2  }
0xae: {  	v2 =	vld [tilespmem:s23+$0x107A0]  }
0xaf: {  	v4 =	vadd.f32 v48, v42;
	[tilespmem:s23+$0x710] =	vst.add.f32.msk $0xffff, v3  }
0xb0: {  	v5 =	vadd.f32 v49, v43;
	v3 =	vld [tilespmem:s23+$0x107B0]  }
0xb1: {  	v6 =	vadd.f32 v50, v44;
	[tilespmem:s23+$0x720] =	vst.add.f32.msk $0xffff, v4  }
0xb2: {  	v63 =	vadd.f32 v53, v45;
	[tilespmem:s23+$0x730] =	vst.add.f32.msk $0xffff, v5  }
0xb3: {  	[tilespmem:s23+$0x740] =	vst.add.f32.msk $0xffff, v6;
	v1 =	vadd.f32 v51, v1  }
0xb4: {  	[tilespmem:s23+$0x770] =	vst.add.f32.msk $0xffff, v63;
	v0 =	vadd.f32 v52, v0  }
0xb5: {  	[tilespmem:s23+$0x750] =	vst.add.f32.msk $0xffff, v1;
	v1 =	vadd.f32 v59, v54  }
0xb6: {  	v2 =	vadd.f32 v2, v56;
	[tilespmem:s23+$0x760] =	vst.add.f32.msk $0xffff, v0  }
0xb7: {  	v0 =	vadd.f32 v23, v55;
	[tilespmem:s23+$0x780] =	vst.add.f32.msk $0xffff, v1  }
0xb8: {  	v1 =	vadd.f32 v3, v57;
	[tilespmem:s23+$0x7A0] =	vst.add.f32.msk $0xffff, v2  }
0xb9: {  	[tilespmem:s23+$0x790] =	vst.add.f32.msk $0xffff, v0;
	v0 =	vadd.f32 v60, v58  }
0xba: {  	v2 =	vadd.f32 v61, v21;
	[tilespmem:s23+$0x7B0] =	vst.add.f32.msk $0xffff, v1  }
0xbb: {  	[tilespmem:s23+$0x7C0] =	vst.add.f32.msk $0xffff, v0;
	v0 =	vadd.f32 v62, v22  }
0xbc: {  	s24 =	simm.s32 $0x0;
	s25 =	simm.s32 $0x400;
	[tilespmem:s23+$0x7D0] =	vst.add.f32.msk $0xffff, v2  }
.LBB2_3:
0xbd: {  	[tilespmem:s23+$0x7E0] =	vst.add.f32.msk $0xffff, v0;
	s23 =	sshra.s32 s25, $0x2  }
0xbe: {  	s24 =	sadd.s32 $0x2, s24;
	v0 =	vld [tilespmem:s23+$0x87F0]  }
0xbf: {  	p1 =	slt.u32 s24, $0x7E;
	v1 =	vld [tilespmem:s23+$0x107F0]  }
0xc0: {  	v2 =	vld [tilespmem:s23+$0x8700]  }
0xc1: {  	v3 =	vld [tilespmem:s23+$0x8710]  }
0xc2: {  	v4 =	vld [tilespmem:s23+$0x8720]  }
0xc3: {  	v5 =	vld [tilespmem:s23+$0x8730]  }
0xc4: {  	v6 =	vld [tilespmem:s23+$0x8740];
	v0 =	vadd.f32 v1, v0  }
0xc5: {  	v1 =	vld [tilespmem:s23+$0x8750]  }
0xc6: {  	[tilespmem:s23+$0x7F0] =	vst.add.f32.msk $0xffff, v0  }
0xc7: {  	v0 =	vld [tilespmem:s23+$0x8760]  }
0xc8: {  	v7 =	vld [tilespmem:s23+$0x8770]  }
0xc9: {  	v8 =	vld [tilespmem:s23+$0x10700]  }
0xca: {  	v9 =	vld [tilespmem:s23+$0x10710]  }
0xcb: {  	v10 =	vld [tilespmem:s23+$0x10720]  }
0xcc: {  	v11 =	vld [tilespmem:s23+$0x10730]  }
0xcd: {  	v12 =	vld [tilespmem:s23+$0x10740]  }
0xce: {  	v13 =	vld [tilespmem:s23+$0x10750];
	v2 =	vadd.f32 v8, v2  }
0xcf: {  	v8 =	vld [tilespmem:s23+$0x10760];
	v3 =	vadd.f32 v9, v3  }
0xd0: {  	v9 =	vld [tilespmem:s23+$0x10770];
	v4 =	vadd.f32 v10, v4  }
0xd1: {  	v5 =	vadd.f32 v11, v5;
	v10 =	vld [tilespmem:s23+$0x8780]  }
0xd2: {  	v6 =	vadd.f32 v12, v6;
	v11 =	vld [tilespmem:s23+$0x8790]  }
0xd3: {  	v1 =	vadd.f32 v13, v1;
	v12 =	vld [tilespmem:s23+$0x87A0]  }
0xd4: {  	v8 =	vadd.f32 v8, v0;
	v0 =	vld [tilespmem:s23+$0x87B0]  }
0xd5: {  	v7 =	vadd.f32 v9, v7;
	v9 =	vld [tilespmem:s23+$0x87C0]  }
0xd6: {  	v13 =	vld [tilespmem:s23+$0x87D0]  }
0xd7: {  	v14 =	vld [tilespmem:s23+$0x87E0]  }
0xd8: {  	v15 =	vld [tilespmem:s23+$0x10780]  }
0xd9: {  	v16 =	vld [tilespmem:s23+$0x10790]  }
0xda: {  	v17 =	vld [tilespmem:s23+$0x107A0]  }
0xdb: {  	v18 =	vld [tilespmem:s23+$0x107B0]  }
0xdc: {  	v19 =	vld [tilespmem:s23+$0x107C0]  }
0xdd: {  	v20 =	vld [tilespmem:s23+$0x107D0];
	v10 =	vadd.f32 v15, v10  }
0xde: {  	v15 =	vld [tilespmem:s23+$0x107E0];
	v11 =	vadd.f32 v16, v11  }
0xdf: {  	[tilespmem:s23+$0x700] =	vst.add.f32.msk $0xffff, v2;
	v2 =	vadd.f32 v17, v12  }
0xe0: {  	[tilespmem:s23+$0x710] =	vst.add.f32.msk $0xffff, v3;
	v3 =	vadd.f32 v18, v0  }
0xe1: {  	[tilespmem:s23+$0x720] =	vst.add.f32.msk $0xffff, v4;
	v4 =	vadd.f32 v19, v9  }
0xe2: {  	[tilespmem:s23+$0x730] =	vst.add.f32.msk $0xffff, v5;
	v5 =	vadd.f32 v20, v13  }
0xe3: {  	[tilespmem:s23+$0x740] =	vst.add.f32.msk $0xffff, v6;
	v0 =	vadd.f32 v15, v14  }
0xe4: {  	[tilespmem:s23+$0x750] =	vst.add.f32.msk $0xffff, v1  }
0xe5: {  	[tilespmem:s23+$0x760] =	vst.add.f32.msk $0xffff, v8  }
0xe6: {  	[tilespmem:s23+$0x770] =	vst.add.f32.msk $0xffff, v7  }
0xe7: {  	[tilespmem:s23+$0x780] =	vst.add.f32.msk $0xffff, v10  }
.Ltmp0:
0xe8: {  	[tilespmem:s23+$0x790] =	vst.add.f32.msk $0xffff, v11;
	(pc) =	sbr.rel @p1 .LBB2_3-.Ltmp0, $4  }
0xe9: {  	[tilespmem:s23+$0x7A0] =	vst.add.f32.msk $0xffff, v2  }
0xea: {  	[tilespmem:s23+$0x7B0] =	vst.add.f32.msk $0xffff, v3  }
0xeb: {  	[tilespmem:s23+$0x7C0] =	vst.add.f32.msk $0xffff, v4  }
0xec: {  	s25 =	sadd.s32 $0x400, s25;
	[tilespmem:s23+$0x7D0] =	vst.add.f32.msk $0xffff, v5  }
.Ltmp1:
0xed: {  	(pc) =	sbr.rel @!p0 .LBB2_5-.Ltmp1, $4  }
0xee: {  	s24 =	sadd.s32 s8, s22  }
0xef: {  	s24 =	sshll.u32 s24, $0xB  }
0xf0: {  	[tilespmem:s23+$0x7E0] =	vst.add.f32.msk $0xffff, v0;
	s28 =	sadd.s32 s1, s24  }
0xf1: {  	[hbm4b:s28+s3] =	stream.linear.scatter [tilespmem:s21], [sflag:$0x5], $0x4000, $0x38;
	[tilespmem:$0x18700] =	vst v63  }
0xf2: {  	_ =	swait.ge [sflag:s13], $0x4000  }
0xf3: {  	[sflag:s13] =	ssyncset.done $0x0  }
0xf4: {  	[sflag:s13] =	ssyncadd.s32 $0xFFFFC000  }
0xf5: {  	_ =	swait.ge [sflag:s13], $0x4000  }
.Ltmp2:
0xf6: {  	[sflag:s13] =	ssyncset.done $0x0;
	(pc) =	sbr.rel .LBB2_7-.Ltmp2, $4  }
0xf7: {  	[sflag:s13] =	ssyncadd.s32 $0xFFFFC000  }
0xf8: {  	_ =	swait.ge [sflag:s13], $0x4000  }
0xf9: {  	[sflag:s13] =	ssyncset.done $0x0  }
0xfa: {  	[sflag:s13] =	ssyncadd.s32 $0xFFFFC000  }
.LBB2_5:
0xfb: {  	_ =	swait.ge [sflag:s19], $0x80  }
0xfc: {  	[sflag:s19] =	ssyncset.done $0x0  }
0xfd: {  	[sflag:s19] =	ssyncadd.s32 $0xFFFFFF80  }
0xfe: {  	_ =	swait.ge [sflag:s19], $0x200  }
0xff: {  	[sflag:s19] =	ssyncset.done $0x0  }
0x100: {  	[sflag:s19] =	ssyncadd.s32 $0xFFFFFE00  }
0x101: {  	v0 =	vld [tilespmem:$0x0]  }
0x102: {  	v1 =	vld [tilespmem:$0x180]  }
0x103: {  	v2 =	vld [tilespmem:$0x80]  }
0x104: {  	v3 =	vld [tilespmem:$0x100]  }
0x105: {  	v4 =	vld [tilespmem:$0x10]  }
0x106: {  	v5 =	vld [tilespmem:$0x190]  }
0x107: {  	v6 =	vld [tilespmem:$0x90]  }
0x108: {  	v7 =	vld [tilespmem:$0x110]  }
0x109: {  	v8 =	vld [tilespmem:$0x20]  }
0x10a: {  	v9 =	vld [tilespmem:$0x1A0]  }
0x10b: {  	v10 =	vld [tilespmem:$0xA0]  }
0x10c: {  	v11 =	vld [tilespmem:$0x120]  }
0x10d: {  	v12 =	vld [tilespmem:$0x30]  }
0x10e: {  	v13 =	vld [tilespmem:$0x1B0]  }
0x10f: {  	v14 =	vld [tilespmem:$0xB0]  }
0x110: {  	v15 =	vld [tilespmem:$0x130]  }
0x111: {  	v16 =	vld [tilespmem:$0x40]  }
0x112: {  	v17 =	vld [tilespmem:$0x1C0]  }
0x113: {  	v18 =	vld [tilespmem:$0xC0]  }
0x114: {  	v19 =	vld [tilespmem:$0x140]  }
0x115: {  	v20 =	vld [tilespmem:$0x50];
	v0 =	vshll.u32 v0, $0x6  }
0x116: {  	v24 =	vld [tilespmem:$0x1D0];
	v23 =	vshll.u32 v2, $0x6;
	v0 =	vadd.s32 v1, v0  }
0x117: {  	v27 =	vld [tilespmem:$0xD0];
	v26 =	vshll.u32 v4, $0x6;
	v25 =	vadd.s32 v3, v23;
	[tilespmem:$0x500] =	vst v0  }
0x118: {  	v30 =	vld [tilespmem:$0x150];
	v29 =	vshll.u32 v6, $0x6;
	v28 =	vadd.s32 v5, v26;
	[tilespmem:$0x600] =	vst v25  }
0x119: {  	v33 =	vld [tilespmem:$0x60];
	v32 =	vshll.u32 v8, $0x6;
	v31 =	vadd.s32 v7, v29;
	[tilespmem:$0x510] =	vst v28  }
0x11a: {  	v36 =	vld [tilespmem:$0x1E0];
	v35 =	vshll.u32 v10, $0x6;
	v34 =	vadd.s32 v9, v32;
	[tilespmem:$0x610] =	vst v31  }
0x11b: {  	v39 =	vld [tilespmem:$0xE0];
	v38 =	vshll.u32 v12, $0x6;
	v37 =	vadd.s32 v11, v35;
	[tilespmem:$0x520] =	vst v34  }
0x11c: {  	v42 =	vld [tilespmem:$0x160];
	v41 =	vshll.u32 v14, $0x6;
	v40 =	vadd.s32 v13, v38;
	[tilespmem:$0x620] =	vst v37  }
0x11d: {  	v45 =	vld [tilespmem:$0x70];
	v44 =	vshll.u32 v16, $0x6;
	v43 =	vadd.s32 v15, v41;
	[tilespmem:$0x530] =	vst v40  }
0x11e: {  	v48 =	vld [tilespmem:$0x1F0];
	v47 =	vshll.u32 v18, $0x6;
	v46 =	vadd.s32 v17, v44;
	[tilespmem:$0x630] =	vst v43  }
0x11f: {  	v51 =	vld [tilespmem:$0xF0];
	v50 =	vshll.u32 v20, $0x6;
	v49 =	vadd.s32 v19, v47;
	[tilespmem:$0x540] =	vst v46  }
0x120: {  	v54 =	vld [tilespmem:$0x170];
	v53 =	vshll.u32 v27, $0x6;
	v52 =	vadd.s32 v24, v50;
	[tilespmem:$0x640] =	vst v49  }
0x121: {  	v56 =	vshll.u32 v33, $0x6;
	v55 =	vadd.s32 v30, v53;
	[tilespmem:$0x550] =	vst v52  }
0x122: {  	v58 =	vshll.u32 v39, $0x6;
	v57 =	vadd.s32 v36, v56;
	[tilespmem:$0x650] =	vst v55  }
0x123: {  	v60 =	vshll.u32 v45, $0x6;
	v59 =	vadd.s32 v42, v58;
	[tilespmem:$0x560] =	vst v57  }
0x124: {  	v62 =	vshll.u32 v51, $0x6;
	v61 =	vadd.s32 v48, v60;
	[tilespmem:$0x660] =	vst v59  }
0x125: {  	v63 =	vadd.s32 v54, v62;
	[tilespmem:$0x570] =	vst v61  }
0x126: {  	[tilespmem:$0x670] =	vst v63  }
0x127: {  	_ =	swait.ge [sflag:s14], $0x4000  }
0x128: {  	[sflag:s14] =	ssyncset.done $0x0  }
0x129: {  	[sflag:s14] =	ssyncadd.s32 $0xFFFFC000  }
0x12a: {  	[tilespmem:s21], [sflag:$0x3] =	stream.indirect.gather [hbm4b:s6+s20], $0x80, s18, s20, $0xb8;
	[tilespmem:$0x18700] =	vst v63  }
0x12b: {  	s23 =	simm.s32 $0x500;
	s24 =	simm.s32 $0x8700  }
0x12c: {  	[tilespmem:s24], [sflag:$0x3] =	stream.indirect.gather [hbm4b:s7+s20], $0x80, s23, s20, $0xb8;
	[tilespmem:$0x18700] =	vst v63  }
0x12d: {  	s25 =	simm.s32 $0x10700;
	s24 =	simm.s32 $0x600  }
0x12e: {  	[tilespmem:s25], [sflag:$0x3] =	stream.indirect.gather [hbm4b:s9+s20], $0x80, s24, s20, $0xb8;
	[tilespmem:$0x18700] =	vst v63  }
0x12f: {  	_ =	swait.ge [sflag:s13], $0x4000  }
0x130: {  	[sflag:s13] =	ssyncset.done $0x0  }
0x131: {  	[sflag:s13] =	ssyncadd.s32 $0xFFFFC000  }
0x132: {  	_ =	swait.ge [sflag:s13], $0x4000  }
0x133: {  	[sflag:s13] =	ssyncset.done $0x0  }
0x134: {  	s28 =	sadd.s32 s22, s16;
	[sflag:s13] =	ssyncadd.s32 $0xFFFFC000  }
0x135: {  	s25 =	sshll.u32 s28, $0x4;
	_ =	swait.ge [sflag:s13], $0x4000  }
0x136: {  	s23 =	sshll.u32 s28, $0x6;
	s24 =	sand.u32 $0x1FFFFFF0, s25;
	[sflag:s13] =	ssyncset.done $0x0  }
0x137: {  	s23 =	sand.u32 $0x1FFFFFC0, s23;
	s24 =	sadd.s32 s4, s24;
	[sflag:s13] =	ssyncadd.s32 $0xFFFFC000  }
0x138: {  	[tilespmem:s26], [sflag:$0x2] =	stream.linear.gather [hbm4b:s24+s3], $0x80, $0x38;
	[tilespmem:$0x18700] =	vst v63  }
0x139: {  	s23 =	sadd.s32 s5, s23;
	s28 =	simm.s32 $0x200  }
0x13a: {  	[tilespmem:s28], [sflag:$0x2] =	stream.linear.gather [hbm4b:s23+s3], $0x200, $0x38;
	[tilespmem:$0x18700] =	vst v63  }
.LBB2_7:
0x13b: {  	s23 =	simm.s32 $0x0  }
0x13c: {  	v0 =	vld [tilespmem:s23+$0xC7F0]  }
0x13d: {  	v1 =	vld [tilespmem:s23+$0x147F0]  }
0x13e: {  	v2 =	vld [tilespmem:s23+$0xC700]  }
0x13f: {  	v3 =	vld [tilespmem:s23+$0xC710]  }
0x140: {  	v4 =	vld [tilespmem:s23+$0xC720]  }
0x141: {  	v5 =	vld [tilespmem:s23+$0xC730]  }
0x142: {  	v6 =	vld [tilespmem:s23+$0xC740]  }
0x143: {  	v7 =	vld [tilespmem:s23+$0xC770]  }
0x144: {  	v8 =	vld [tilespmem:s23+$0x14700]  }
0x145: {  	v9 =	vld [tilespmem:s23+$0x14710]  }
0x146: {  	v10 =	vld [tilespmem:s23+$0x14720]  }
0x147: {  	v11 =	vld [tilespmem:s23+$0x14730]  }
0x148: {  	v12 =	vld [tilespmem:s23+$0x14740]  }
0x149: {  	v13 =	vld [tilespmem:s23+$0x14750]  }
0x14a: {  	v14 =	vld [tilespmem:s23+$0x14760]  }
0x14b: {  	v15 =	vld [tilespmem:s23+$0x14770]  }
0x14c: {  	v16 =	vld [tilespmem:s23+$0xC780]  }
0x14d: {  	v17 =	vld [tilespmem:s23+$0xC790]  }
0x14e: {  	v18 =	vld [tilespmem:s23+$0xC7A0]  }
0x14f: {  	v19 =	vld [tilespmem:s23+$0xC7B0]  }
0x150: {  	v20 =	vld [tilespmem:s23+$0xC7C0]  }
0x151: {  	v21 =	vld [tilespmem:s23+$0xC7D0]  }
0x152: {  	v22 =	vld [tilespmem:s23+$0xC7E0]  }
0x153: {  	v59 =	vld [tilespmem:s23+$0x14780]  }
0x154: {  	v23 =	vld [tilespmem:s23+$0x14790]  }
0x155: {  	v60 =	vld [tilespmem:s23+$0x147C0]  }
0x156: {  	v61 =	vld [tilespmem:s23+$0x147D0]  }
0x157: {  	v62 =	vld [tilespmem:s23+$0x147E0];
	v0 =	vadd.f32 v1, v0  }
0x158: {  	v1 =	vld [tilespmem:s23+$0xC750]  }
0x159: {  	v2 =	vadd.f32 v8, v2;
	[tilespmem:s23+$0x47F0] =	vst.add.f32.msk $0xffff, v0  }
0x15a: {  	v0 =	vld [tilespmem:s23+$0xC760]  }
0x15b: {  	v3 =	vadd.f32 v9, v3;
	[tilespmem:s23+$0x4700] =	vst.add.f32.msk $0xffff, v2  }
0x15c: {  	v2 =	vld [tilespmem:s23+$0x147A0]  }
0x15d: {  	v4 =	vadd.f32 v10, v4;
	[tilespmem:s23+$0x4710] =	vst.add.f32.msk $0xffff, v3  }
0x15e: {  	v5 =	vadd.f32 v11, v5;
	v3 =	vld [tilespmem:s23+$0x147B0]  }
0x15f: {  	v6 =	vadd.f32 v12, v6;
	[tilespmem:s23+$0x4720] =	vst.add.f32.msk $0xffff, v4  }
0x160: {  	v63 =	vadd.f32 v15, v7;
	[tilespmem:s23+$0x4730] =	vst.add.f32.msk $0xffff, v5  }
0x161: {  	[tilespmem:s23+$0x4740] =	vst.add.f32.msk $0xffff, v6;
	v1 =	vadd.f32 v13, v1  }
0x162: {  	[tilespmem:s23+$0x4770] =	vst.add.f32.msk $0xffff, v63;
	v0 =	vadd.f32 v14, v0  }
0x163: {  	[tilespmem:s23+$0x4750] =	vst.add.f32.msk $0xffff, v1;
	v1 =	vadd.f32 v59, v16  }
0x164: {  	v2 =	vadd.f32 v2, v18;
	[tilespmem:s23+$0x4760] =	vst.add.f32.msk $0xffff, v0  }
0x165: {  	v0 =	vadd.f32 v23, v17;
	[tilespmem:s23+$0x4780] =	vst.add.f32.msk $0xffff, v1  }
0x166: {  	v1 =	vadd.f32 v3, v19;
	[tilespmem:s23+$0x47A0] =	vst.add.f32.msk $0xffff, v2  }
0x167: {  	[tilespmem:s23+$0x4790] =	vst.add.f32.msk $0xffff, v0;
	v0 =	vadd.f32 v60, v20  }
0x168: {  	v2 =	vadd.f32 v61, v21;
	[tilespmem:s23+$0x47B0] =	vst.add.f32.msk $0xffff, v1  }
0x169: {  	[tilespmem:s23+$0x47C0] =	vst.add.f32.msk $0xffff, v0;
	v0 =	vadd.f32 v62, v22  }
0x16a: {  	s24 =	simm.s32 $0x0;
	s25 =	simm.s32 $0x400;
	[tilespmem:s23+$0x47D0] =	vst.add.f32.msk $0xffff, v2  }
.LBB2_8:
0x16b: {  	[tilespmem:s23+$0x47E0] =	vst.add.f32.msk $0xffff, v0;
	s23 =	sshra.s32 s25, $0x2  }
0x16c: {  	s24 =	sadd.s32 $0x2, s24;
	v0 =	vld [tilespmem:s23+$0xC7F0]  }
0x16d: {  	p0 =	slt.u32 s24, $0x7E;
	v1 =	vld [tilespmem:s23+$0x147F0]  }
0x16e: {  	v2 =	vld [tilespmem:s23+$0xC700]  }
0x16f: {  	v3 =	vld [tilespmem:s23+$0xC710]  }
0x170: {  	v4 =	vld [tilespmem:s23+$0xC720]  }
0x171: {  	v5 =	vld [tilespmem:s23+$0xC730]  }
0x172: {  	v6 =	vld [tilespmem:s23+$0xC740];
	v0 =	vadd.f32 v1, v0  }
0x173: {  	v1 =	vld [tilespmem:s23+$0xC750]  }
0x174: {  	[tilespmem:s23+$0x47F0] =	vst.add.f32.msk $0xffff, v0  }
0x175: {  	v0 =	vld [tilespmem:s23+$0xC760]  }
0x176: {  	v7 =	vld [tilespmem:s23+$0xC770]  }
0x177: {  	v8 =	vld [tilespmem:s23+$0x14700]  }
0x178: {  	v9 =	vld [tilespmem:s23+$0x14710]  }
0x179: {  	v10 =	vld [tilespmem:s23+$0x14720]  }
0x17a: {  	v11 =	vld [tilespmem:s23+$0x14730]  }
0x17b: {  	v12 =	vld [tilespmem:s23+$0x14740]  }
0x17c: {  	v13 =	vld [tilespmem:s23+$0x14750];
	v2 =	vadd.f32 v8, v2  }
0x17d: {  	v8 =	vld [tilespmem:s23+$0x14760];
	v3 =	vadd.f32 v9, v3  }
0x17e: {  	v9 =	vld [tilespmem:s23+$0x14770];
	v4 =	vadd.f32 v10, v4  }
0x17f: {  	v5 =	vadd.f32 v11, v5;
	v10 =	vld [tilespmem:s23+$0xC780]  }
0x180: {  	v6 =	vadd.f32 v12, v6;
	v11 =	vld [tilespmem:s23+$0xC790]  }
0x181: {  	v1 =	vadd.f32 v13, v1;
	v12 =	vld [tilespmem:s23+$0xC7A0]  }
0x182: {  	v8 =	vadd.f32 v8, v0;
	v0 =	vld [tilespmem:s23+$0xC7B0]  }
0x183: {  	v7 =	vadd.f32 v9, v7;
	v9 =	vld [tilespmem:s23+$0xC7C0]  }
0x184: {  	v13 =	vld [tilespmem:s23+$0xC7D0]  }
0x185: {  	v14 =	vld [tilespmem:s23+$0xC7E0]  }
0x186: {  	v15 =	vld [tilespmem:s23+$0x14780]  }
0x187: {  	v16 =	vld [tilespmem:s23+$0x14790]  }
0x188: {  	v17 =	vld [tilespmem:s23+$0x147A0]  }
0x189: {  	v18 =	vld [tilespmem:s23+$0x147B0]  }
0x18a: {  	v19 =	vld [tilespmem:s23+$0x147C0]  }
0x18b: {  	v20 =	vld [tilespmem:s23+$0x147D0];
	v10 =	vadd.f32 v15, v10  }
0x18c: {  	v15 =	vld [tilespmem:s23+$0x147E0];
	v11 =	vadd.f32 v16, v11  }
0x18d: {  	[tilespmem:s23+$0x4700] =	vst.add.f32.msk $0xffff, v2;
	v2 =	vadd.f32 v17, v12  }
0x18e: {  	[tilespmem:s23+$0x4710] =	vst.add.f32.msk $0xffff, v3;
	v3 =	vadd.f32 v18, v0  }
0x18f: {  	[tilespmem:s23+$0x4720] =	vst.add.f32.msk $0xffff, v4;
	v4 =	vadd.f32 v19, v9  }
0x190: {  	[tilespmem:s23+$0x4730] =	vst.add.f32.msk $0xffff, v5;
	v5 =	vadd.f32 v20, v13  }
0x191: {  	[tilespmem:s23+$0x4740] =	vst.add.f32.msk $0xffff, v6;
	v0 =	vadd.f32 v15, v14  }
0x192: {  	[tilespmem:s23+$0x4750] =	vst.add.f32.msk $0xffff, v1  }
0x193: {  	[tilespmem:s23+$0x4760] =	vst.add.f32.msk $0xffff, v8  }
0x194: {  	[tilespmem:s23+$0x4770] =	vst.add.f32.msk $0xffff, v7  }
0x195: {  	[tilespmem:s23+$0x4780] =	vst.add.f32.msk $0xffff, v10  }
.Ltmp3:
0x196: {  	[tilespmem:s23+$0x4790] =	vst.add.f32.msk $0xffff, v11;
	(pc) =	sbr.rel @p0 .LBB2_8-.Ltmp3, $4  }
0x197: {  	[tilespmem:s23+$0x47A0] =	vst.add.f32.msk $0xffff, v2  }
0x198: {  	[tilespmem:s23+$0x47B0] =	vst.add.f32.msk $0xffff, v3  }
0x199: {  	[tilespmem:s23+$0x47C0] =	vst.add.f32.msk $0xffff, v4  }
0x19a: {  	s25 =	sadd.s32 $0x400, s25;
	[tilespmem:s23+$0x47D0] =	vst.add.f32.msk $0xffff, v5  }
0x19b: {  	s17 =	sadd.s32 $0x1, s17  }
0x19c: {  	p0 =	sne.s32 s17, $0x19  }
.Ltmp4:
0x19d: {  	s22 =	sadd.s32 s22, s10;
	(pc) =	sbr.rel @p0 .LBB2_2-.Ltmp4, $4  }
0x19e: {  	s22 =	sshll.u32 s22, $0xB  }
0x19f: {  	s22 =	sand.u32 $0x1FFFF800, s22  }
0x1a0: {  	[tilespmem:s23+$0x47E0] =	vst.add.f32.msk $0xffff, v0;
	s22 =	sadd.s32 s1, s22  }
0x1a1: {  	[hbm4b:s22+s3] =	stream.linear.scatter [tilespmem:s30], [sflag:$0x6], $0x4000, $0x38;
	[tilespmem:$0x18700] =	vst v63  }
0x1a2: {  	_ =	swait.ge [sflag:s14], $0x4000  }
0x1a3: {  	[sflag:s14] =	ssyncset.done $0x0  }
0x1a4: {  	s22 =	simm.s32 $0x6;
	[sflag:s14] =	ssyncadd.s32 $0xFFFFC000  }
0x1a5: {  	_ =	swait.ge [sflag:s22], $0x4000  }
0x1a6: {  	s23 =	rddreg [dreg:$0x8]  }
0x1a7: {  	s17 =	rddreg [dreg:$0x7];
	s23 =	sadd.s32 $0x1, s23  }
0x1a8: {  	p0 =	sne.s32 s23, s17  }
.Ltmp5:
0x1a9: {  	_ = 	snop;
	(pc) =	sbr.rel @p0 .LBB2_1-.Ltmp5, $3  }
0x1aa: {  	_ =	sdelay $0x1  }
0x1ab: {  	[sflag:s22] =	ssyncset.done $0x0  }
0x1ac: {  	[sflag:s22] =	ssyncadd.s32 $0xFFFFC000  }
0x1ad: {  	_ =	sfence.sel $0x180000  }
0x1ae: {  	[bflag:$0x0] =	sbarrier.arrive $0xFFFF  }
0x1af: {  	_ =	strace $0x90000047  }
0x1b0: {  	s0 =	stileid.u32;
	[bflag:$0x2] =	sbarrier.arrive $0xFFFF  }
0x1b1: {  	p0 =	sne.s32 s0, $0x0;
	s0 =	rddreg [dreg:$0x2]  }
0x1b2: {  	s0 =	sadd.s32 @!p0 $0x100000, s0  }
0x1b3: {  	[sflag:s0] =	ssyncadd.tile.s32 @!p0 $0x1;
	_ =	shalt  }
.Lfunc_end2:
_tile_overlayer_lowered:
.L_overlay_start_2:
0x1b4: {  	(tag) =	ssettag $0x2  }
0x1b5: {  	s0 =	rddreg [dreg:$0x0];
	s2 =	stileid.u32  }
0x1b6: {  	s1 =	rddreg [dreg:$0x1];
	p0 =	sne.s32 s2, $0x0  }
0x1b7: {  	s3 =	rddreg [dreg:$0x2];
	[bflag:$0x3] =	sbarrier.arrive $0xFFFF;
	s2 =	simm.s32 @!p0 $0x1C07  }
0x1b8: {  	[timem:s3], [sflag:s2] =	dma.local @!p0 [hbm:s0], s1  }
0x1b9: {  	s0 =	simm.s32 @!p0 $0x7  }
0x1ba: {  	_ =	swait.ge @!p0 [sflag:s0], s1  }
0x1bb: {  	s1 =	ssub.s32 @!p0 $0x0, s1;
	[sflag:s0] =	ssyncset.done @!p0 $0x0  }
0x1bc: {  	[sflag:s0] =	ssyncadd.s32 @!p0 s1  }
0x1bd: {  	[bflag:$0x3] =	sbarrier.arrive $0xFFFF  }
0x1be: {  	_ =	shalt  }

</sc_bundles>
